<compile_context>
chip_gen: v7x
topology: tpu7x:2x2x1
jax: 0.10.2.dev20260603
libtpu: 0.0.44.dev20260713+nightly
codegen_flags: <defaults>
</compile_context>

<pallas_src>
import functools

import jax
import jax.numpy as jnp
import numpy as np
from jax import lax
from jax.experimental import pallas as pl
from jax.experimental.pallas import tpu as pltpu
from jax.experimental.pallas import tpu_sc as plsc

_N = 100000
_NPAD = 100352
_ROWS = 784
_K = 4096
_NROI = 128
_BIG = np.int32(2**30)

_PC_X0 = np.float32(-75.2)
_VOX = np.float32(0.1)
_STRIDE = np.float32(8.0)
_RADIUS = np.float32(1.6)
_H = 188
_W = 188
_C = 256


def _fps_body(xs_ref, ys_ref, zs_ref, rois_ref, kp_ref, bd_ref, bt_ref):
    i32 = jnp.int32
    row_i = lax.broadcasted_iota(i32, (_ROWS, 128), 0)
    col_i = lax.broadcasted_iota(i32, (_ROWS, 128), 1)
    lin = row_i * 128 + col_i
    valid = lin < _N

    xs = xs_ref[...]
    ys = ys_ref[...]
    zs = zs_ref[...]

    bd_ref[...] = jnp.full((_ROWS, 128), jnp.inf, jnp.float32)
    bt_ref[...] = jnp.zeros((_ROWS, 128), jnp.float32)

    def roi_body(j, _):
        r = rois_ref[pl.ds(j, 1), :]
        cx = r[0, 0]
        cy = r[0, 1]
        cz = r[0, 2]
        hx = r[0, 3] / 2.0
        hy = r[0, 4] / 2.0
        hz = r[0, 5] / 2.0
        thr = jnp.sqrt((hx * hx + hy * hy) + hz * hz) + _RADIUS
        dx = xs - cx
        dy = ys - cy
        dz = zs - cz
        dist = jnp.sqrt((dx * dx + dy * dy) + dz * dz)
        bd = bd_ref[...]
        pred = dist < bd
        bt_ref[...] = jnp.where(pred, thr, bt_ref[...])
        bd_ref[...] = jnp.where(pred, dist, bd)
        return 0

    lax.fori_loop(0, _NROI, roi_body, 0)

    mask = (bd_ref[...] < bt_ref[...]) & valid
    first = jnp.min(jnp.where(mask, lin, _BIG))
    first = jnp.where(first == _BIG, 0, first).astype(i32)

    bd_ref[...] = jnp.where(mask, jnp.float32(1e10), jnp.float32(-1.0))

    lane = lax.broadcasted_iota(i32, (1, 128), 1)
    oh0 = (lane == 0).astype(jnp.float32)
    oh1 = (lane == 1).astype(jnp.float32)
    oh2 = (lane == 2).astype(jnp.float32)

    def extract(idx):
        r = idx // 128
        c = idx % 128
        m = (lane == c).astype(jnp.float32)
        px = jnp.sum(xs_ref[pl.ds(r, 1), :] * m)
        py = jnp.sum(ys_ref[pl.ds(r, 1), :] * m)
        pz = jnp.sum(zs_ref[pl.ds(r, 1), :] * m)
        return px, py, pz

    def body(i, last):
        px, py, pz = extract(last)
        kp_ref[pl.ds(i - 1, 1), :] = px * oh0 + py * oh1 + pz * oh2
        dx = xs - px
        dy = ys - py
        dz = zs - pz
        d = (dx * dx + dy * dy) + dz * dz
        md = jnp.minimum(bd_ref[...], d)
        bd_ref[...] = md
        m = jnp.max(md)
        nxt = jnp.min(jnp.where(md == m, lin, _BIG)).astype(i32)
        return nxt

    last = lax.fori_loop(1, _K, body, first)
    px, py, pz = extract(last)
    kp_ref[pl.ds(_K - 1, 1), :] = px * oh0 + py * oh1 + pz * oh2


def _stage1(xs, ys, zs, rois8):
    return pl.pallas_call(
        _fps_body,
        out_shape=jax.ShapeDtypeStruct((_K, 128), jnp.float32),
        scratch_shapes=[
            pltpu.VMEM((_ROWS, 128), jnp.float32),
            pltpu.VMEM((_ROWS, 128), jnp.float32),
        ],
    )(xs, ys, zs, rois8)


def _sc_body(kpx_hbm, kpy_hbm, table_hbm, out4_hbm, w4_hbm,
             kpx_v, kpy_v, ia_v, ib_v, ic_v, id_v,
             wa_v, wb_v, wc_v, wd_v, buf0, buf1, sem0, sem1):
    i32 = jnp.int32
    f32 = jnp.float32
    wid = lax.axis_index("s") * 2 + lax.axis_index("c")
    base = wid * 128
    pltpu.sync_copy(kpx_hbm.at[pl.ds(base, 128)], kpx_v)
    pltpu.sync_copy(kpy_hbm.at[pl.ds(base, 128)], kpy_v)

    def _floor(v):
        t = v.astype(i32)
        return t - jnp.where(t.astype(f32) > v, 1, 0)

    for c in range(8):
        sl = pl.ds(c * 16, 16)
        x = kpx_v[sl]
        y = kpy_v[sl]
        xi = (x - _PC_X0) / _VOX / _STRIDE
        yi = (y - _PC_X0) / _VOX / _STRIDE
        x0i = _floor(xi)
        y0i = _floor(yi)
        x0f = x0i.astype(f32)
        y0f = y0i.astype(f32)
        x1f = x0f + 1.0
        y1f = y0f + 1.0
        x0 = jnp.clip(x0i, 0, _W - 1)
        x1 = jnp.clip(x0i + 1, 0, _W - 1)
        y0 = jnp.clip(y0i, 0, _H - 1)
        y1 = jnp.clip(y0i + 1, 0, _H - 1)
        ia_v[sl] = y0 * _W + x0
        ib_v[sl] = y1 * _W + x0
        ic_v[sl] = y0 * _W + x1
        id_v[sl] = y1 * _W + x1
        wa_v[sl] = (x1f - xi) * (y1f - yi)
        wb_v[sl] = (x1f - xi) * (yi - y0f)
        wc_v[sl] = (xi - x0f) * (y1f - yi)
        wd_v[sl] = (xi - x0f) * (yi - y0f)

    pltpu.sync_copy(wa_v, w4_hbm.at[0, pl.ds(base, 128)])
    pltpu.sync_copy(wb_v, w4_hbm.at[1, pl.ds(base, 128)])
    pltpu.sync_copy(wc_v, w4_hbm.at[2, pl.ds(base, 128)])
    pltpu.sync_copy(wd_v, w4_hbm.at[3, pl.ds(base, 128)])

    idxs = (ia_v, ib_v, ic_v, id_v)
    bufs = (buf0, buf1)
    sems = (sem0, sem1)
    pending = pltpu.async_copy(table_hbm.at[ia_v], buf0, sem0)
    for c in range(4):
        nxt = None
        if c < 3:
            nxt = pltpu.async_copy(
                table_hbm.at[idxs[c + 1]], bufs[(c + 1) % 2], sems[(c + 1) % 2])
        pending.wait()
        pltpu.sync_copy(bufs[c % 2], out4_hbm.at[c, pl.ds(base, 128)])
        pending = nxt


def _stage2(kpx, kpy, table):
    mesh = plsc.VectorSubcoreMesh(core_axis_name="c", subcore_axis_name="s")
    f = functools.partial(
        pl.kernel,
        mesh=mesh,
        out_type=[
            jax.ShapeDtypeStruct((4, _K, _C), jnp.float32),
            jax.ShapeDtypeStruct((4, _K), jnp.float32),
        ],
        scratch_types=[
            pltpu.VMEM((128,), jnp.float32),
            pltpu.VMEM((128,), jnp.float32),
            pltpu.VMEM((128,), jnp.int32),
            pltpu.VMEM((128,), jnp.int32),
            pltpu.VMEM((128,), jnp.int32),
            pltpu.VMEM((128,), jnp.int32),
            pltpu.VMEM((128,), jnp.float32),
            pltpu.VMEM((128,), jnp.float32),
            pltpu.VMEM((128,), jnp.float32),
            pltpu.VMEM((128,), jnp.float32),
            pltpu.VMEM((128, _C), jnp.float32),
            pltpu.VMEM((128, _C), jnp.float32),
            pltpu.SemaphoreType.DMA,
            pltpu.SemaphoreType.DMA,
        ],
    )(_sc_body)
    return f(kpx, kpy, table)


def _comb_body(x_ref, w_ref, o_ref):
    a = x_ref[0] * w_ref[0]
    b = x_ref[1] * w_ref[1]
    c = x_ref[2] * w_ref[2]
    d = x_ref[3] * w_ref[3]
    o_ref[...] = ((a + b) + c) + d


def _combine(out4, w4):
    r = 1024
    return pl.pallas_call(
        _comb_body,
        grid=(_K // r,),
        in_specs=[
            pl.BlockSpec((4, r, _C), lambda i: (0, i, 0)),
            pl.BlockSpec((4, r, 1), lambda i: (0, i, 0)),
        ],
        out_specs=pl.BlockSpec((r, _C), lambda i: (i, 0)),
        out_shape=jax.ShapeDtypeStruct((_K, _C), jnp.float32),
    )(out4, w4.reshape(4, _K, 1))


def kernel(points, rois, bev_features):
    pad = jnp.zeros((_NPAD - _N, 3), jnp.float32)
    pp = jnp.concatenate([points, pad], axis=0)
    xs = pp[:, 0].reshape(_ROWS, 128)
    ys = pp[:, 1].reshape(_ROWS, 128)
    zs = pp[:, 2].reshape(_ROWS, 128)
    rois8 = jnp.pad(rois, ((0, 0), (0, 1)))
    kp = _stage1(xs, ys, zs, rois8)
    table = jnp.transpose(bev_features, (1, 2, 0)).reshape(_H * _W, _C)
    out4, w4 = _stage2(kp[:, 0], kp[:, 1], table)
    bev_feats = _combine(out4, w4)
    return jnp.concatenate([kp[:, :3], bev_feats], axis=1)

# --- scband reference (transcript-rebuilt; emitter-appended) ---
"""Pipeline reference for scband-pvrcnnplus-plus-voxel-set-abstraction-730144440352 (READ-ONLY COPY).

The authoritative reference and input builder live on the scoring server;
editing this copy changes nothing except your own understanding.
"""

import jax, jax.numpy as jnp
import numpy as np

VOXEL_SIZE = np.array([0.1, 0.1, 0.15], dtype=np.float32)
PC_RANGE = np.array([-75.2, -75.2, -2.0, 75.2, 75.2, 4.0], dtype=np.float32)
NUM_KEYPOINTS = 4096
SAMPLE_RADIUS_WITH_ROI = 1.6
BEV_STRIDE = 8


def setup_inputs(seed: int = 0):
    key = jax.random.key(seed)
    k1, k2, k3, k4, k5 = jax.random.split(key, 5)
    points = jax.random.normal(k1, (100000, 3), dtype=jnp.float32) * 30.0
    roi_centers = jax.random.normal(k2, (128, 3), dtype=jnp.float32) * 30.0
    roi_sizes = jax.random.uniform(k3, (128, 3), dtype=jnp.float32) * 4.0 + 1.0
    roi_heading = jax.random.uniform(k4, (128, 1), dtype=jnp.float32) * 6.28
    rois = jnp.concatenate([roi_centers, roi_sizes, roi_heading], axis=1)
    bev_features = jax.random.normal(k5, (256, 188, 188), dtype=jnp.float32)
    return {"points": points, "rois": rois, "bev_features": bev_features}


def _point_mask_with_roi(points, rois, radius):
    # distance from every point to every roi center, keep points near any roi
    dist = jnp.linalg.norm(points[:, None, :] - rois[None, :, 0:3], axis=-1)
    min_dis = jnp.min(dist, axis=-1)
    min_idx = jnp.argmin(dist, axis=-1)
    roi_max_dim = jnp.linalg.norm(rois[min_idx, 3:6] / 2.0, axis=-1)
    return min_dis < roi_max_dim + radius


def _masked_fps(points, mask, num_samples):
    # farthest point sampling restricted to masked (ROI-proximal) points;
    # fixed-shape stand-in for the CUDA stack_farthest_point_sample / sector FPS
    init_dist = jnp.where(mask, 1e10, -1.0)
    first = jnp.argmax(mask).astype(jnp.int32)
    idxs0 = jnp.zeros((num_samples,), dtype=jnp.int32).at[0].set(first)

    def body(i, carry):
        min_dist, idxs, last = carry
        d = jnp.sum((points - points[last]) ** 2, axis=-1)
        min_dist = jnp.where(mask, jnp.minimum(min_dist, d), -1.0)
        nxt = jnp.argmax(min_dist).astype(jnp.int32)
        idxs = idxs.at[i].set(nxt)
        return (min_dist, idxs, nxt)

    _, idxs, _ = jax.lax.fori_loop(1, num_samples, body, (init_dist, idxs0, first))
    return idxs


def _bilinear_interpolate(im, x, y):
    # im: [H, W, C]; faithful port of bilinear_interpolate_torch
    x0f = jnp.floor(x)
    y0f = jnp.floor(y)
    x1f = x0f + 1.0
    y1f = y0f + 1.0
    x0 = jnp.clip(x0f.astype(jnp.int32), 0, im.shape[1] - 1)
    x1 = jnp.clip(x1f.astype(jnp.int32), 0, im.shape[1] - 1)
    y0 = jnp.clip(y0f.astype(jnp.int32), 0, im.shape[0] - 1)
    y1 = jnp.clip(y1f.astype(jnp.int32), 0, im.shape[0] - 1)
    Ia = im[y0, x0]
    Ib = im[y1, x0]
    Ic = im[y0, x1]
    Id = im[y1, x1]
    wa = (x1f - x) * (y1f - y)
    wb = (x1f - x) * (y - y0f)
    wc = (x - x0f) * (y1f - y)
    wd = (x - x0f) * (y - y0f)
    return Ia * wa[:, None] + Ib * wb[:, None] + Ic * wc[:, None] + Id * wd[:, None]


def reference(points, rois, bev_features):
    mask = _point_mask_with_roi(points, rois, SAMPLE_RADIUS_WITH_ROI)
    idxs = _masked_fps(points, mask, NUM_KEYPOINTS)
    keypoints = points[idxs]
    x_idxs = (keypoints[:, 0] - PC_RANGE[0]) / VOXEL_SIZE[0] / BEV_STRIDE
    y_idxs = (keypoints[:, 1] - PC_RANGE[1]) / VOXEL_SIZE[1] / BEV_STRIDE
    im = jnp.transpose(bev_features, (1, 2, 0))
    bev_feats = _bilinear_interpolate(im, x_idxs, y_idxs)
    return jnp.concatenate([keypoints, bev_feats], axis=1)

if __name__ == "__main__":
    import jax
    _d = setup_inputs()
    print(jax.jit(kernel)(*tuple(_d.values())))

</pallas_src>

<mosaic_0001>
#map = affine_map<(d0, d1) -> (0)>
#map1 = affine_map<(d0, d1) -> (0, 0)>
#map2 = affine_map<(d0, d1) -> (0, 0, 0)>
module attributes {stable_mosaic.version = 14 : i64} {
  func.func @_sc_body(%arg0: i32, %arg1: i32, %arg2: memref<4096xf32, #tpu.memory_space<hbm>>, %arg3: memref<4096xf32, #tpu.memory_space<hbm>>, %arg4: memref<35344x256xf32, #tpu.memory_space<hbm>>, %arg5: memref<4x4096x256xf32, #tpu.memory_space<hbm>>, %arg6: memref<4x4096xf32, #tpu.memory_space<hbm>>, %arg7: memref<128xf32, #tpu.memory_space<vmem>>, %arg8: memref<128xf32, #tpu.memory_space<vmem>>, %arg9: memref<128xi32, #tpu.memory_space<vmem>>, %arg10: memref<128xi32, #tpu.memory_space<vmem>>, %arg11: memref<128xi32, #tpu.memory_space<vmem>>, %arg12: memref<128xi32, #tpu.memory_space<vmem>>, %arg13: memref<128xf32, #tpu.memory_space<vmem>>, %arg14: memref<128xf32, #tpu.memory_space<vmem>>, %arg15: memref<128xf32, #tpu.memory_space<vmem>>, %arg16: memref<128xf32, #tpu.memory_space<vmem>>, %arg17: memref<128x256xf32, #tpu.memory_space<vmem>>, %arg18: memref<128x256xf32, #tpu.memory_space<vmem>>, %arg19: memref<!tpu.dma_semaphore, #tpu.memory_space<semaphore_mem>>, %arg20: memref<!tpu.dma_semaphore, #tpu.memory_space<semaphore_mem>>) attributes {dimension_semantics = [#tpu.dimension_semantics<core_parallel>, #tpu.dimension_semantics<subcore_parallel>], iteration_bounds = array<i64: 2, 16>, scalar_prefetch = 0 : i64, scratch_operands = 14 : i64, tpu.core_type = #tpu.core_type<sc_vector_subcore>, window_params = [{transform_indices = #map}, {transform_indices = #map}, {transform_indices = #map1}, {transform_indices = #map2}, {transform_indices = #map1}]} {
    %mul3A = arith.constant 2 : i32
    %mul3A_0 = arith.muli %arg1, %mul3A : i32
    %add3A = arith.addi %mul3A_0, %arg0 : i32
    %mul3A_1 = arith.constant 128 : i32
    %mul3A_2 = arith.muli %add3A, %mul3A_1 : i32
    "tpu.region"() ({
      %run_scoped3A_1141 = tpu.sem_alloc : memref<!tpu.dma_semaphore, #tpu.memory_space<semaphore_mem>>
      %dma_start3A_1142 = tpu.memref_slice %arg2[%mul3A_2] : memref<4096xf32, #tpu.memory_space<hbm>> -> memref<128xf32, #tpu.memory_space<hbm>>
      %dma_start3A_1143 = tpu.memref_slice %arg2[%mul3A_2] : memref<4096xf32, #tpu.memory_space<hbm>> -> memref<128xf32, #tpu.memory_space<hbm>>
      tpu.enqueue_dma source(%dma_start3A_1143 : memref<128xf32, #tpu.memory_space<hbm>>) target(%arg7 : memref<128xf32, #tpu.memory_space<vmem>>) target_semaphore(%run_scoped3A_1141 : memref<!tpu.dma_semaphore, #tpu.memory_space<semaphore_mem>>)
      %dma_wait3A_1144 = tpu.memref_slice %arg2[%mul3A_2] : memref<4096xf32, #tpu.memory_space<hbm>> -> memref<128xf32, #tpu.memory_space<hbm>>
      %dma_wait3A_1145 = tpu.memref_slice %arg2[%mul3A_2] : memref<4096xf32, #tpu.memory_space<hbm>> -> memref<128xf32, #tpu.memory_space<hbm>>
      tpu.wait_dma2 semaphore(%run_scoped3A_1141 : memref<!tpu.dma_semaphore, #tpu.memory_space<semaphore_mem>>) src(%dma_wait3A_1145 : memref<128xf32, #tpu.memory_space<hbm>>) dst(%arg7 : memref<128xf32, #tpu.memory_space<vmem>>)
      tpu.yield
    }) : () -> ()
    "tpu.region"() ({
      %run_scoped3A_1141 = tpu.sem_alloc : memref<!tpu.dma_semaphore, #tpu.memory_space<semaphore_mem>>
      %dma_start3A_1142 = tpu.memref_slice %arg3[%mul3A_2] : memref<4096xf32, #tpu.memory_space<hbm>> -> memref<128xf32, #tpu.memory_space<hbm>>
      %dma_start3A_1143 = tpu.memref_slice %arg3[%mul3A_2] : memref<4096xf32, #tpu.memory_space<hbm>> -> memref<128xf32, #tpu.memory_space<hbm>>
      tpu.enqueue_dma source(%dma_start3A_1143 : memref<128xf32, #tpu.memory_space<hbm>>) target(%arg8 : memref<128xf32, #tpu.memory_space<vmem>>) target_semaphore(%run_scoped3A_1141 : memref<!tpu.dma_semaphore, #tpu.memory_space<semaphore_mem>>)
      %dma_wait3A_1144 = tpu.memref_slice %arg3[%mul3A_2] : memref<4096xf32, #tpu.memory_space<hbm>> -> memref<128xf32, #tpu.memory_space<hbm>>
      %dma_wait3A_1145 = tpu.memref_slice %arg3[%mul3A_2] : memref<4096xf32, #tpu.memory_space<hbm>> -> memref<128xf32, #tpu.memory_space<hbm>>
      tpu.wait_dma2 semaphore(%run_scoped3A_1141 : memref<!tpu.dma_semaphore, #tpu.memory_space<semaphore_mem>>) src(%dma_wait3A_1145 : memref<128xf32, #tpu.memory_space<hbm>>) dst(%arg8 : memref<128xf32, #tpu.memory_space<vmem>>)
      tpu.yield
    }) : () -> ()
    %get3A = arith.constant 0 : index
    %get3A_3 = tpu.vector_load %arg7[%get3A] {strides = array<i32>} : memref<128xf32, #tpu.memory_space<vmem>>, vector<16xf32>,
    %get3A_4 = vector.shape_cast %get3A_3 : vector<16xf32> to vector<16xf32>
    %get3A_5 = arith.constant 0 : index
    %get3A_6 = tpu.vector_load %arg8[%get3A_5] {strides = array<i32>} : memref<128xf32, #tpu.memory_space<vmem>>, vector<16xf32>,
    %get3A_7 = vector.shape_cast %get3A_6 : vector<16xf32> to vector<16xf32>
    %sub3A = arith.constant -75.1999969 : f32
    %sub3A_8 = vector.broadcast %sub3A : f32 to vector<16xf32>
    %sub3A_9 = arith.subf %get3A_4, %sub3A_8 : vector<16xf32>
    %div3A = arith.constant 1.000000e-01 : f32
    %div3A_10 = vector.broadcast %div3A : f32 to vector<16xf32>
    %div3A_11 = arith.divf %sub3A_9, %div3A_10 : vector<16xf32>
    %div3A_12 = arith.constant 8.000000e+00 : f32
    %div3A_13 = vector.broadcast %div3A_12 : f32 to vector<16xf32>
    %div3A_14 = arith.divf %div3A_11, %div3A_13 : vector<16xf32>
    %sub3A_15 = arith.constant -75.1999969 : f32
    %sub3A_16 = vector.broadcast %sub3A_15 : f32 to vector<16xf32>
    %sub3A_17 = arith.subf %get3A_7, %sub3A_16 : vector<16xf32>
    %div3A_18 = arith.constant 1.000000e-01 : f32
    %div3A_19 = vector.broadcast %div3A_18 : f32 to vector<16xf32>
    %div3A_20 = arith.divf %sub3A_17, %div3A_19 : vector<16xf32>
    %div3A_21 = arith.constant 8.000000e+00 : f32
    %div3A_22 = vector.broadcast %div3A_21 : f32 to vector<16xf32>
    %div3A_23 = arith.divf %div3A_20, %div3A_22 : vector<16xf32>
    %convert_element_type3A = arith.fptosi %div3A_14 : vector<16xf32> to vector<16xi32>
    %convert_element_type3A_24 = arith.sitofp %convert_element_type3A : vector<16xi32> to vector<16xf32>
    %gt3A = arith.cmpf ogt, %convert_element_type3A_24, %div3A_14 : vector<16xf32>
    %jit3A = arith.constant 1 : i32
    %jit3A_25 = arith.constant 0 : i32
    %broadcast_in_dim3A = vector.broadcast %jit3A : i32 to vector<16xi32>
    %broadcast_in_dim3A_26 = vector.broadcast %jit3A_25 : i32 to vector<16xi32>
    %select_n3A = arith.select %gt3A, %broadcast_in_dim3A, %broadcast_in_dim3A_26 : vector<16xi1>, vector<16xi32>
    %sub3A_27 = arith.subi %convert_element_type3A, %select_n3A : vector<16xi32>
    %convert_element_type3A_28 = arith.fptosi %div3A_23 : vector<16xf32> to vector<16xi32>
    %convert_element_type3A_29 = arith.sitofp %convert_element_type3A_28 : vector<16xi32> to vector<16xf32>
    %gt3A_30 = arith.cmpf ogt, %convert_element_type3A_29, %div3A_23 : vector<16xf32>
    %jit3A_31 = arith.constant 1 : i32
    %jit3A_32 = arith.constant 0 : i32
    %broadcast_in_dim3A_33 = vector.broadcast %jit3A_31 : i32 to vector<16xi32>
    %broadcast_in_dim3A_34 = vector.broadcast %jit3A_32 : i32 to vector<16xi32>
    %select_n3A_35 = arith.select %gt3A_30, %broadcast_in_dim3A_33, %broadcast_in_dim3A_34 : vector<16xi1>, vector<16xi32>
    %sub3A_36 = arith.subi %convert_element_type3A_28, %select_n3A_35 : vector<16xi32>
    %convert_element_type3A_37 = arith.sitofp %sub3A_27 : vector<16xi32> to vector<16xf32>
    %convert_element_type3A_38 = arith.sitofp %sub3A_36 : vector<16xi32> to vector<16xf32>
    %add3A_39 = arith.constant 1.000000e+00 : f32
    %add3A_40 = vector.broadcast %add3A_39 : f32 to vector<16xf32>
    %add3A_41 = arith.addf %convert_element_type3A_37, %add3A_40 : vector<16xf32>
    %add3A_42 = arith.constant 1.000000e+00 : f32
    %add3A_43 = vector.broadcast %add3A_42 : f32 to vector<16xf32>
    %add3A_44 = arith.addf %convert_element_type3A_38, %add3A_43 : vector<16xf32>
    %jit3A_45 = arith.constant 0 : i32
    %jit3A_46 = arith.constant 187 : i32
    %max3A = vector.broadcast %jit3A_45 : i32 to vector<16xi32>
    %max3A_47 = arith.maxsi %max3A, %sub3A_27 : vector<16xi32>
    %min3A = vector.broadcast %jit3A_46 : i32 to vector<16xi32>
    %min3A_48 = arith.minsi %min3A, %max3A_47 : vector<16xi32>
    %add3A_49 = arith.constant 1 : i32
    %add3A_50 = vector.broadcast %add3A_49 : i32 to vector<16xi32>
    %add3A_51 = arith.addi %sub3A_27, %add3A_50 : vector<16xi32>
    %jit3A_52 = arith.constant 0 : i32
    %jit3A_53 = arith.constant 187 : i32
    %max3A_54 = vector.broadcast %jit3A_52 : i32 to vector<16xi32>
    %max3A_55 = arith.maxsi %max3A_54, %add3A_51 : vector<16xi32>
    %min3A_56 = vector.broadcast %jit3A_53 : i32 to vector<16xi32>
    %min3A_57 = arith.minsi %min3A_56, %max3A_55 : vector<16xi32>
    %jit3A_58 = arith.constant 0 : i32
    %jit3A_59 = arith.constant 187 : i32
    %max3A_60 = vector.broadcast %jit3A_58 : i32 to vector<16xi32>
    %max3A_61 = arith.maxsi %max3A_60, %sub3A_36 : vector<16xi32>
    %min3A_62 = vector.broadcast %jit3A_59 : i32 to vector<16xi32>
    %min3A_63 = arith.minsi %min3A_62, %max3A_61 : vector<16xi32>
    %add3A_64 = arith.constant 1 : i32
    %add3A_65 = vector.broadcast %add3A_64 : i32 to vector<16xi32>
    %add3A_66 = arith.addi %sub3A_36, %add3A_65 : vector<16xi32>
    %jit3A_67 = arith.constant 0 : i32
    %jit3A_68 = arith.constant 187 : i32
    %max3A_69 = vector.broadcast %jit3A_67 : i32 to vector<16xi32>
    %max3A_70 = arith.maxsi %max3A_69, %add3A_66 : vector<16xi32>
    %min3A_71 = vector.broadcast %jit3A_68 : i32 to vector<16xi32>
    %min3A_72 = arith.minsi %min3A_71, %max3A_70 : vector<16xi32>
    %mul3A_73 = arith.constant 188 : i32
    %mul3A_74 = vector.broadcast %mul3A_73 : i32 to vector<16xi32>
    %mul3A_75 = arith.muli %min3A_63, %mul3A_74 : vector<16xi32>
    %add3A_76 = arith.addi %mul3A_75, %min3A_48 : vector<16xi32>
    %swap3A = arith.constant 0 : index
    %swap3A_77 = tpu.vector_load %arg9[%swap3A] {strides = array<i32>} : memref<128xi32, #tpu.memory_space<vmem>>, vector<16xi32>,
    %swap3A_78 = vector.shape_cast %swap3A_77 : vector<16xi32> to vector<16xi32>
    %swap3A_79 = vector.shape_cast %add3A_76 : vector<16xi32> to vector<16xi32>
    tpu.vector_store %arg9[%swap3A], %swap3A_79 {strides = array<i32>} : memref<128xi32, #tpu.memory_space<vmem>>, vector<16xi32>,
    %mul3A_80 = arith.constant 188 : i32
    %mul3A_81 = vector.broadcast %mul3A_80 : i32 to vector<16xi32>
    %mul3A_82 = arith.muli %min3A_72, %mul3A_81 : vector<16xi32>
    %add3A_83 = arith.addi %mul3A_82, %min3A_48 : vector<16xi32>
    %swap3A_84 = arith.constant 0 : index
    %swap3A_85 = tpu.vector_load %arg10[%swap3A_84] {strides = array<i32>} : memref<128xi32, #tpu.memory_space<vmem>>, vector<16xi32>,
    %swap3A_86 = vector.shape_cast %swap3A_85 : vector<16xi32> to vector<16xi32>
    %swap3A_87 = vector.shape_cast %add3A_83 : vector<16xi32> to vector<16xi32>
    tpu.vector_store %arg10[%swap3A_84], %swap3A_87 {strides = array<i32>} : memref<128xi32, #tpu.memory_space<vmem>>, vector<16xi32>,
    %mul3A_88 = arith.constant 188 : i32
    %mul3A_89 = vector.broadcast %mul3A_88 : i32 to vector<16xi32>
    %mul3A_90 = arith.muli %min3A_63, %mul3A_89 : vector<16xi32>
    %add3A_91 = arith.addi %mul3A_90, %min3A_57 : vector<16xi32>
    %swap3A_92 = arith.constant 0 : index
    %swap3A_93 = tpu.vector_load %arg11[%swap3A_92] {strides = array<i32>} : memref<128xi32, #tpu.memory_space<vmem>>, vector<16xi32>,
    %swap3A_94 = vector.shape_cast %swap3A_93 : vector<16xi32> to vector<16xi32>
    %swap3A_95 = vector.shape_cast %add3A_91 : vector<16xi32> to vector<16xi32>
    tpu.vector_store %arg11[%swap3A_92], %swap3A_95 {strides = array<i32>} : memref<128xi32, #tpu.memory_space<vmem>>, vector<16xi32>,
    %mul3A_96 = arith.constant 188 : i32
    %mul3A_97 = vector.broadcast %mul3A_96 : i32 to vector<16xi32>
    %mul3A_98 = arith.muli %min3A_72, %mul3A_97 : vector<16xi32>
    %add3A_99 = arith.addi %mul3A_98, %min3A_57 : vector<16xi32>
    %swap3A_100 = arith.constant 0 : index
    %swap3A_101 = tpu.vector_load %arg12[%swap3A_100] {strides = array<i32>} : memref<128xi32, #tpu.memory_space<vmem>>, vector<16xi32>,
    %swap3A_102 = vector.shape_cast %swap3A_101 : vector<16xi32> to vector<16xi32>
    %swap3A_103 = vector.shape_cast %add3A_99 : vector<16xi32> to vector<16xi32>
    tpu.vector_store %arg12[%swap3A_100], %swap3A_103 {strides = array<i32>} : memref<128xi32, #tpu.memory_space<vmem>>, vector<16xi32>,
    %sub3A_104 = arith.subf %add3A_41, %div3A_14 : vector<16xf32>
    %sub3A_105 = arith.subf %add3A_44, %div3A_23 : vector<16xf32>
    %mul3A_106 = arith.mulf %sub3A_104, %sub3A_105 : vector<16xf32>
    %swap3A_107 = arith.constant 0 : index
    %swap3A_108 = tpu.vector_load %arg13[%swap3A_107] {strides = array<i32>} : memref<128xf32, #tpu.memory_space<vmem>>, vector<16xf32>,
    %swap3A_109 = vector.shape_cast %swap3A_108 : vector<16xf32> to vector<16xf32>
    %swap3A_110 = vector.shape_cast %mul3A_106 : vector<16xf32> to vector<16xf32>
    tpu.vector_store %arg13[%swap3A_107], %swap3A_110 {strides = array<i32>} : memref<128xf32, #tpu.memory_space<vmem>>, vector<16xf32>,
    %sub3A_111 = arith.subf %add3A_41, %div3A_14 : vector<16xf32>
    %sub3A_112 = arith.subf %div3A_23, %convert_element_type3A_38 : vector<16xf32>
    %mul3A_113 = arith.mulf %sub3A_111, %sub3A_112 : vector<16xf32>
    %swap3A_114 = arith.constant 0 : index
    %swap3A_115 = tpu.vector_load %arg14[%swap3A_114] {strides = array<i32>} : memref<128xf32, #tpu.memory_space<vmem>>, vector<16xf32>,
    %swap3A_116 = vector.shape_cast %swap3A_115 : vector<16xf32> to vector<16xf32>
    %swap3A_117 = vector.shape_cast %mul3A_113 : vector<16xf32> to vector<16xf32>
    tpu.vector_store %arg14[%swap3A_114], %swap3A_117 {strides = array<i32>} : memref<128xf32, #tpu.memory_space<vmem>>, vector<16xf32>,
    %sub3A_118 = arith.subf %div3A_14, %convert_element_type3A_37 : vector<16xf32>
    %sub3A_119 = arith.subf %add3A_44, %div3A_23 : vector<16xf32>
    %mul3A_120 = arith.mulf %sub3A_118, %sub3A_119 : vector<16xf32>
    %swap3A_121 = arith.constant 0 : index
    %swap3A_122 = tpu.vector_load %arg15[%swap3A_121] {strides = array<i32>} : memref<128xf32, #tpu.memory_space<vmem>>, vector<16xf32>,
    %swap3A_123 = vector.shape_cast %swap3A_122 : vector<16xf32> to vector<16xf32>
    %swap3A_124 = vector.shape_cast %mul3A_120 : vector<16xf32> to vector<16xf32>
    tpu.vector_store %arg15[%swap3A_121], %swap3A_124 {strides = array<i32>} : memref<128xf32, #tpu.memory_space<vmem>>, vector<16xf32>,
    %sub3A_125 = arith.subf %div3A_14, %convert_element_type3A_37 : vector<16xf32>
    %sub3A_126 = arith.subf %div3A_23, %convert_element_type3A_38 : vector<16xf32>
    %mul3A_127 = arith.mulf %sub3A_125, %sub3A_126 : vector<16xf32>
    %swap3A_128 = arith.constant 0 : index
    %swap3A_129 = tpu.vector_load %arg16[%swap3A_128] {strides = array<i32>} : memref<128xf32, #tpu.memory_space<vmem>>, vector<16xf32>,
    %swap3A_130 = vector.shape_cast %swap3A_129 : vector<16xf32> to vector<16xf32>
    %swap3A_131 = vector.shape_cast %mul3A_127 : vector<16xf32> to vector<16xf32>
    tpu.vector_store %arg16[%swap3A_128], %swap3A_131 {strides = array<i32>} : memref<128xf32, #tpu.memory_space<vmem>>, vector<16xf32>,
    %get3A_132 = arith.constant 16 : index
    %get3A_133 = tpu.vector_load %arg7[%get3A_132] {strides = array<i32>} : memref<128xf32, #tpu.memory_space<vmem>>, vector<16xf32>,
    %get3A_134 = vector.shape_cast %get3A_133 : vector<16xf32> to vector<16xf32>
    %get3A_135 = arith.constant 16 : index
    %get3A_136 = tpu.vector_load %arg8[%get3A_135] {strides = array<i32>} : memref<128xf32, #tpu.memory_space<vmem>>, vector<16xf32>,
    %get3A_137 = vector.shape_cast %get3A_136 : vector<16xf32> to vector<16xf32>
    %sub3A_138 = arith.constant -75.1999969 : f32
    %sub3A_139 = vector.broadcast %sub3A_138 : f32 to vector<16xf32>
    %sub3A_140 = arith.subf %get3A_134, %sub3A_139 : vector<16xf32>
    %div3A_141 = arith.constant 1.000000e-01 : f32
    %div3A_142 = vector.broadcast %div3A_141 : f32 to vector<16xf32>
    %div3A_143 = arith.divf %sub3A_140, %div3A_142 : vector<16xf32>
    %div3A_144 = arith.constant 8.000000e+00 : f32
    %div3A_145 = vector.broadcast %div3A_144 : f32 to vector<16xf32>
    %div3A_146 = arith.divf %div3A_143, %div3A_145 : vector<16xf32>
    %sub3A_147 = arith.constant -75.1999969 : f32
    %sub3A_148 = vector.broadcast %sub3A_147 : f32 to vector<16xf32>
    %sub3A_149 = arith.subf %get3A_137, %sub3A_148 : vector<16xf32>
    %div3A_150 = arith.constant 1.000000e-01 : f32
    %div3A_151 = vector.broadcast %div3A_150 : f32 to vector<16xf32>
    %div3A_152 = arith.divf %sub3A_149, %div3A_151 : vector<16xf32>
    %div3A_153 = arith.constant 8.000000e+00 : f32
    %div3A_154 = vector.broadcast %div3A_153 : f32 to vector<16xf32>
    %div3A_155 = arith.divf %div3A_152, %div3A_154 : vector<16xf32>
    %convert_element_type3A_156 = arith.fptosi %div3A_146 : vector<16xf32> to vector<16xi32>
    %convert_element_type3A_157 = arith.sitofp %convert_element_type3A_156 : vector<16xi32> to vector<16xf32>
    %gt3A_158 = arith.cmpf ogt, %convert_element_type3A_157, %div3A_146 : vector<16xf32>
    %jit3A_159 = arith.constant 1 : i32
    %jit3A_160 = arith.constant 0 : i32
    %broadcast_in_dim3A_161 = vector.broadcast %jit3A_159 : i32 to vector<16xi32>
    %broadcast_in_dim3A_162 = vector.broadcast %jit3A_160 : i32 to vector<16xi32>
    %select_n3A_163 = arith.select %gt3A_158, %broadcast_in_dim3A_161, %broadcast_in_dim3A_162 : vector<16xi1>, vector<16xi32>
    %sub3A_164 = arith.subi %convert_element_type3A_156, %select_n3A_163 : vector<16xi32>
    %convert_element_type3A_165 = arith.fptosi %div3A_155 : vector<16xf32> to vector<16xi32>
    %convert_element_type3A_166 = arith.sitofp %convert_element_type3A_165 : vector<16xi32> to vector<16xf32>
    %gt3A_167 = arith.cmpf ogt, %convert_element_type3A_166, %div3A_155 : vector<16xf32>
    %jit3A_168 = arith.constant 1 : i32
    %jit3A_169 = arith.constant 0 : i32
    %broadcast_in_dim3A_170 = vector.broadcast %jit3A_168 : i32 to vector<16xi32>
    %broadcast_in_dim3A_171 = vector.broadcast %jit3A_169 : i32 to vector<16xi32>
    %select_n3A_172 = arith.select %gt3A_167, %broadcast_in_dim3A_170, %broadcast_in_dim3A_171 : vector<16xi1>, vector<16xi32>
    %sub3A_173 = arith.subi %convert_element_type3A_165, %select_n3A_172 : vector<16xi32>
    %convert_element_type3A_174 = arith.sitofp %sub3A_164 : vector<16xi32> to vector<16xf32>
    %convert_element_type3A_175 = arith.sitofp %sub3A_173 : vector<16xi32> to vector<16xf32>
    %add3A_176 = arith.constant 1.000000e+00 : f32
    %add3A_177 = vector.broadcast %add3A_176 : f32 to vector<16xf32>
    %add3A_178 = arith.addf %convert_element_type3A_174, %add3A_177 : vector<16xf32>
    %add3A_179 = arith.constant 1.000000e+00 : f32
    %add3A_180 = vector.broadcast %add3A_179 : f32 to vector<16xf32>
    %add3A_181 = arith.addf %convert_element_type3A_175, %add3A_180 : vector<16xf32>
    %jit3A_182 = arith.constant 0 : i32
    %jit3A_183 = arith.constant 187 : i32
    %max3A_184 = vector.broadcast %jit3A_182 : i32 to vector<16xi32>
    %max3A_185 = arith.maxsi %max3A_184, %sub3A_164 : vector<16xi32>
    %min3A_186 = vector.broadcast %jit3A_183 : i32 to vector<16xi32>
    %min3A_187 = arith.minsi %min3A_186, %max3A_185 : vector<16xi32>
    %add3A_188 = arith.constant 1 : i32
    %add3A_189 = vector.broadcast %add3A_188 : i32 to vector<16xi32>
    %add3A_190 = arith.addi %sub3A_164, %add3A_189 : vector<16xi32>
    %jit3A_191 = arith.constant 0 : i32
    %jit3A_192 = arith.constant 187 : i32
    %max3A_193 = vector.broadcast %jit3A_191 : i32 to vector<16xi32>
    %max3A_194 = arith.maxsi %max3A_193, %add3A_190 : vector<16xi32>
    %min3A_195 = vector.broadcast %jit3A_192 : i32 to vector<16xi32>
    %min3A_196 = arith.minsi %min3A_195, %max3A_194 : vector<16xi32>
    %jit3A_197 = arith.constant 0 : i32
    %jit3A_198 = arith.constant 187 : i32
    %max3A_199 = vector.broadcast %jit3A_197 : i32 to vector<16xi32>
    %max3A_200 = arith.maxsi %max3A_199, %sub3A_173 : vector<16xi32>
    %min3A_201 = vector.broadcast %jit3A_198 : i32 to vector<16xi32>
    %min3A_202 = arith.minsi %min3A_201, %max3A_200 : vector<16xi32>
    %add3A_203 = arith.constant 1 : i32
    %add3A_204 = vector.broadcast %add3A_203 : i32 to vector<16xi32>
    %add3A_205 = arith.addi %sub3A_173, %add3A_204 : vector<16xi32>
    %jit3A_206 = arith.constant 0 : i32
    %jit3A_207 = arith.constant 187 : i32
    %max3A_208 = vector.broadcast %jit3A_206 : i32 to vector<16xi32>
    %max3A_209 = arith.maxsi %max3A_208, %add3A_205 : vector<16xi32>
    %min3A_210 = vector.broadcast %jit3A_207 : i32 to vector<16xi32>
    %min3A_211 = arith.minsi %min3A_210, %max3A_209 : vector<16xi32>
    %mul3A_212 = arith.constant 188 : i32
    %mul3A_213 = vector.broadcast %mul3A_212 : i32 to vector<16xi32>
    %mul3A_214 = arith.muli %min3A_202, %mul3A_213 : vector<16xi32>
    %add3A_215 = arith.addi %mul3A_214, %min3A_187 : vector<16xi32>
    %swap3A_216 = arith.constant 16 : index
    %swap3A_217 = tpu.vector_load %arg9[%swap3A_216] {strides = array<i32>} : memref<128xi32, #tpu.memory_space<vmem>>, vector<16xi32>,
    %swap3A_218 = vector.shape_cast %swap3A_217 : vector<16xi32> to vector<16xi32>
    %swap3A_219 = vector.shape_cast %add3A_215 : vector<16xi32> to vector<16xi32>
    tpu.vector_store %arg9[%swap3A_216], %swap3A_219 {strides = array<i32>} : memref<128xi32, #tpu.memory_space<vmem>>, vector<16xi32>,
    %mul3A_220 = arith.constant 188 : i32
    %mul3A_221 = vector.broadcast %mul3A_220 : i32 to vector<16xi32>
    %mul3A_222 = arith.muli %min3A_211, %mul3A_221 : vector<16xi32>
    %add3A_223 = arith.addi %mul3A_222, %min3A_187 : vector<16xi32>
    %swap3A_224 = arith.constant 16 : index
    %swap3A_225 = tpu.vector_load %arg10[%swap3A_224] {strides = array<i32>} : memref<128xi32, #tpu.memory_space<vmem>>, vector<16xi32>,
    %swap3A_226 = vector.shape_cast %swap3A_225 : vector<16xi32> to vector<16xi32>
    %swap3A_227 = vector.shape_cast %add3A_223 : vector<16xi32> to vector<16xi32>
    tpu.vector_store %arg10[%swap3A_224], %swap3A_227 {strides = array<i32>} : memref<128xi32, #tpu.memory_space<vmem>>, vector<16xi32>,
    %mul3A_228 = arith.constant 188 : i32
    %mul3A_229 = vector.broadcast %mul3A_228 : i32 to vector<16xi32>
    %mul3A_230 = arith.muli %min3A_202, %mul3A_229 : vector<16xi32>
    %add3A_231 = arith.addi %mul3A_230, %min3A_196 : vector<16xi32>
    %swap3A_232 = arith.constant 16 : index
    %swap3A_233 = tpu.vector_load %arg11[%swap3A_232] {strides = array<i32>} : memref<128xi32, #tpu.memory_space<vmem>>, vector<16xi32>,
    %swap3A_234 = vector.shape_cast %swap3A_233 : vector<16xi32> to vector<16xi32>
    %swap3A_235 = vector.shape_cast %add3A_231 : vector<16xi32> to vector<16xi32>
    tpu.vector_store %arg11[%swap3A_232], %swap3A_235 {strides = array<i32>} : memref<128xi32, #tpu.memory_space<vmem>>, vector<16xi32>,
    %mul3A_236 = arith.constant 188 : i32
    %mul3A_237 = vector.broadcast %mul3A_236 : i32 to vector<16xi32>
    %mul3A_238 = arith.muli %min3A_211, %mul3A_237 : vector<16xi32>
    %add3A_239 = arith.addi %mul3A_238, %min3A_196 : vector<16xi32>
    %swap3A_240 = arith.constant 16 : index
    %swap3A_241 = tpu.vector_load %arg12[%swap3A_240] {strides = array<i32>} : memref<128xi32, #tpu.memory_space<vmem>>, vector<16xi32>,
    %swap3A_242 = vector.shape_cast %swap3A_241 : vector<16xi32> to vector<16xi32>
    %swap3A_243 = vector.shape_cast %add3A_239 : vector<16xi32> to vector<16xi32>
    tpu.vector_store %arg12[%swap3A_240], %swap3A_243 {strides = array<i32>} : memref<128xi32, #tpu.memory_space<vmem>>, vector<16xi32>,
    %sub3A_244 = arith.subf %add3A_178, %div3A_146 : vector<16xf32>
    %sub3A_245 = arith.subf %add3A_181, %div3A_155 : vector<16xf32>
    %mul3A_246 = arith.mulf %sub3A_244, %sub3A_245 : vector<16xf32>
    %swap3A_247 = arith.constant 16 : index
    %swap3A_248 = tpu.vector_load %arg13[%swap3A_247] {strides = array<i32>} : memref<128xf32, #tpu.memory_space<vmem>>, vector<16xf32>,
    %swap3A_249 = vector.shape_cast %swap3A_248 : vector<16xf32> to vector<16xf32>
    %swap3A_250 = vector.shape_cast %mul3A_246 : vector<16xf32> to vector<16xf32>
    tpu.vector_store %arg13[%swap3A_247], %swap3A_250 {strides = array<i32>} : memref<128xf32, #tpu.memory_space<vmem>>, vector<16xf32>,
    %sub3A_251 = arith.subf %add3A_178, %div3A_146 : vector<16xf32>
    %sub3A_252 = arith.subf %div3A_155, %convert_element_type3A_175 : vector<16xf32>
    %mul3A_253 = arith.mulf %sub3A_251, %sub3A_252 : vector<16xf32>
    %swap3A_254 = arith.constant 16 : index
    %swap3A_255 = tpu.vector_load %arg14[%swap3A_254] {strides = array<i32>} : memref<128xf32, #tpu.memory_space<vmem>>, vector<16xf32>,
    %swap3A_256 = vector.shape_cast %swap3A_255 : vector<16xf32> to vector<16xf32>
    %swap3A_257 = vector.shape_cast %mul3A_253 : vector<16xf32> to vector<16xf32>
    tpu.vector_store %arg14[%swap3A_254], %swap3A_257 {strides = array<i32>} : memref<128xf32, #tpu.memory_space<vmem>>, vector<16xf32>,
    %sub3A_258 = arith.subf %div3A_146, %convert_element_type3A_174 : vector<16xf32>
    %sub3A_259 = arith.subf %add3A_181, %div3A_155 : vector<16xf32>
    %mul3A_260 = arith.mulf %sub3A_258, %sub3A_259 : vector<16xf32>
    %swap3A_261 = arith.constant 16 : index
    %swap3A_262 = tpu.vector_load %arg15[%swap3A_261] {strides = array<i32>} : memref<128xf32, #tpu.memory_space<vmem>>, vector<16xf32>,
    %swap3A_263 = vector.shape_cast %swap3A_262 : vector<16xf32> to vector<16xf32>
    %swap3A_264 = vector.shape_cast %mul3A_260 : vector<16xf32> to vector<16xf32>
    tpu.vector_store %arg15[%swap3A_261], %swap3A_264 {strides = array<i32>} : memref<128xf32, #tpu.memory_space<vmem>>, vector<16xf32>,
    %sub3A_265 = arith.subf %div3A_146, %convert_element_type3A_174 : vector<16xf32>
    %sub3A_266 = arith.subf %div3A_155, %convert_element_type3A_175 : vector<16xf32>
    %mul3A_267 = arith.mulf %sub3A_265, %sub3A_266 : vector<16xf32>
    %swap3A_268 = arith.constant 16 : index
    %swap3A_269 = tpu.vector_load %arg16[%swap3A_268] {strides = array<i32>} : memref<128xf32, #tpu.memory_space<vmem>>, vector<16xf32>,
    %swap3A_270 = vector.shape_cast %swap3A_269 : vector<16xf32> to vector<16xf32>
    %swap3A_271 = vector.shape_cast %mul3A_267 : vector<16xf32> to vector<16xf32>
    tpu.vector_store %arg16[%swap3A_268], %swap3A_271 {strides = array<i32>} : memref<128xf32, #tpu.memory_space<vmem>>, vector<16xf32>,
    %get3A_272 = arith.constant 32 : index
    %get3A_273 = tpu.vector_load %arg7[%get3A_272] {strides = array<i32>} : memref<128xf32, #tpu.memory_space<vmem>>, vector<16xf32>,
    %get3A_274 = vector.shape_cast %get3A_273 : vector<16xf32> to vector<16xf32>
    %get3A_275 = arith.constant 32 : index
    %get3A_276 = tpu.vector_load %arg8[%get3A_275] {strides = array<i32>} : memref<128xf32, #tpu.memory_space<vmem>>, vector<16xf32>,
    %get3A_277 = vector.shape_cast %get3A_276 : vector<16xf32> to vector<16xf32>
    %sub3A_278 = arith.constant -75.1999969 : f32
    %sub3A_279 = vector.broadcast %sub3A_278 : f32 to vector<16xf32>
    %sub3A_280 = arith.subf %get3A_274, %sub3A_279 : vector<16xf32>
    %div3A_281 = arith.constant 1.000000e-01 : f32
    %div3A_282 = vector.broadcast %div3A_281 : f32 to vector<16xf32>
    %div3A_283 = arith.divf %sub3A_280, %div3A_282 : vector<16xf32>
    %div3A_284 = arith.constant 8.000000e+00 : f32
    %div3A_285 = vector.broadcast %div3A_284 : f32 to vector<16xf32>
    %div3A_286 = arith.divf %div3A_283, %div3A_285 : vector<16xf32>
    %sub3A_287 = arith.constant -75.1999969 : f32
    %sub3A_288 = vector.broadcast %sub3A_287 : f32 to vector<16xf32>
    %sub3A_289 = arith.subf %get3A_277, %sub3A_288 : vector<16xf32>
    %div3A_290 = arith.constant 1.000000e-01 : f32
    %div3A_291 = vector.broadcast %div3A_290 : f32 to vector<16xf32>
    %div3A_292 = arith.divf %sub3A_289, %div3A_291 : vector<16xf32>
    %div3A_293 = arith.constant 8.000000e+00 : f32
    %div3A_294 = vector.broadcast %div3A_293 : f32 to vector<16xf32>
    %div3A_295 = arith.divf %div3A_292, %div3A_294 : vector<16xf32>
    %convert_element_type3A_296 = arith.fptosi %div3A_286 : vector<16xf32> to vector<16xi32>
    %convert_element_type3A_297 = arith.sitofp %convert_element_type3A_296 : vector<16xi32> to vector<16xf32>
    %gt3A_298 = arith.cmpf ogt, %convert_element_type3A_297, %div3A_286 : vector<16xf32>
    %jit3A_299 = arith.constant 1 : i32
    %jit3A_300 = arith.constant 0 : i32
    %broadcast_in_dim3A_301 = vector.broadcast %jit3A_299 : i32 to vector<16xi32>
    %broadcast_in_dim3A_302 = vector.broadcast %jit3A_300 : i32 to vector<16xi32>
    %select_n3A_303 = arith.select %gt3A_298, %broadcast_in_dim3A_301, %broadcast_in_dim3A_302 : vector<16xi1>, vector<16xi32>
    %sub3A_304 = arith.subi %convert_element_type3A_296, %select_n3A_303 : vector<16xi32>
    %convert_element_type3A_305 = arith.fptosi %div3A_295 : vector<16xf32> to vector<16xi32>
    %convert_element_type3A_306 = arith.sitofp %convert_element_type3A_305 : vector<16xi32> to vector<16xf32>
    %gt3A_307 = arith.cmpf ogt, %convert_element_type3A_306, %div3A_295 : vector<16xf32>
    %jit3A_308 = arith.constant 1 : i32
    %jit3A_309 = arith.constant 0 : i32
    %broadcast_in_dim3A_310 = vector.broadcast %jit3A_308 : i32 to vector<16xi32>
    %broadcast_in_dim3A_311 = vector.broadcast %jit3A_309 : i32 to vector<16xi32>
    %select_n3A_312 = arith.select %gt3A_307, %broadcast_in_dim3A_310, %broadcast_in_dim3A_311 : vector<16xi1>, vector<16xi32>
    %sub3A_313 = arith.subi %convert_element_type3A_305, %select_n3A_312 : vector<16xi32>
    %convert_element_type3A_314 = arith.sitofp %sub3A_304 : vector<16xi32> to vector<16xf32>
    %convert_element_type3A_315 = arith.sitofp %sub3A_313 : vector<16xi32> to vector<16xf32>
    %add3A_316 = arith.constant 1.000000e+00 : f32
    %add3A_317 = vector.broadcast %add3A_316 : f32 to vector<16xf32>
    %add3A_318 = arith.addf %convert_element_type3A_314, %add3A_317 : vector<16xf32>
    %add3A_319 = arith.constant 1.000000e+00 : f32
    %add3A_320 = vector.broadcast %add3A_319 : f32 to vector<16xf32>
    %add3A_321 = arith.addf %convert_element_type3A_315, %add3A_320 : vector<16xf32>
    %jit3A_322 = arith.constant 0 : i32
    %jit3A_323 = arith.constant 187 : i32
    %max3A_324 = vector.broadcast %jit3A_322 : i32 to vector<16xi32>
    %max3A_325 = arith.maxsi %max3A_324, %sub3A_304 : vector<16xi32>
    %min3A_326 = vector.broadcast %jit3A_323 : i32 to vector<16xi32>
    %min3A_327 = arith.minsi %min3A_326, %max3A_325 : vector<16xi32>
    %add3A_328 = arith.constant 1 : i32
    %add3A_329 = vector.broadcast %add3A_328 : i32 to vector<16xi32>
    %add3A_330 = arith.addi %sub3A_304, %add3A_329 : vector<16xi32>
    %jit3A_331 = arith.constant 0 : i32
    %jit3A_332 = arith.constant 187 : i32
    %max3A_333 = vector.broadcast %jit3A_331 : i32 to vector<16xi32>
    %max3A_334 = arith.maxsi %max3A_333, %add3A_330 : vector<16xi32>
    %min3A_335 = vector.broadcast %jit3A_332 : i32 to vector<16xi32>
    %min3A_336 = arith.minsi %min3A_335, %max3A_334 : vector<16xi32>
    %jit3A_337 = arith.constant 0 : i32
    %jit3A_338 = arith.constant 187 : i32
    %max3A_339 = vector.broadcast %jit3A_337 : i32 to vector<16xi32>
    %max3A_340 = arith.maxsi %max3A_339, %sub3A_313 : vector<16xi32>
    %min3A_341 = vector.broadcast %jit3A_338 : i32 to vector<16xi32>
    %min3A_342 = arith.minsi %min3A_341, %max3A_340 : vector<16xi32>
    %add3A_343 = arith.constant 1 : i32
    %add3A_344 = vector.broadcast %add3A_343 : i32 to vector<16xi32>
    %add3A_345 = arith.addi %sub3A_313, %add3A_344 : vector<16xi32>
    %jit3A_346 = arith.constant 0 : i32
    %jit3A_347 = arith.constant 187 : i32
    %max3A_348 = vector.broadcast %jit3A_346 : i32 to vector<16xi32>
    %max3A_349 = arith.maxsi %max3A_348, %add3A_345 : vector<16xi32>
    %min3A_350 = vector.broadcast %jit3A_347 : i32 to vector<16xi32>
    %min3A_351 = arith.minsi %min3A_350, %max3A_349 : vector<16xi32>
    %mul3A_352 = arith.constant 188 : i32
    %mul3A_353 = vector.broadcast %mul3A_352 : i32 to vector<16xi32>
    %mul3A_354 = arith.muli %min3A_342, %mul3A_353 : vector<16xi32>
    %add3A_355 = arith.addi %mul3A_354, %min3A_327 : vector<16xi32>
    %swap3A_356 = arith.constant 32 : index
    %swap3A_357 = tpu.vector_load %arg9[%swap3A_356] {strides = array<i32>} : memref<128xi32, #tpu.memory_space<vmem>>, vector<16xi32>,
    %swap3A_358 = vector.shape_cast %swap3A_357 : vector<16xi32> to vector<16xi32>
    %swap3A_359 = vector.shape_cast %add3A_355 : vector<16xi32> to vector<16xi32>
    tpu.vector_store %arg9[%swap3A_356], %swap3A_359 {strides = array<i32>} : memref<128xi32, #tpu.memory_space<vmem>>, vector<16xi32>,
    %mul3A_360 = arith.constant 188 : i32
    %mul3A_361 = vector.broadcast %mul3A_360 : i32 to vector<16xi32>
    %mul3A_362 = arith.muli %min3A_351, %mul3A_361 : vector<16xi32>
    %add3A_363 = arith.addi %mul3A_362, %min3A_327 : vector<16xi32>
    %swap3A_364 = arith.constant 32 : index
    %swap3A_365 = tpu.vector_load %arg10[%swap3A_364] {strides = array<i32>} : memref<128xi32, #tpu.memory_space<vmem>>, vector<16xi32>,
    %swap3A_366 = vector.shape_cast %swap3A_365 : vector<16xi32> to vector<16xi32>
    %swap3A_367 = vector.shape_cast %add3A_363 : vector<16xi32> to vector<16xi32>
    tpu.vector_store %arg10[%swap3A_364], %swap3A_367 {strides = array<i32>} : memref<128xi32, #tpu.memory_space<vmem>>, vector<16xi32>,
    %mul3A_368 = arith.constant 188 : i32
    %mul3A_369 = vector.broadcast %mul3A_368 : i32 to vector<16xi32>
    %mul3A_370 = arith.muli %min3A_342, %mul3A_369 : vector<16xi32>
    %add3A_371 = arith.addi %mul3A_370, %min3A_336 : vector<16xi32>
    %swap3A_372 = arith.constant 32 : index
    %swap3A_373 = tpu.vector_load %arg11[%swap3A_372] {strides = array<i32>} : memref<128xi32, #tpu.memory_space<vmem>>, vector<16xi32>,
    %swap3A_374 = vector.shape_cast %swap3A_373 : vector<16xi32> to vector<16xi32>
    %swap3A_375 = vector.shape_cast %add3A_371 : vector<16xi32> to vector<16xi32>
    tpu.vector_store %arg11[%swap3A_372], %swap3A_375 {strides = array<i32>} : memref<128xi32, #tpu.memory_space<vmem>>, vector<16xi32>,
    %mul3A_376 = arith.constant 188 : i32
    %mul3A_377 = vector.broadcast %mul3A_376 : i32 to vector<16xi32>
    %mul3A_378 = arith.muli %min3A_351, %mul3A_377 : vector<16xi32>
    %add3A_379 = arith.addi %mul3A_378, %min3A_336 : vector<16xi32>
    %swap3A_380 = arith.constant 32 : index
    %swap3A_381 = tpu.vector_load %arg12[%swap3A_380] {strides = array<i32>} : memref<128xi32, #tpu.memory_space<vmem>>, vector<16xi32>,
    %swap3A_382 = vector.shape_cast %swap3A_381 : vector<16xi32> to vector<16xi32>
    %swap3A_383 = vector.shape_cast %add3A_379 : vector<16xi32> to vector<16xi32>
    tpu.vector_store %arg12[%swap3A_380], %swap3A_383 {strides = array<i32>} : memref<128xi32, #tpu.memory_space<vmem>>, vector<16xi32>,
    %sub3A_384 = arith.subf %add3A_318, %div3A_286 : vector<16xf32>
    %sub3A_385 = arith.subf %add3A_321, %div3A_295 : vector<16xf32>
    %mul3A_386 = arith.mulf %sub3A_384, %sub3A_385 : vector<16xf32>
    %swap3A_387 = arith.constant 32 : index
    %swap3A_388 = tpu.vector_load %arg13[%swap3A_387] {strides = array<i32>} : memref<128xf32, #tpu.memory_space<vmem>>, vector<16xf32>,
    %swap3A_389 = vector.shape_cast %swap3A_388 : vector<16xf32> to vector<16xf32>
    %swap3A_390 = vector.shape_cast %mul3A_386 : vector<16xf32> to vector<16xf32>
    tpu.vector_store %arg13[%swap3A_387], %swap3A_390 {strides = array<i32>} : memref<128xf32, #tpu.memory_space<vmem>>, vector<16xf32>,
    %sub3A_391 = arith.subf %add3A_318, %div3A_286 : vector<16xf32>
    %sub3A_392 = arith.subf %div3A_295, %convert_element_type3A_315 : vector<16xf32>
    %mul3A_393 = arith.mulf %sub3A_391, %sub3A_392 : vector<16xf32>
    %swap3A_394 = arith.constant 32 : index
    %swap3A_395 = tpu.vector_load %arg14[%swap3A_394] {strides = array<i32>} : memref<128xf32, #tpu.memory_space<vmem>>, vector<16xf32>,
    %swap3A_396 = vector.shape_cast %swap3A_395 : vector<16xf32> to vector<16xf32>
    %swap3A_397 = vector.shape_cast %mul3A_393 : vector<16xf32> to vector<16xf32>
    tpu.vector_store %arg14[%swap3A_394], %swap3A_397 {strides = array<i32>} : memref<128xf32, #tpu.memory_space<vmem>>, vector<16xf32>,
    %sub3A_398 = arith.subf %div3A_286, %convert_element_type3A_314 : vector<16xf32>
    %sub3A_399 = arith.subf %add3A_321, %div3A_295 : vector<16xf32>
    %mul3A_400 = arith.mulf %sub3A_398, %sub3A_399 : vector<16xf32>
    %swap3A_401 = arith.constant 32 : index
    %swap3A_402 = tpu.vector_load %arg15[%swap3A_401] {strides = array<i32>} : memref<128xf32, #tpu.memory_space<vmem>>, vector<16xf32>,
    %swap3A_403 = vector.shape_cast %swap3A_402 : vector<16xf32> to vector<16xf32>
    %swap3A_404 = vector.shape_cast %mul3A_400 : vector<16xf32> to vector<16xf32>
    tpu.vector_store %arg15[%swap3A_401], %swap3A_404 {strides = array<i32>} : memref<128xf32, #tpu.memory_space<vmem>>, vector<16xf32>,
    %sub3A_405 = arith.subf %div3A_286, %convert_element_type3A_314 : vector<16xf32>
    %sub3A_406 = arith.subf %div3A_295, %convert_element_type3A_315 : vector<16xf32>
    %mul3A_407 = arith.mulf %sub3A_405, %sub3A_406 : vector<16xf32>
    %swap3A_408 = arith.constant 32 : index
    %swap3A_409 = tpu.vector_load %arg16[%swap3A_408] {strides = array<i32>} : memref<128xf32, #tpu.memory_space<vmem>>, vector<16xf32>,
    %swap3A_410 = vector.shape_cast %swap3A_409 : vector<16xf32> to vector<16xf32>
    %swap3A_411 = vector.shape_cast %mul3A_407 : vector<16xf32> to vector<16xf32>
    tpu.vector_store %arg16[%swap3A_408], %swap3A_411 {strides = array<i32>} : memref<128xf32, #tpu.memory_space<vmem>>, vector<16xf32>,
    %get3A_412 = arith.constant 48 : index
    %get3A_413 = tpu.vector_load %arg7[%get3A_412] {strides = array<i32>} : memref<128xf32, #tpu.memory_space<vmem>>, vector<16xf32>,
    %get3A_414 = vector.shape_cast %get3A_413 : vector<16xf32> to vector<16xf32>
    %get3A_415 = arith.constant 48 : index
    %get3A_416 = tpu.vector_load %arg8[%get3A_415] {strides = array<i32>} : memref<128xf32, #tpu.memory_space<vmem>>, vector<16xf32>,
    %get3A_417 = vector.shape_cast %get3A_416 : vector<16xf32> to vector<16xf32>
    %sub3A_418 = arith.constant -75.1999969 : f32
    %sub3A_419 = vector.broadcast %sub3A_418 : f32 to vector<16xf32>
    %sub3A_420 = arith.subf %get3A_414, %sub3A_419 : vector<16xf32>
    %div3A_421 = arith.constant 1.000000e-01 : f32
    %div3A_422 = vector.broadcast %div3A_421 : f32 to vector<16xf32>
    %div3A_423 = arith.divf %sub3A_420, %div3A_422 : vector<16xf32>
    %div3A_424 = arith.constant 8.000000e+00 : f32
    %div3A_425 = vector.broadcast %div3A_424 : f32 to vector<16xf32>
    %div3A_426 = arith.divf %div3A_423, %div3A_425 : vector<16xf32>
    %sub3A_427 = arith.constant -75.1999969 : f32
    %sub3A_428 = vector.broadcast %sub3A_427 : f32 to vector<16xf32>
    %sub3A_429 = arith.subf %get3A_417, %sub3A_428 : vector<16xf32>
    %div3A_430 = arith.constant 1.000000e-01 : f32
    %div3A_431 = vector.broadcast %div3A_430 : f32 to vector<16xf32>
    %div3A_432 = arith.divf %sub3A_429, %div3A_431 : vector<16xf32>
    %div3A_433 = arith.constant 8.000000e+00 : f32
    %div3A_434 = vector.broadcast %div3A_433 : f32 to vector<16xf32>
    %div3A_435 = arith.divf %div3A_432, %div3A_434 : vector<16xf32>
    %convert_element_type3A_436 = arith.fptosi %div3A_426 : vector<16xf32> to vector<16xi32>
    %convert_element_type3A_437 = arith.sitofp %convert_element_type3A_436 : vector<16xi32> to vector<16xf32>
    %gt3A_438 = arith.cmpf ogt, %convert_element_type3A_437, %div3A_426 : vector<16xf32>
    %jit3A_439 = arith.constant 1 : i32
    %jit3A_440 = arith.constant 0 : i32
    %broadcast_in_dim3A_441 = vector.broadcast %jit3A_439 : i32 to vector<16xi32>
    %broadcast_in_dim3A_442 = vector.broadcast %jit3A_440 : i32 to vector<16xi32>
    %select_n3A_443 = arith.select %gt3A_438, %broadcast_in_dim3A_441, %broadcast_in_dim3A_442 : vector<16xi1>, vector<16xi32>
    %sub3A_444 = arith.subi %convert_element_type3A_436, %select_n3A_443 : vector<16xi32>
    %convert_element_type3A_445 = arith.fptosi %div3A_435 : vector<16xf32> to vector<16xi32>
    %convert_element_type3A_446 = arith.sitofp %convert_element_type3A_445 : vector<16xi32> to vector<16xf32>
    %gt3A_447 = arith.cmpf ogt, %convert_element_type3A_446, %div3A_435 : vector<16xf32>
    %jit3A_448 = arith.constant 1 : i32
    %jit3A_449 = arith.constant 0 : i32
    %broadcast_in_dim3A_450 = vector.broadcast %jit3A_448 : i32 to vector<16xi32>
    %broadcast_in_dim3A_451 = vector.broadcast %jit3A_449 : i32 to vector<16xi32>
    %select_n3A_452 = arith.select %gt3A_447, %broadcast_in_dim3A_450, %broadcast_in_dim3A_451 : vector<16xi1>, vector<16xi32>
    %sub3A_453 = arith.subi %convert_element_type3A_445, %select_n3A_452 : vector<16xi32>
    %convert_element_type3A_454 = arith.sitofp %sub3A_444 : vector<16xi32> to vector<16xf32>
    %convert_element_type3A_455 = arith.sitofp %sub3A_453 : vector<16xi32> to vector<16xf32>
    %add3A_456 = arith.constant 1.000000e+00 : f32
    %add3A_457 = vector.broadcast %add3A_456 : f32 to vector<16xf32>
    %add3A_458 = arith.addf %convert_element_type3A_454, %add3A_457 : vector<16xf32>
    %add3A_459 = arith.constant 1.000000e+00 : f32
    %add3A_460 = vector.broadcast %add3A_459 : f32 to vector<16xf32>
    %add3A_461 = arith.addf %convert_element_type3A_455, %add3A_460 : vector<16xf32>
    %jit3A_462 = arith.constant 0 : i32
    %jit3A_463 = arith.constant 187 : i32
    %max3A_464 = vector.broadcast %jit3A_462 : i32 to vector<16xi32>
    %max3A_465 = arith.maxsi %max3A_464, %sub3A_444 : vector<16xi32>
    %min3A_466 = vector.broadcast %jit3A_463 : i32 to vector<16xi32>
    %min3A_467 = arith.minsi %min3A_466, %max3A_465 : vector<16xi32>
    %add3A_468 = arith.constant 1 : i32
    %add3A_469 = vector.broadcast %add3A_468 : i32 to vector<16xi32>
    %add3A_470 = arith.addi %sub3A_444, %add3A_469 : vector<16xi32>
    %jit3A_471 = arith.constant 0 : i32
    %jit3A_472 = arith.constant 187 : i32
    %max3A_473 = vector.broadcast %jit3A_471 : i32 to vector<16xi32>
    %max3A_474 = arith.maxsi %max3A_473, %add3A_470 : vector<16xi32>
    %min3A_475 = vector.broadcast %jit3A_472 : i32 to vector<16xi32>
    %min3A_476 = arith.minsi %min3A_475, %max3A_474 : vector<16xi32>
    %jit3A_477 = arith.constant 0 : i32
    %jit3A_478 = arith.constant 187 : i32
    %max3A_479 = vector.broadcast %jit3A_477 : i32 to vector<16xi32>
    %max3A_480 = arith.maxsi %max3A_479, %sub3A_453 : vector<16xi32>
    %min3A_481 = vector.broadcast %jit3A_478 : i32 to vector<16xi32>
    %min3A_482 = arith.minsi %min3A_481, %max3A_480 : vector<16xi32>
    %add3A_483 = arith.constant 1 : i32
    %add3A_484 = vector.broadcast %add3A_483 : i32 to vector<16xi32>
    %add3A_485 = arith.addi %sub3A_453, %add3A_484 : vector<16xi32>
    %jit3A_486 = arith.constant 0 : i32
    %jit3A_487 = arith.constant 187 : i32
    %max3A_488 = vector.broadcast %jit3A_486 : i32 to vector<16xi32>
    %max3A_489 = arith.maxsi %max3A_488, %add3A_485 : vector<16xi32>
    %min3A_490 = vector.broadcast %jit3A_487 : i32 to vector<16xi32>
    %min3A_491 = arith.minsi %min3A_490, %max3A_489 : vector<16xi32>
    %mul3A_492 = arith.constant 188 : i32
    %mul3A_493 = vector.broadcast %mul3A_492 : i32 to vector<16xi32>
    %mul3A_494 = arith.muli %min3A_482, %mul3A_493 : vector<16xi32>
    %add3A_495 = arith.addi %mul3A_494, %min3A_467 : vector<16xi32>
    %swap3A_496 = arith.constant 48 : index
    %swap3A_497 = tpu.vector_load %arg9[%swap3A_496] {strides = array<i32>} : memref<128xi32, #tpu.memory_space<vmem>>, vector<16xi32>,
    %swap3A_498 = vector.shape_cast %swap3A_497 : vector<16xi32> to vector<16xi32>
    %swap3A_499 = vector.shape_cast %add3A_495 : vector<16xi32> to vector<16xi32>
    tpu.vector_store %arg9[%swap3A_496], %swap3A_499 {strides = array<i32>} : memref<128xi32, #tpu.memory_space<vmem>>, vector<16xi32>,
    %mul3A_500 = arith.constant 188 : i32
    %mul3A_501 = vector.broadcast %mul3A_500 : i32 to vector<16xi32>
    %mul3A_502 = arith.muli %min3A_491, %mul3A_501 : vector<16xi32>
    %add3A_503 = arith.addi %mul3A_502, %min3A_467 : vector<16xi32>
    %swap3A_504 = arith.constant 48 : index
    %swap3A_505 = tpu.vector_load %arg10[%swap3A_504] {strides = array<i32>} : memref<128xi32, #tpu.memory_space<vmem>>, vector<16xi32>,
    %swap3A_506 = vector.shape_cast %swap3A_505 : vector<16xi32> to vector<16xi32>
    %swap3A_507 = vector.shape_cast %add3A_503 : vector<16xi32> to vector<16xi32>
    tpu.vector_store %arg10[%swap3A_504], %swap3A_507 {strides = array<i32>} : memref<128xi32, #tpu.memory_space<vmem>>, vector<16xi32>,
    %mul3A_508 = arith.constant 188 : i32
    %mul3A_509 = vector.broadcast %mul3A_508 : i32 to vector<16xi32>
    %mul3A_510 = arith.muli %min3A_482, %mul3A_509 : vector<16xi32>
    %add3A_511 = arith.addi %mul3A_510, %min3A_476 : vector<16xi32>
    %swap3A_512 = arith.constant 48 : index
    %swap3A_513 = tpu.vector_load %arg11[%swap3A_512] {strides = array<i32>} : memref<128xi32, #tpu.memory_space<vmem>>, vector<16xi32>,
    %swap3A_514 = vector.shape_cast %swap3A_513 : vector<16xi32> to vector<16xi32>
    %swap3A_515 = vector.shape_cast %add3A_511 : vector<16xi32> to vector<16xi32>
    tpu.vector_store %arg11[%swap3A_512], %swap3A_515 {strides = array<i32>} : memref<128xi32, #tpu.memory_space<vmem>>, vector<16xi32>,
    %mul3A_516 = arith.constant 188 : i32
    %mul3A_517 = vector.broadcast %mul3A_516 : i32 to vector<16xi32>
    %mul3A_518 = arith.muli %min3A_491, %mul3A_517 : vector<16xi32>
    %add3A_519 = arith.addi %mul3A_518, %min3A_476 : vector<16xi32>
    %swap3A_520 = arith.constant 48 : index
    %swap3A_521 = tpu.vector_load %arg12[%swap3A_520] {strides = array<i32>} : memref<128xi32, #tpu.memory_space<vmem>>, vector<16xi32>,
    %swap3A_522 = vector.shape_cast %swap3A_521 : vector<16xi32> to vector<16xi32>
    %swap3A_523 = vector.shape_cast %add3A_519 : vector<16xi32> to vector<16xi32>
    tpu.vector_store %arg12[%swap3A_520], %swap3A_523 {strides = array<i32>} : memref<128xi32, #tpu.memory_space<vmem>>, vector<16xi32>,
    %sub3A_524 = arith.subf %add3A_458, %div3A_426 : vector<16xf32>
    %sub3A_525 = arith.subf %add3A_461, %div3A_435 : vector<16xf32>
    %mul3A_526 = arith.mulf %sub3A_524, %sub3A_525 : vector<16xf32>
    %swap3A_527 = arith.constant 48 : index
    %swap3A_528 = tpu.vector_load %arg13[%swap3A_527] {strides = array<i32>} : memref<128xf32, #tpu.memory_space<vmem>>, vector<16xf32>,
    %swap3A_529 = vector.shape_cast %swap3A_528 : vector<16xf32> to vector<16xf32>
    %swap3A_530 = vector.shape_cast %mul3A_526 : vector<16xf32> to vector<16xf32>
    tpu.vector_store %arg13[%swap3A_527], %swap3A_530 {strides = array<i32>} : memref<128xf32, #tpu.memory_space<vmem>>, vector<16xf32>,
    %sub3A_531 = arith.subf %add3A_458, %div3A_426 : vector<16xf32>
    %sub3A_532 = arith.subf %div3A_435, %convert_element_type3A_455 : vector<16xf32>
    %mul3A_533 = arith.mulf %sub3A_531, %sub3A_532 : vector<16xf32>
    %swap3A_534 = arith.constant 48 : index
    %swap3A_535 = tpu.vector_load %arg14[%swap3A_534] {strides = array<i32>} : memref<128xf32, #tpu.memory_space<vmem>>, vector<16xf32>,
    %swap3A_536 = vector.shape_cast %swap3A_535 : vector<16xf32> to vector<16xf32>
    %swap3A_537 = vector.shape_cast %mul3A_533 : vector<16xf32> to vector<16xf32>
    tpu.vector_store %arg14[%swap3A_534], %swap3A_537 {strides = array<i32>} : memref<128xf32, #tpu.memory_space<vmem>>, vector<16xf32>,
    %sub3A_538 = arith.subf %div3A_426, %convert_element_type3A_454 : vector<16xf32>
    %sub3A_539 = arith.subf %add3A_461, %div3A_435 : vector<16xf32>
    %mul3A_540 = arith.mulf %sub3A_538, %sub3A_539 : vector<16xf32>
    %swap3A_541 = arith.constant 48 : index
    %swap3A_542 = tpu.vector_load %arg15[%swap3A_541] {strides = array<i32>} : memref<128xf32, #tpu.memory_space<vmem>>, vector<16xf32>,
    %swap3A_543 = vector.shape_cast %swap3A_542 : vector<16xf32> to vector<16xf32>
    %swap3A_544 = vector.shape_cast %mul3A_540 : vector<16xf32> to vector<16xf32>
    tpu.vector_store %arg15[%swap3A_541], %swap3A_544 {strides = array<i32>} : memref<128xf32, #tpu.memory_space<vmem>>, vector<16xf32>,
    %sub3A_545 = arith.subf %div3A_426, %convert_element_type3A_454 : vector<16xf32>
    %sub3A_546 = arith.subf %div3A_435, %convert_element_type3A_455 : vector<16xf32>
    %mul3A_547 = arith.mulf %sub3A_545, %sub3A_546 : vector<16xf32>
    %swap3A_548 = arith.constant 48 : index
    %swap3A_549 = tpu.vector_load %arg16[%swap3A_548] {strides = array<i32>} : memref<128xf32, #tpu.memory_space<vmem>>, vector<16xf32>,
    %swap3A_550 = vector.shape_cast %swap3A_549 : vector<16xf32> to vector<16xf32>
    %swap3A_551 = vector.shape_cast %mul3A_547 : vector<16xf32> to vector<16xf32>
    tpu.vector_store %arg16[%swap3A_548], %swap3A_551 {strides = array<i32>} : memref<128xf32, #tpu.memory_space<vmem>>, vector<16xf32>,
    %get3A_552 = arith.constant 64 : index
    %get3A_553 = tpu.vector_load %arg7[%get3A_552] {strides = array<i32>} : memref<128xf32, #tpu.memory_space<vmem>>, vector<16xf32>,
    %get3A_554 = vector.shape_cast %get3A_553 : vector<16xf32> to vector<16xf32>
    %get3A_555 = arith.constant 64 : index
    %get3A_556 = tpu.vector_load %arg8[%get3A_555] {strides = array<i32>} : memref<128xf32, #tpu.memory_space<vmem>>, vector<16xf32>,
    %get3A_557 = vector.shape_cast %get3A_556 : vector<16xf32> to vector<16xf32>
    %sub3A_558 = arith.constant -75.1999969 : f32
    %sub3A_559 = vector.broadcast %sub3A_558 : f32 to vector<16xf32>
    %sub3A_560 = arith.subf %get3A_554, %sub3A_559 : vector<16xf32>
    %div3A_561 = arith.constant 1.000000e-01 : f32
    %div3A_562 = vector.broadcast %div3A_561 : f32 to vector<16xf32>
    %div3A_563 = arith.divf %sub3A_560, %div3A_562 : vector<16xf32>
    %div3A_564 = arith.constant 8.000000e+00 : f32
    %div3A_565 = vector.broadcast %div3A_564 : f32 to vector<16xf32>
    %div3A_566 = arith.divf %div3A_563, %div3A_565 : vector<16xf32>
    %sub3A_567 = arith.constant -75.1999969 : f32
    %sub3A_568 = vector.broadcast %sub3A_567 : f32 to vector<16xf32>
    %sub3A_569 = arith.subf %get3A_557, %sub3A_568 : vector<16xf32>
    %div3A_570 = arith.constant 1.000000e-01 : f32
    %div3A_571 = vector.broadcast %div3A_570 : f32 to vector<16xf32>
    %div3A_572 = arith.divf %sub3A_569, %div3A_571 : vector<16xf32>
    %div3A_573 = arith.constant 8.000000e+00 : f32
    %div3A_574 = vector.broadcast %div3A_573 : f32 to vector<16xf32>
    %div3A_575 = arith.divf %div3A_572, %div3A_574 : vector<16xf32>
    %convert_element_type3A_576 = arith.fptosi %div3A_566 : vector<16xf32> to vector<16xi32>
    %convert_element_type3A_577 = arith.sitofp %convert_element_type3A_576 : vector<16xi32> to vector<16xf32>
    %gt3A_578 = arith.cmpf ogt, %convert_element_type3A_577, %div3A_566 : vector<16xf32>
    %jit3A_579 = arith.constant 1 : i32
    %jit3A_580 = arith.constant 0 : i32
    %broadcast_in_dim3A_581 = vector.broadcast %jit3A_579 : i32 to vector<16xi32>
    %broadcast_in_dim3A_582 = vector.broadcast %jit3A_580 : i32 to vector<16xi32>
    %select_n3A_583 = arith.select %gt3A_578, %broadcast_in_dim3A_581, %broadcast_in_dim3A_582 : vector<16xi1>, vector<16xi32>
    %sub3A_584 = arith.subi %convert_element_type3A_576, %select_n3A_583 : vector<16xi32>
    %convert_element_type3A_585 = arith.fptosi %div3A_575 : vector<16xf32> to vector<16xi32>
    %convert_element_type3A_586 = arith.sitofp %convert_element_type3A_585 : vector<16xi32> to vector<16xf32>
    %gt3A_587 = arith.cmpf ogt, %convert_element_type3A_586, %div3A_575 : vector<16xf32>
    %jit3A_588 = arith.constant 1 : i32
    %jit3A_589 = arith.constant 0 : i32
    %broadcast_in_dim3A_590 = vector.broadcast %jit3A_588 : i32 to vector<16xi32>
    %broadcast_in_dim3A_591 = vector.broadcast %jit3A_589 : i32 to vector<16xi32>
    %select_n3A_592 = arith.select %gt3A_587, %broadcast_in_dim3A_590, %broadcast_in_dim3A_591 : vector<16xi1>, vector<16xi32>
    %sub3A_593 = arith.subi %convert_element_type3A_585, %select_n3A_592 : vector<16xi32>
    %convert_element_type3A_594 = arith.sitofp %sub3A_584 : vector<16xi32> to vector<16xf32>
    %convert_element_type3A_595 = arith.sitofp %sub3A_593 : vector<16xi32> to vector<16xf32>
    %add3A_596 = arith.constant 1.000000e+00 : f32
    %add3A_597 = vector.broadcast %add3A_596 : f32 to vector<16xf32>
    %add3A_598 = arith.addf %convert_element_type3A_594, %add3A_597 : vector<16xf32>
    %add3A_599 = arith.constant 1.000000e+00 : f32
    %add3A_600 = vector.broadcast %add3A_599 : f32 to vector<16xf32>
    %add3A_601 = arith.addf %convert_element_type3A_595, %add3A_600 : vector<16xf32>
    %jit3A_602 = arith.constant 0 : i32
    %jit3A_603 = arith.constant 187 : i32
    %max3A_604 = vector.broadcast %jit3A_602 : i32 to vector<16xi32>
    %max3A_605 = arith.maxsi %max3A_604, %sub3A_584 : vector<16xi32>
    %min3A_606 = vector.broadcast %jit3A_603 : i32 to vector<16xi32>
    %min3A_607 = arith.minsi %min3A_606, %max3A_605 : vector<16xi32>
    %add3A_608 = arith.constant 1 : i32
    %add3A_609 = vector.broadcast %add3A_608 : i32 to vector<16xi32>
    %add3A_610 = arith.addi %sub3A_584, %add3A_609 : vector<16xi32>
    %jit3A_611 = arith.constant 0 : i32
    %jit3A_612 = arith.constant 187 : i32
    %max3A_613 = vector.broadcast %jit3A_611 : i32 to vector<16xi32>
    %max3A_614 = arith.maxsi %max3A_613, %add3A_610 : vector<16xi32>
    %min3A_615 = vector.broadcast %jit3A_612 : i32 to vector<16xi32>
    %min3A_616 = arith.minsi %min3A_615, %max3A_614 : vector<16xi32>
    %jit3A_617 = arith.constant 0 : i32
    %jit3A_618 = arith.constant 187 : i32
    %max3A_619 = vector.broadcast %jit3A_617 : i32 to vector<16xi32>
    %max3A_620 = arith.maxsi %max3A_619, %sub3A_593 : vector<16xi32>
    %min3A_621 = vector.broadcast %jit3A_618 : i32 to vector<16xi32>
    %min3A_622 = arith.minsi %min3A_621, %max3A_620 : vector<16xi32>
    %add3A_623 = arith.constant 1 : i32
    %add3A_624 = vector.broadcast %add3A_623 : i32 to vector<16xi32>
    %add3A_625 = arith.addi %sub3A_593, %add3A_624 : vector<16xi32>
    %jit3A_626 = arith.constant 0 : i32
    %jit3A_627 = arith.constant 187 : i32
    %max3A_628 = vector.broadcast %jit3A_626 : i32 to vector<16xi32>
    %max3A_629 = arith.maxsi %max3A_628, %add3A_625 : vector<16xi32>
    %min3A_630 = vector.broadcast %jit3A_627 : i32 to vector<16xi32>
    %min3A_631 = arith.minsi %min3A_630, %max3A_629 : vector<16xi32>
    %mul3A_632 = arith.constant 188 : i32
    %mul3A_633 = vector.broadcast %mul3A_632 : i32 to vector<16xi32>
    %mul3A_634 = arith.muli %min3A_622, %mul3A_633 : vector<16xi32>
    %add3A_635 = arith.addi %mul3A_634, %min3A_607 : vector<16xi32>
    %swap3A_636 = arith.constant 64 : index
    %swap3A_637 = tpu.vector_load %arg9[%swap3A_636] {strides = array<i32>} : memref<128xi32, #tpu.memory_space<vmem>>, vector<16xi32>,
    %swap3A_638 = vector.shape_cast %swap3A_637 : vector<16xi32> to vector<16xi32>
    %swap3A_639 = vector.shape_cast %add3A_635 : vector<16xi32> to vector<16xi32>
    tpu.vector_store %arg9[%swap3A_636], %swap3A_639 {strides = array<i32>} : memref<128xi32, #tpu.memory_space<vmem>>, vector<16xi32>,
    %mul3A_640 = arith.constant 188 : i32
    %mul3A_641 = vector.broadcast %mul3A_640 : i32 to vector<16xi32>
    %mul3A_642 = arith.muli %min3A_631, %mul3A_641 : vector<16xi32>
    %add3A_643 = arith.addi %mul3A_642, %min3A_607 : vector<16xi32>
    %swap3A_644 = arith.constant 64 : index
    %swap3A_645 = tpu.vector_load %arg10[%swap3A_644] {strides = array<i32>} : memref<128xi32, #tpu.memory_space<vmem>>, vector<16xi32>,
    %swap3A_646 = vector.shape_cast %swap3A_645 : vector<16xi32> to vector<16xi32>
    %swap3A_647 = vector.shape_cast %add3A_643 : vector<16xi32> to vector<16xi32>
    tpu.vector_store %arg10[%swap3A_644], %swap3A_647 {strides = array<i32>} : memref<128xi32, #tpu.memory_space<vmem>>, vector<16xi32>,
    %mul3A_648 = arith.constant 188 : i32
    %mul3A_649 = vector.broadcast %mul3A_648 : i32 to vector<16xi32>
    %mul3A_650 = arith.muli %min3A_622, %mul3A_649 : vector<16xi32>
    %add3A_651 = arith.addi %mul3A_650, %min3A_616 : vector<16xi32>
    %swap3A_652 = arith.constant 64 : index
    %swap3A_653 = tpu.vector_load %arg11[%swap3A_652] {strides = array<i32>} : memref<128xi32, #tpu.memory_space<vmem>>, vector<16xi32>,
    %swap3A_654 = vector.shape_cast %swap3A_653 : vector<16xi32> to vector<16xi32>
    %swap3A_655 = vector.shape_cast %add3A_651 : vector<16xi32> to vector<16xi32>
    tpu.vector_store %arg11[%swap3A_652], %swap3A_655 {strides = array<i32>} : memref<128xi32, #tpu.memory_space<vmem>>, vector<16xi32>,
    %mul3A_656 = arith.constant 188 : i32
    %mul3A_657 = vector.broadcast %mul3A_656 : i32 to vector<16xi32>
    %mul3A_658 = arith.muli %min3A_631, %mul3A_657 : vector<16xi32>
    %add3A_659 = arith.addi %mul3A_658, %min3A_616 : vector<16xi32>
    %swap3A_660 = arith.constant 64 : index
    %swap3A_661 = tpu.vector_load %arg12[%swap3A_660] {strides = array<i32>} : memref<128xi32, #tpu.memory_space<vmem>>, vector<16xi32>,
    %swap3A_662 = vector.shape_cast %swap3A_661 : vector<16xi32> to vector<16xi32>
    %swap3A_663 = vector.shape_cast %add3A_659 : vector<16xi32> to vector<16xi32>
    tpu.vector_store %arg12[%swap3A_660], %swap3A_663 {strides = array<i32>} : memref<128xi32, #tpu.memory_space<vmem>>, vector<16xi32>,
    %sub3A_664 = arith.subf %add3A_598, %div3A_566 : vector<16xf32>
    %sub3A_665 = arith.subf %add3A_601, %div3A_575 : vector<16xf32>
    %mul3A_666 = arith.mulf %sub3A_664, %sub3A_665 : vector<16xf32>
    %swap3A_667 = arith.constant 64 : index
    %swap3A_668 = tpu.vector_load %arg13[%swap3A_667] {strides = array<i32>} : memref<128xf32, #tpu.memory_space<vmem>>, vector<16xf32>,
    %swap3A_669 = vector.shape_cast %swap3A_668 : vector<16xf32> to vector<16xf32>
    %swap3A_670 = vector.shape_cast %mul3A_666 : vector<16xf32> to vector<16xf32>
    tpu.vector_store %arg13[%swap3A_667], %swap3A_670 {strides = array<i32>} : memref<128xf32, #tpu.memory_space<vmem>>, vector<16xf32>,
    %sub3A_671 = arith.subf %add3A_598, %div3A_566 : vector<16xf32>
    %sub3A_672 = arith.subf %div3A_575, %convert_element_type3A_595 : vector<16xf32>
    %mul3A_673 = arith.mulf %sub3A_671, %sub3A_672 : vector<16xf32>
    %swap3A_674 = arith.constant 64 : index
    %swap3A_675 = tpu.vector_load %arg14[%swap3A_674] {strides = array<i32>} : memref<128xf32, #tpu.memory_space<vmem>>, vector<16xf32>,
    %swap3A_676 = vector.shape_cast %swap3A_675 : vector<16xf32> to vector<16xf32>
    %swap3A_677 = vector.shape_cast %mul3A_673 : vector<16xf32> to vector<16xf32>
    tpu.vector_store %arg14[%swap3A_674], %swap3A_677 {strides = array<i32>} : memref<128xf32, #tpu.memory_space<vmem>>, vector<16xf32>,
    %sub3A_678 = arith.subf %div3A_566, %convert_element_type3A_594 : vector<16xf32>
    %sub3A_679 = arith.subf %add3A_601, %div3A_575 : vector<16xf32>
    %mul3A_680 = arith.mulf %sub3A_678, %sub3A_679 : vector<16xf32>
    %swap3A_681 = arith.constant 64 : index
    %swap3A_682 = tpu.vector_load %arg15[%swap3A_681] {strides = array<i32>} : memref<128xf32, #tpu.memory_space<vmem>>, vector<16xf32>,
    %swap3A_683 = vector.shape_cast %swap3A_682 : vector<16xf32> to vector<16xf32>
    %swap3A_684 = vector.shape_cast %mul3A_680 : vector<16xf32> to vector<16xf32>
    tpu.vector_store %arg15[%swap3A_681], %swap3A_684 {strides = array<i32>} : memref<128xf32, #tpu.memory_space<vmem>>, vector<16xf32>,
    %sub3A_685 = arith.subf %div3A_566, %convert_element_type3A_594 : vector<16xf32>
    %sub3A_686 = arith.subf %div3A_575, %convert_element_type3A_595 : vector<16xf32>
    %mul3A_687 = arith.mulf %sub3A_685, %sub3A_686 : vector<16xf32>
    %swap3A_688 = arith.constant 64 : index
    %swap3A_689 = tpu.vector_load %arg16[%swap3A_688] {strides = array<i32>} : memref<128xf32, #tpu.memory_space<vmem>>, vector<16xf32>,
    %swap3A_690 = vector.shape_cast %swap3A_689 : vector<16xf32> to vector<16xf32>
    %swap3A_691 = vector.shape_cast %mul3A_687 : vector<16xf32> to vector<16xf32>
    tpu.vector_store %arg16[%swap3A_688], %swap3A_691 {strides = array<i32>} : memref<128xf32, #tpu.memory_space<vmem>>, vector<16xf32>,
    %get3A_692 = arith.constant 80 : index
    %get3A_693 = tpu.vector_load %arg7[%get3A_692] {strides = array<i32>} : memref<128xf32, #tpu.memory_space<vmem>>, vector<16xf32>,
    %get3A_694 = vector.shape_cast %get3A_693 : vector<16xf32> to vector<16xf32>
    %get3A_695 = arith.constant 80 : index
    %get3A_696 = tpu.vector_load %arg8[%get3A_695] {strides = array<i32>} : memref<128xf32, #tpu.memory_space<vmem>>, vector<16xf32>,
    %get3A_697 = vector.shape_cast %get3A_696 : vector<16xf32> to vector<16xf32>
    %sub3A_698 = arith.constant -75.1999969 : f32
    %sub3A_699 = vector.broadcast %sub3A_698 : f32 to vector<16xf32>
    %sub3A_700 = arith.subf %get3A_694, %sub3A_699 : vector<16xf32>
    %div3A_701 = arith.constant 1.000000e-01 : f32
    %div3A_702 = vector.broadcast %div3A_701 : f32 to vector<16xf32>
    %div3A_703 = arith.divf %sub3A_700, %div3A_702 : vector<16xf32>
    %div3A_704 = arith.constant 8.000000e+00 : f32
    %div3A_705 = vector.broadcast %div3A_704 : f32 to vector<16xf32>
    %div3A_706 = arith.divf %div3A_703, %div3A_705 : vector<16xf32>
    %sub3A_707 = arith.constant -75.1999969 : f32
    %sub3A_708 = vector.broadcast %sub3A_707 : f32 to vector<16xf32>
    %sub3A_709 = arith.subf %get3A_697, %sub3A_708 : vector<16xf32>
    %div3A_710 = arith.constant 1.000000e-01 : f32
    %div3A_711 = vector.broadcast %div3A_710 : f32 to vector<16xf32>
    %div3A_712 = arith.divf %sub3A_709, %div3A_711 : vector<16xf32>
    %div3A_713 = arith.constant 8.000000e+00 : f32
    %div3A_714 = vector.broadcast %div3A_713 : f32 to vector<16xf32>
    %div3A_715 = arith.divf %div3A_712, %div3A_714 : vector<16xf32>
    %convert_element_type3A_716 = arith.fptosi %div3A_706 : vector<16xf32> to vector<16xi32>
    %convert_element_type3A_717 = arith.sitofp %convert_element_type3A_716 : vector<16xi32> to vector<16xf32>
    %gt3A_718 = arith.cmpf ogt, %convert_element_type3A_717, %div3A_706 : vector<16xf32>
    %jit3A_719 = arith.constant 1 : i32
    %jit3A_720 = arith.constant 0 : i32
    %broadcast_in_dim3A_721 = vector.broadcast %jit3A_719 : i32 to vector<16xi32>
    %broadcast_in_dim3A_722 = vector.broadcast %jit3A_720 : i32 to vector<16xi32>
    %select_n3A_723 = arith.select %gt3A_718, %broadcast_in_dim3A_721, %broadcast_in_dim3A_722 : vector<16xi1>, vector<16xi32>
    %sub3A_724 = arith.subi %convert_element_type3A_716, %select_n3A_723 : vector<16xi32>
    %convert_element_type3A_725 = arith.fptosi %div3A_715 : vector<16xf32> to vector<16xi32>
    %convert_element_type3A_726 = arith.sitofp %convert_element_type3A_725 : vector<16xi32> to vector<16xf32>
    %gt3A_727 = arith.cmpf ogt, %convert_element_type3A_726, %div3A_715 : vector<16xf32>
    %jit3A_728 = arith.constant 1 : i32
    %jit3A_729 = arith.constant 0 : i32
    %broadcast_in_dim3A_730 = vector.broadcast %jit3A_728 : i32 to vector<16xi32>
    %broadcast_in_dim3A_731 = vector.broadcast %jit3A_729 : i32 to vector<16xi32>
    %select_n3A_732 = arith.select %gt3A_727, %broadcast_in_dim3A_730, %broadcast_in_dim3A_731 : vector<16xi1>, vector<16xi32>
    %sub3A_733 = arith.subi %convert_element_type3A_725, %select_n3A_732 : vector<16xi32>
    %convert_element_type3A_734 = arith.sitofp %sub3A_724 : vector<16xi32> to vector<16xf32>
    %convert_element_type3A_735 = arith.sitofp %sub3A_733 : vector<16xi32> to vector<16xf32>
    %add3A_736 = arith.constant 1.000000e+00 : f32
    %add3A_737 = vector.broadcast %add3A_736 : f32 to vector<16xf32>
    %add3A_738 = arith.addf %convert_element_type3A_734, %add3A_737 : vector<16xf32>
    %add3A_739 = arith.constant 1.000000e+00 : f32
    %add3A_740 = vector.broadcast %add3A_739 : f32 to vector<16xf32>
    %add3A_741 = arith.addf %convert_element_type3A_735, %add3A_740 : vector<16xf32>
    %jit3A_742 = arith.constant 0 : i32
    %jit3A_743 = arith.constant 187 : i32
    %max3A_744 = vector.broadcast %jit3A_742 : i32 to vector<16xi32>
    %max3A_745 = arith.maxsi %max3A_744, %sub3A_724 : vector<16xi32>
    %min3A_746 = vector.broadcast %jit3A_743 : i32 to vector<16xi32>
    %min3A_747 = arith.minsi %min3A_746, %max3A_745 : vector<16xi32>
    %add3A_748 = arith.constant 1 : i32
    %add3A_749 = vector.broadcast %add3A_748 : i32 to vector<16xi32>
    %add3A_750 = arith.addi %sub3A_724, %add3A_749 : vector<16xi32>
    %jit3A_751 = arith.constant 0 : i32
    %jit3A_752 = arith.constant 187 : i32
    %max3A_753 = vector.broadcast %jit3A_751 : i32 to vector<16xi32>
    %max3A_754 = arith.maxsi %max3A_753, %add3A_750 : vector<16xi32>
    %min3A_755 = vector.broadcast %jit3A_752 : i32 to vector<16xi32>
    %min3A_756 = arith.minsi %min3A_755, %max3A_754 : vector<16xi32>
    %jit3A_757 = arith.constant 0 : i32
    %jit3A_758 = arith.constant 187 : i32
    %max3A_759 = vector.broadcast %jit3A_757 : i32 to vector<16xi32>
    %max3A_760 = arith.maxsi %max3A_759, %sub3A_733 : vector<16xi32>
    %min3A_761 = vector.broadcast %jit3A_758 : i32 to vector<16xi32>
    %min3A_762 = arith.minsi %min3A_761, %max3A_760 : vector<16xi32>
    %add3A_763 = arith.constant 1 : i32
    %add3A_764 = vector.broadcast %add3A_763 : i32 to vector<16xi32>
    %add3A_765 = arith.addi %sub3A_733, %add3A_764 : vector<16xi32>
    %jit3A_766 = arith.constant 0 : i32
    %jit3A_767 = arith.constant 187 : i32
    %max3A_768 = vector.broadcast %jit3A_766 : i32 to vector<16xi32>
    %max3A_769 = arith.maxsi %max3A_768, %add3A_765 : vector<16xi32>
    %min3A_770 = vector.broadcast %jit3A_767 : i32 to vector<16xi32>
    %min3A_771 = arith.minsi %min3A_770, %max3A_769 : vector<16xi32>
    %mul3A_772 = arith.constant 188 : i32
    %mul3A_773 = vector.broadcast %mul3A_772 : i32 to vector<16xi32>
    %mul3A_774 = arith.muli %min3A_762, %mul3A_773 : vector<16xi32>
    %add3A_775 = arith.addi %mul3A_774, %min3A_747 : vector<16xi32>
    %swap3A_776 = arith.constant 80 : index
    %swap3A_777 = tpu.vector_load %arg9[%swap3A_776] {strides = array<i32>} : memref<128xi32, #tpu.memory_space<vmem>>, vector<16xi32>,
    %swap3A_778 = vector.shape_cast %swap3A_777 : vector<16xi32> to vector<16xi32>
    %swap3A_779 = vector.shape_cast %add3A_775 : vector<16xi32> to vector<16xi32>
    tpu.vector_store %arg9[%swap3A_776], %swap3A_779 {strides = array<i32>} : memref<128xi32, #tpu.memory_space<vmem>>, vector<16xi32>,
    %mul3A_780 = arith.constant 188 : i32
    %mul3A_781 = vector.broadcast %mul3A_780 : i32 to vector<16xi32>
    %mul3A_782 = arith.muli %min3A_771, %mul3A_781 : vector<16xi32>
    %add3A_783 = arith.addi %mul3A_782, %min3A_747 : vector<16xi32>
    %swap3A_784 = arith.constant 80 : index
    %swap3A_785 = tpu.vector_load %arg10[%swap3A_784] {strides = array<i32>} : memref<128xi32, #tpu.memory_space<vmem>>, vector<16xi32>,
    %swap3A_786 = vector.shape_cast %swap3A_785 : vector<16xi32> to vector<16xi32>
    %swap3A_787 = vector.shape_cast %add3A_783 : vector<16xi32> to vector<16xi32>
    tpu.vector_store %arg10[%swap3A_784], %swap3A_787 {strides = array<i32>} : memref<128xi32, #tpu.memory_space<vmem>>, vector<16xi32>,
    %mul3A_788 = arith.constant 188 : i32
    %mul3A_789 = vector.broadcast %mul3A_788 : i32 to vector<16xi32>
    %mul3A_790 = arith.muli %min3A_762, %mul3A_789 : vector<16xi32>
    %add3A_791 = arith.addi %mul3A_790, %min3A_756 : vector<16xi32>
    %swap3A_792 = arith.constant 80 : index
    %swap3A_793 = tpu.vector_load %arg11[%swap3A_792] {strides = array<i32>} : memref<128xi32, #tpu.memory_space<vmem>>, vector<16xi32>,
    %swap3A_794 = vector.shape_cast %swap3A_793 : vector<16xi32> to vector<16xi32>
    %swap3A_795 = vector.shape_cast %add3A_791 : vector<16xi32> to vector<16xi32>
    tpu.vector_store %arg11[%swap3A_792], %swap3A_795 {strides = array<i32>} : memref<128xi32, #tpu.memory_space<vmem>>, vector<16xi32>,
    %mul3A_796 = arith.constant 188 : i32
    %mul3A_797 = vector.broadcast %mul3A_796 : i32 to vector<16xi32>
    %mul3A_798 = arith.muli %min3A_771, %mul3A_797 : vector<16xi32>
    %add3A_799 = arith.addi %mul3A_798, %min3A_756 : vector<16xi32>
    %swap3A_800 = arith.constant 80 : index
    %swap3A_801 = tpu.vector_load %arg12[%swap3A_800] {strides = array<i32>} : memref<128xi32, #tpu.memory_space<vmem>>, vector<16xi32>,
    %swap3A_802 = vector.shape_cast %swap3A_801 : vector<16xi32> to vector<16xi32>
    %swap3A_803 = vector.shape_cast %add3A_799 : vector<16xi32> to vector<16xi32>
    tpu.vector_store %arg12[%swap3A_800], %swap3A_803 {strides = array<i32>} : memref<128xi32, #tpu.memory_space<vmem>>, vector<16xi32>,
    %sub3A_804 = arith.subf %add3A_738, %div3A_706 : vector<16xf32>
    %sub3A_805 = arith.subf %add3A_741, %div3A_715 : vector<16xf32>
    %mul3A_806 = arith.mulf %sub3A_804, %sub3A_805 : vector<16xf32>
    %swap3A_807 = arith.constant 80 : index
    %swap3A_808 = tpu.vector_load %arg13[%swap3A_807] {strides = array<i32>} : memref<128xf32, #tpu.memory_space<vmem>>, vector<16xf32>,
    %swap3A_809 = vector.shape_cast %swap3A_808 : vector<16xf32> to vector<16xf32>
    %swap3A_810 = vector.shape_cast %mul3A_806 : vector<16xf32> to vector<16xf32>
    tpu.vector_store %arg13[%swap3A_807], %swap3A_810 {strides = array<i32>} : memref<128xf32, #tpu.memory_space<vmem>>, vector<16xf32>,
    %sub3A_811 = arith.subf %add3A_738, %div3A_706 : vector<16xf32>
    %sub3A_812 = arith.subf %div3A_715, %convert_element_type3A_735 : vector<16xf32>
    %mul3A_813 = arith.mulf %sub3A_811, %sub3A_812 : vector<16xf32>
    %swap3A_814 = arith.constant 80 : index
    %swap3A_815 = tpu.vector_load %arg14[%swap3A_814] {strides = array<i32>} : memref<128xf32, #tpu.memory_space<vmem>>, vector<16xf32>,
    %swap3A_816 = vector.shape_cast %swap3A_815 : vector<16xf32> to vector<16xf32>
    %swap3A_817 = vector.shape_cast %mul3A_813 : vector<16xf32> to vector<16xf32>
    tpu.vector_store %arg14[%swap3A_814], %swap3A_817 {strides = array<i32>} : memref<128xf32, #tpu.memory_space<vmem>>, vector<16xf32>,
    %sub3A_818 = arith.subf %div3A_706, %convert_element_type3A_734 : vector<16xf32>
    %sub3A_819 = arith.subf %add3A_741, %div3A_715 : vector<16xf32>
    %mul3A_820 = arith.mulf %sub3A_818, %sub3A_819 : vector<16xf32>
    %swap3A_821 = arith.constant 80 : index
    %swap3A_822 = tpu.vector_load %arg15[%swap3A_821] {strides = array<i32>} : memref<128xf32, #tpu.memory_space<vmem>>, vector<16xf32>,
    %swap3A_823 = vector.shape_cast %swap3A_822 : vector<16xf32> to vector<16xf32>
    %swap3A_824 = vector.shape_cast %mul3A_820 : vector<16xf32> to vector<16xf32>
    tpu.vector_store %arg15[%swap3A_821], %swap3A_824 {strides = array<i32>} : memref<128xf32, #tpu.memory_space<vmem>>, vector<16xf32>,
    %sub3A_825 = arith.subf %div3A_706, %convert_element_type3A_734 : vector<16xf32>
    %sub3A_826 = arith.subf %div3A_715, %convert_element_type3A_735 : vector<16xf32>
    %mul3A_827 = arith.mulf %sub3A_825, %sub3A_826 : vector<16xf32>
    %swap3A_828 = arith.constant 80 : index
    %swap3A_829 = tpu.vector_load %arg16[%swap3A_828] {strides = array<i32>} : memref<128xf32, #tpu.memory_space<vmem>>, vector<16xf32>,
    %swap3A_830 = vector.shape_cast %swap3A_829 : vector<16xf32> to vector<16xf32>
    %swap3A_831 = vector.shape_cast %mul3A_827 : vector<16xf32> to vector<16xf32>
    tpu.vector_store %arg16[%swap3A_828], %swap3A_831 {strides = array<i32>} : memref<128xf32, #tpu.memory_space<vmem>>, vector<16xf32>,
    %get3A_832 = arith.constant 96 : index
    %get3A_833 = tpu.vector_load %arg7[%get3A_832] {strides = array<i32>} : memref<128xf32, #tpu.memory_space<vmem>>, vector<16xf32>,
    %get3A_834 = vector.shape_cast %get3A_833 : vector<16xf32> to vector<16xf32>
    %get3A_835 = arith.constant 96 : index
    %get3A_836 = tpu.vector_load %arg8[%get3A_835] {strides = array<i32>} : memref<128xf32, #tpu.memory_space<vmem>>, vector<16xf32>,
    %get3A_837 = vector.shape_cast %get3A_836 : vector<16xf32> to vector<16xf32>
    %sub3A_838 = arith.constant -75.1999969 : f32
    %sub3A_839 = vector.broadcast %sub3A_838 : f32 to vector<16xf32>
    %sub3A_840 = arith.subf %get3A_834, %sub3A_839 : vector<16xf32>
    %div3A_841 = arith.constant 1.000000e-01 : f32
    %div3A_842 = vector.broadcast %div3A_841 : f32 to vector<16xf32>
    %div3A_843 = arith.divf %sub3A_840, %div3A_842 : vector<16xf32>
    %div3A_844 = arith.constant 8.000000e+00 : f32
    %div3A_845 = vector.broadcast %div3A_844 : f32 to vector<16xf32>
    %div3A_846 = arith.divf %div3A_843, %div3A_845 : vector<16xf32>
    %sub3A_847 = arith.constant -75.1999969 : f32
    %sub3A_848 = vector.broadcast %sub3A_847 : f32 to vector<16xf32>
    %sub3A_849 = arith.subf %get3A_837, %sub3A_848 : vector<16xf32>
    %div3A_850 = arith.constant 1.000000e-01 : f32
    %div3A_851 = vector.broadcast %div3A_850 : f32 to vector<16xf32>
    %div3A_852 = arith.divf %sub3A_849, %div3A_851 : vector<16xf32>
    %div3A_853 = arith.constant 8.000000e+00 : f32
    %div3A_854 = vector.broadcast %div3A_853 : f32 to vector<16xf32>
    %div3A_855 = arith.divf %div3A_852, %div3A_854 : vector<16xf32>
    %convert_element_type3A_856 = arith.fptosi %div3A_846 : vector<16xf32> to vector<16xi32>
    %convert_element_type3A_857 = arith.sitofp %convert_element_type3A_856 : vector<16xi32> to vector<16xf32>
    %gt3A_858 = arith.cmpf ogt, %convert_element_type3A_857, %div3A_846 : vector<16xf32>
    %jit3A_859 = arith.constant 1 : i32
    %jit3A_860 = arith.constant 0 : i32
    %broadcast_in_dim3A_861 = vector.broadcast %jit3A_859 : i32 to vector<16xi32>
    %broadcast_in_dim3A_862 = vector.broadcast %jit3A_860 : i32 to vector<16xi32>
    %select_n3A_863 = arith.select %gt3A_858, %broadcast_in_dim3A_861, %broadcast_in_dim3A_862 : vector<16xi1>, vector<16xi32>
    %sub3A_864 = arith.subi %convert_element_type3A_856, %select_n3A_863 : vector<16xi32>
    %convert_element_type3A_865 = arith.fptosi %div3A_855 : vector<16xf32> to vector<16xi32>
    %convert_element_type3A_866 = arith.sitofp %convert_element_type3A_865 : vector<16xi32> to vector<16xf32>
    %gt3A_867 = arith.cmpf ogt, %convert_element_type3A_866, %div3A_855 : vector<16xf32>
    %jit3A_868 = arith.constant 1 : i32
    %jit3A_869 = arith.constant 0 : i32
    %broadcast_in_dim3A_870 = vector.broadcast %jit3A_868 : i32 to vector<16xi32>
    %broadcast_in_dim3A_871 = vector.broadcast %jit3A_869 : i32 to vector<16xi32>
    %select_n3A_872 = arith.select %gt3A_867, %broadcast_in_dim3A_870, %broadcast_in_dim3A_871 : vector<16xi1>, vector<16xi32>
    %sub3A_873 = arith.subi %convert_element_type3A_865, %select_n3A_872 : vector<16xi32>
    %convert_element_type3A_874 = arith.sitofp %sub3A_864 : vector<16xi32> to vector<16xf32>
    %convert_element_type3A_875 = arith.sitofp %sub3A_873 : vector<16xi32> to vector<16xf32>
    %add3A_876 = arith.constant 1.000000e+00 : f32
    %add3A_877 = vector.broadcast %add3A_876 : f32 to vector<16xf32>
    %add3A_878 = arith.addf %convert_element_type3A_874, %add3A_877 : vector<16xf32>
    %add3A_879 = arith.constant 1.000000e+00 : f32
    %add3A_880 = vector.broadcast %add3A_879 : f32 to vector<16xf32>
    %add3A_881 = arith.addf %convert_element_type3A_875, %add3A_880 : vector<16xf32>
    %jit3A_882 = arith.constant 0 : i32
    %jit3A_883 = arith.constant 187 : i32
    %max3A_884 = vector.broadcast %jit3A_882 : i32 to vector<16xi32>
    %max3A_885 = arith.maxsi %max3A_884, %sub3A_864 : vector<16xi32>
    %min3A_886 = vector.broadcast %jit3A_883 : i32 to vector<16xi32>
    %min3A_887 = arith.minsi %min3A_886, %max3A_885 : vector<16xi32>
    %add3A_888 = arith.constant 1 : i32
    %add3A_889 = vector.broadcast %add3A_888 : i32 to vector<16xi32>
    %add3A_890 = arith.addi %sub3A_864, %add3A_889 : vector<16xi32>
    %jit3A_891 = arith.constant 0 : i32
    %jit3A_892 = arith.constant 187 : i32
    %max3A_893 = vector.broadcast %jit3A_891 : i32 to vector<16xi32>
    %max3A_894 = arith.maxsi %max3A_893, %add3A_890 : vector<16xi32>
    %min3A_895 = vector.broadcast %jit3A_892 : i32 to vector<16xi32>
    %min3A_896 = arith.minsi %min3A_895, %max3A_894 : vector<16xi32>
    %jit3A_897 = arith.constant 0 : i32
    %jit3A_898 = arith.constant 187 : i32
    %max3A_899 = vector.broadcast %jit3A_897 : i32 to vector<16xi32>
    %max3A_900 = arith.maxsi %max3A_899, %sub3A_873 : vector<16xi32>
    %min3A_901 = vector.broadcast %jit3A_898 : i32 to vector<16xi32>
    %min3A_902 = arith.minsi %min3A_901, %max3A_900 : vector<16xi32>
    %add3A_903 = arith.constant 1 : i32
    %add3A_904 = vector.broadcast %add3A_903 : i32 to vector<16xi32>
    %add3A_905 = arith.addi %sub3A_873, %add3A_904 : vector<16xi32>
    %jit3A_906 = arith.constant 0 : i32
    %jit3A_907 = arith.constant 187 : i32
    %max3A_908 = vector.broadcast %jit3A_906 : i32 to vector<16xi32>
    %max3A_909 = arith.maxsi %max3A_908, %add3A_905 : vector<16xi32>
    %min3A_910 = vector.broadcast %jit3A_907 : i32 to vector<16xi32>
    %min3A_911 = arith.minsi %min3A_910, %max3A_909 : vector<16xi32>
    %mul3A_912 = arith.constant 188 : i32
    %mul3A_913 = vector.broadcast %mul3A_912 : i32 to vector<16xi32>
    %mul3A_914 = arith.muli %min3A_902, %mul3A_913 : vector<16xi32>
    %add3A_915 = arith.addi %mul3A_914, %min3A_887 : vector<16xi32>
    %swap3A_916 = arith.constant 96 : index
    %swap3A_917 = tpu.vector_load %arg9[%swap3A_916] {strides = array<i32>} : memref<128xi32, #tpu.memory_space<vmem>>, vector<16xi32>,
    %swap3A_918 = vector.shape_cast %swap3A_917 : vector<16xi32> to vector<16xi32>
    %swap3A_919 = vector.shape_cast %add3A_915 : vector<16xi32> to vector<16xi32>
    tpu.vector_store %arg9[%swap3A_916], %swap3A_919 {strides = array<i32>} : memref<128xi32, #tpu.memory_space<vmem>>, vector<16xi32>,
    %mul3A_920 = arith.constant 188 : i32
    %mul3A_921 = vector.broadcast %mul3A_920 : i32 to vector<16xi32>
    %mul3A_922 = arith.muli %min3A_911, %mul3A_921 : vector<16xi32>
    %add3A_923 = arith.addi %mul3A_922, %min3A_887 : vector<16xi32>
    %swap3A_924 = arith.constant 96 : index
    %swap3A_925 = tpu.vector_load %arg10[%swap3A_924] {strides = array<i32>} : memref<128xi32, #tpu.memory_space<vmem>>, vector<16xi32>,
    %swap3A_926 = vector.shape_cast %swap3A_925 : vector<16xi32> to vector<16xi32>
    %swap3A_927 = vector.shape_cast %add3A_923 : vector<16xi32> to vector<16xi32>
    tpu.vector_store %arg10[%swap3A_924], %swap3A_927 {strides = array<i32>} : memref<128xi32, #tpu.memory_space<vmem>>, vector<16xi32>,
    %mul3A_928 = arith.constant 188 : i32
    %mul3A_929 = vector.broadcast %mul3A_928 : i32 to vector<16xi32>
    %mul3A_930 = arith.muli %min3A_902, %mul3A_929 : vector<16xi32>
    %add3A_931 = arith.addi %mul3A_930, %min3A_896 : vector<16xi32>
    %swap3A_932 = arith.constant 96 : index
    %swap3A_933 = tpu.vector_load %arg11[%swap3A_932] {strides = array<i32>} : memref<128xi32, #tpu.memory_space<vmem>>, vector<16xi32>,
    %swap3A_934 = vector.shape_cast %swap3A_933 : vector<16xi32> to vector<16xi32>
    %swap3A_935 = vector.shape_cast %add3A_931 : vector<16xi32> to vector<16xi32>
    tpu.vector_store %arg11[%swap3A_932], %swap3A_935 {strides = array<i32>} : memref<128xi32, #tpu.memory_space<vmem>>, vector<16xi32>,
    %mul3A_936 = arith.constant 188 : i32
    %mul3A_937 = vector.broadcast %mul3A_936 : i32 to vector<16xi32>
    %mul3A_938 = arith.muli %min3A_911, %mul3A_937 : vector<16xi32>
    %add3A_939 = arith.addi %mul3A_938, %min3A_896 : vector<16xi32>
    %swap3A_940 = arith.constant 96 : index
    %swap3A_941 = tpu.vector_load %arg12[%swap3A_940] {strides = array<i32>} : memref<128xi32, #tpu.memory_space<vmem>>, vector<16xi32>,
    %swap3A_942 = vector.shape_cast %swap3A_941 : vector<16xi32> to vector<16xi32>
    %swap3A_943 = vector.shape_cast %add3A_939 : vector<16xi32> to vector<16xi32>
    tpu.vector_store %arg12[%swap3A_940], %swap3A_943 {strides = array<i32>} : memref<128xi32, #tpu.memory_space<vmem>>, vector<16xi32>,
    %sub3A_944 = arith.subf %add3A_878, %div3A_846 : vector<16xf32>
    %sub3A_945 = arith.subf %add3A_881, %div3A_855 : vector<16xf32>
    %mul3A_946 = arith.mulf %sub3A_944, %sub3A_945 : vector<16xf32>
    %swap3A_947 = arith.constant 96 : index
    %swap3A_948 = tpu.vector_load %arg13[%swap3A_947] {strides = array<i32>} : memref<128xf32, #tpu.memory_space<vmem>>, vector<16xf32>,
    %swap3A_949 = vector.shape_cast %swap3A_948 : vector<16xf32> to vector<16xf32>
    %swap3A_950 = vector.shape_cast %mul3A_946 : vector<16xf32> to vector<16xf32>
    tpu.vector_store %arg13[%swap3A_947], %swap3A_950 {strides = array<i32>} : memref<128xf32, #tpu.memory_space<vmem>>, vector<16xf32>,
    %sub3A_951 = arith.subf %add3A_878, %div3A_846 : vector<16xf32>
    %sub3A_952 = arith.subf %div3A_855, %convert_element_type3A_875 : vector<16xf32>
    %mul3A_953 = arith.mulf %sub3A_951, %sub3A_952 : vector<16xf32>
    %swap3A_954 = arith.constant 96 : index
    %swap3A_955 = tpu.vector_load %arg14[%swap3A_954] {strides = array<i32>} : memref<128xf32, #tpu.memory_space<vmem>>, vector<16xf32>,
    %swap3A_956 = vector.shape_cast %swap3A_955 : vector<16xf32> to vector<16xf32>
    %swap3A_957 = vector.shape_cast %mul3A_953 : vector<16xf32> to vector<16xf32>
    tpu.vector_store %arg14[%swap3A_954], %swap3A_957 {strides = array<i32>} : memref<128xf32, #tpu.memory_space<vmem>>, vector<16xf32>,
    %sub3A_958 = arith.subf %div3A_846, %convert_element_type3A_874 : vector<16xf32>
    %sub3A_959 = arith.subf %add3A_881, %div3A_855 : vector<16xf32>
    %mul3A_960 = arith.mulf %sub3A_958, %sub3A_959 : vector<16xf32>
    %swap3A_961 = arith.constant 96 : index
    %swap3A_962 = tpu.vector_load %arg15[%swap3A_961] {strides = array<i32>} : memref<128xf32, #tpu.memory_space<vmem>>, vector<16xf32>,
    %swap3A_963 = vector.shape_cast %swap3A_962 : vector<16xf32> to vector<16xf32>
    %swap3A_964 = vector.shape_cast %mul3A_960 : vector<16xf32> to vector<16xf32>
    tpu.vector_store %arg15[%swap3A_961], %swap3A_964 {strides = array<i32>} : memref<128xf32, #tpu.memory_space<vmem>>, vector<16xf32>,
    %sub3A_965 = arith.subf %div3A_846, %convert_element_type3A_874 : vector<16xf32>
    %sub3A_966 = arith.subf %div3A_855, %convert_element_type3A_875 : vector<16xf32>
    %mul3A_967 = arith.mulf %sub3A_965, %sub3A_966 : vector<16xf32>
    %swap3A_968 = arith.constant 96 : index
    %swap3A_969 = tpu.vector_load %arg16[%swap3A_968] {strides = array<i32>} : memref<128xf32, #tpu.memory_space<vmem>>, vector<16xf32>,
    %swap3A_970 = vector.shape_cast %swap3A_969 : vector<16xf32> to vector<16xf32>
    %swap3A_971 = vector.shape_cast %mul3A_967 : vector<16xf32> to vector<16xf32>
    tpu.vector_store %arg16[%swap3A_968], %swap3A_971 {strides = array<i32>} : memref<128xf32, #tpu.memory_space<vmem>>, vector<16xf32>,
    %get3A_972 = arith.constant 112 : index
    %get3A_973 = tpu.vector_load %arg7[%get3A_972] {strides = array<i32>} : memref<128xf32, #tpu.memory_space<vmem>>, vector<16xf32>,
    %get3A_974 = vector.shape_cast %get3A_973 : vector<16xf32> to vector<16xf32>
    %get3A_975 = arith.constant 112 : index
    %get3A_976 = tpu.vector_load %arg8[%get3A_975] {strides = array<i32>} : memref<128xf32, #tpu.memory_space<vmem>>, vector<16xf32>,
    %get3A_977 = vector.shape_cast %get3A_976 : vector<16xf32> to vector<16xf32>
    %sub3A_978 = arith.constant -75.1999969 : f32
    %sub3A_979 = vector.broadcast %sub3A_978 : f32 to vector<16xf32>
    %sub3A_980 = arith.subf %get3A_974, %sub3A_979 : vector<16xf32>
    %div3A_981 = arith.constant 1.000000e-01 : f32
    %div3A_982 = vector.broadcast %div3A_981 : f32 to vector<16xf32>
    %div3A_983 = arith.divf %sub3A_980, %div3A_982 : vector<16xf32>
    %div3A_984 = arith.constant 8.000000e+00 : f32
    %div3A_985 = vector.broadcast %div3A_984 : f32 to vector<16xf32>
    %div3A_986 = arith.divf %div3A_983, %div3A_985 : vector<16xf32>
    %sub3A_987 = arith.constant -75.1999969 : f32
    %sub3A_988 = vector.broadcast %sub3A_987 : f32 to vector<16xf32>
    %sub3A_989 = arith.subf %get3A_977, %sub3A_988 : vector<16xf32>
    %div3A_990 = arith.constant 1.000000e-01 : f32
    %div3A_991 = vector.broadcast %div3A_990 : f32 to vector<16xf32>
    %div3A_992 = arith.divf %sub3A_989, %div3A_991 : vector<16xf32>
    %div3A_993 = arith.constant 8.000000e+00 : f32
    %div3A_994 = vector.broadcast %div3A_993 : f32 to vector<16xf32>
    %div3A_995 = arith.divf %div3A_992, %div3A_994 : vector<16xf32>
    %convert_element_type3A_996 = arith.fptosi %div3A_986 : vector<16xf32> to vector<16xi32>
    %convert_element_type3A_997 = arith.sitofp %convert_element_type3A_996 : vector<16xi32> to vector<16xf32>
    %gt3A_998 = arith.cmpf ogt, %convert_element_type3A_997, %div3A_986 : vector<16xf32>
    %jit3A_999 = arith.constant 1 : i32
    %jit3A_1000 = arith.constant 0 : i32
    %broadcast_in_dim3A_1001 = vector.broadcast %jit3A_999 : i32 to vector<16xi32>
    %broadcast_in_dim3A_1002 = vector.broadcast %jit3A_1000 : i32 to vector<16xi32>
    %select_n3A_1003 = arith.select %gt3A_998, %broadcast_in_dim3A_1001, %broadcast_in_dim3A_1002 : vector<16xi1>, vector<16xi32>
    %sub3A_1004 = arith.subi %convert_element_type3A_996, %select_n3A_1003 : vector<16xi32>
    %convert_element_type3A_1005 = arith.fptosi %div3A_995 : vector<16xf32> to vector<16xi32>
    %convert_element_type3A_1006 = arith.sitofp %convert_element_type3A_1005 : vector<16xi32> to vector<16xf32>
    %gt3A_1007 = arith.cmpf ogt, %convert_element_type3A_1006, %div3A_995 : vector<16xf32>
    %jit3A_1008 = arith.constant 1 : i32
    %jit3A_1009 = arith.constant 0 : i32
    %broadcast_in_dim3A_1010 = vector.broadcast %jit3A_1008 : i32 to vector<16xi32>
    %broadcast_in_dim3A_1011 = vector.broadcast %jit3A_1009 : i32 to vector<16xi32>
    %select_n3A_1012 = arith.select %gt3A_1007, %broadcast_in_dim3A_1010, %broadcast_in_dim3A_1011 : vector<16xi1>, vector<16xi32>
    %sub3A_1013 = arith.subi %convert_element_type3A_1005, %select_n3A_1012 : vector<16xi32>
    %convert_element_type3A_1014 = arith.sitofp %sub3A_1004 : vector<16xi32> to vector<16xf32>
    %convert_element_type3A_1015 = arith.sitofp %sub3A_1013 : vector<16xi32> to vector<16xf32>
    %add3A_1016 = arith.constant 1.000000e+00 : f32
    %add3A_1017 = vector.broadcast %add3A_1016 : f32 to vector<16xf32>
    %add3A_1018 = arith.addf %convert_element_type3A_1014, %add3A_1017 : vector<16xf32>
    %add3A_1019 = arith.constant 1.000000e+00 : f32
    %add3A_1020 = vector.broadcast %add3A_1019 : f32 to vector<16xf32>
    %add3A_1021 = arith.addf %convert_element_type3A_1015, %add3A_1020 : vector<16xf32>
    %jit3A_1022 = arith.constant 0 : i32
    %jit3A_1023 = arith.constant 187 : i32
    %max3A_1024 = vector.broadcast %jit3A_1022 : i32 to vector<16xi32>
    %max3A_1025 = arith.maxsi %max3A_1024, %sub3A_1004 : vector<16xi32>
    %min3A_1026 = vector.broadcast %jit3A_1023 : i32 to vector<16xi32>
    %min3A_1027 = arith.minsi %min3A_1026, %max3A_1025 : vector<16xi32>
    %add3A_1028 = arith.constant 1 : i32
    %add3A_1029 = vector.broadcast %add3A_1028 : i32 to vector<16xi32>
    %add3A_1030 = arith.addi %sub3A_1004, %add3A_1029 : vector<16xi32>
    %jit3A_1031 = arith.constant 0 : i32
    %jit3A_1032 = arith.constant 187 : i32
    %max3A_1033 = vector.broadcast %jit3A_1031 : i32 to vector<16xi32>
    %max3A_1034 = arith.maxsi %max3A_1033, %add3A_1030 : vector<16xi32>
    %min3A_1035 = vector.broadcast %jit3A_1032 : i32 to vector<16xi32>
    %min3A_1036 = arith.minsi %min3A_1035, %max3A_1034 : vector<16xi32>
    %jit3A_1037 = arith.constant 0 : i32
    %jit3A_1038 = arith.constant 187 : i32
    %max3A_1039 = vector.broadcast %jit3A_1037 : i32 to vector<16xi32>
    %max3A_1040 = arith.maxsi %max3A_1039, %sub3A_1013 : vector<16xi32>
    %min3A_1041 = vector.broadcast %jit3A_1038 : i32 to vector<16xi32>
    %min3A_1042 = arith.minsi %min3A_1041, %max3A_1040 : vector<16xi32>
    %add3A_1043 = arith.constant 1 : i32
    %add3A_1044 = vector.broadcast %add3A_1043 : i32 to vector<16xi32>
    %add3A_1045 = arith.addi %sub3A_1013, %add3A_1044 : vector<16xi32>
    %jit3A_1046 = arith.constant 0 : i32
    %jit3A_1047 = arith.constant 187 : i32
    %max3A_1048 = vector.broadcast %jit3A_1046 : i32 to vector<16xi32>
    %max3A_1049 = arith.maxsi %max3A_1048, %add3A_1045 : vector<16xi32>
    %min3A_1050 = vector.broadcast %jit3A_1047 : i32 to vector<16xi32>
    %min3A_1051 = arith.minsi %min3A_1050, %max3A_1049 : vector<16xi32>
    %mul3A_1052 = arith.constant 188 : i32
    %mul3A_1053 = vector.broadcast %mul3A_1052 : i32 to vector<16xi32>
    %mul3A_1054 = arith.muli %min3A_1042, %mul3A_1053 : vector<16xi32>
    %add3A_1055 = arith.addi %mul3A_1054, %min3A_1027 : vector<16xi32>
    %swap3A_1056 = arith.constant 112 : index
    %swap3A_1057 = tpu.vector_load %arg9[%swap3A_1056] {strides = array<i32>} : memref<128xi32, #tpu.memory_space<vmem>>, vector<16xi32>,
    %swap3A_1058 = vector.shape_cast %swap3A_1057 : vector<16xi32> to vector<16xi32>
    %swap3A_1059 = vector.shape_cast %add3A_1055 : vector<16xi32> to vector<16xi32>
    tpu.vector_store %arg9[%swap3A_1056], %swap3A_1059 {strides = array<i32>} : memref<128xi32, #tpu.memory_space<vmem>>, vector<16xi32>,
    %mul3A_1060 = arith.constant 188 : i32
    %mul3A_1061 = vector.broadcast %mul3A_1060 : i32 to vector<16xi32>
    %mul3A_1062 = arith.muli %min3A_1051, %mul3A_1061 : vector<16xi32>
    %add3A_1063 = arith.addi %mul3A_1062, %min3A_1027 : vector<16xi32>
    %swap3A_1064 = arith.constant 112 : index
    %swap3A_1065 = tpu.vector_load %arg10[%swap3A_1064] {strides = array<i32>} : memref<128xi32, #tpu.memory_space<vmem>>, vector<16xi32>,
    %swap3A_1066 = vector.shape_cast %swap3A_1065 : vector<16xi32> to vector<16xi32>
    %swap3A_1067 = vector.shape_cast %add3A_1063 : vector<16xi32> to vector<16xi32>
    tpu.vector_store %arg10[%swap3A_1064], %swap3A_1067 {strides = array<i32>} : memref<128xi32, #tpu.memory_space<vmem>>, vector<16xi32>,
    %mul3A_1068 = arith.constant 188 : i32
    %mul3A_1069 = vector.broadcast %mul3A_1068 : i32 to vector<16xi32>
    %mul3A_1070 = arith.muli %min3A_1042, %mul3A_1069 : vector<16xi32>
    %add3A_1071 = arith.addi %mul3A_1070, %min3A_1036 : vector<16xi32>
    %swap3A_1072 = arith.constant 112 : index
    %swap3A_1073 = tpu.vector_load %arg11[%swap3A_1072] {strides = array<i32>} : memref<128xi32, #tpu.memory_space<vmem>>, vector<16xi32>,
    %swap3A_1074 = vector.shape_cast %swap3A_1073 : vector<16xi32> to vector<16xi32>
    %swap3A_1075 = vector.shape_cast %add3A_1071 : vector<16xi32> to vector<16xi32>
    tpu.vector_store %arg11[%swap3A_1072], %swap3A_1075 {strides = array<i32>} : memref<128xi32, #tpu.memory_space<vmem>>, vector<16xi32>,
    %mul3A_1076 = arith.constant 188 : i32
    %mul3A_1077 = vector.broadcast %mul3A_1076 : i32 to vector<16xi32>
    %mul3A_1078 = arith.muli %min3A_1051, %mul3A_1077 : vector<16xi32>
    %add3A_1079 = arith.addi %mul3A_1078, %min3A_1036 : vector<16xi32>
    %swap3A_1080 = arith.constant 112 : index
    %swap3A_1081 = tpu.vector_load %arg12[%swap3A_1080] {strides = array<i32>} : memref<128xi32, #tpu.memory_space<vmem>>, vector<16xi32>,
    %swap3A_1082 = vector.shape_cast %swap3A_1081 : vector<16xi32> to vector<16xi32>
    %swap3A_1083 = vector.shape_cast %add3A_1079 : vector<16xi32> to vector<16xi32>
    tpu.vector_store %arg12[%swap3A_1080], %swap3A_1083 {strides = array<i32>} : memref<128xi32, #tpu.memory_space<vmem>>, vector<16xi32>,
    %sub3A_1084 = arith.subf %add3A_1018, %div3A_986 : vector<16xf32>
    %sub3A_1085 = arith.subf %add3A_1021, %div3A_995 : vector<16xf32>
    %mul3A_1086 = arith.mulf %sub3A_1084, %sub3A_1085 : vector<16xf32>
    %swap3A_1087 = arith.constant 112 : index
    %swap3A_1088 = tpu.vector_load %arg13[%swap3A_1087] {strides = array<i32>} : memref<128xf32, #tpu.memory_space<vmem>>, vector<16xf32>,
    %swap3A_1089 = vector.shape_cast %swap3A_1088 : vector<16xf32> to vector<16xf32>
    %swap3A_1090 = vector.shape_cast %mul3A_1086 : vector<16xf32> to vector<16xf32>
    tpu.vector_store %arg13[%swap3A_1087], %swap3A_1090 {strides = array<i32>} : memref<128xf32, #tpu.memory_space<vmem>>, vector<16xf32>,
    %sub3A_1091 = arith.subf %add3A_1018, %div3A_986 : vector<16xf32>
    %sub3A_1092 = arith.subf %div3A_995, %convert_element_type3A_1015 : vector<16xf32>
    %mul3A_1093 = arith.mulf %sub3A_1091, %sub3A_1092 : vector<16xf32>
    %swap3A_1094 = arith.constant 112 : index
    %swap3A_1095 = tpu.vector_load %arg14[%swap3A_1094] {strides = array<i32>} : memref<128xf32, #tpu.memory_space<vmem>>, vector<16xf32>,
    %swap3A_1096 = vector.shape_cast %swap3A_1095 : vector<16xf32> to vector<16xf32>
    %swap3A_1097 = vector.shape_cast %mul3A_1093 : vector<16xf32> to vector<16xf32>
    tpu.vector_store %arg14[%swap3A_1094], %swap3A_1097 {strides = array<i32>} : memref<128xf32, #tpu.memory_space<vmem>>, vector<16xf32>,
    %sub3A_1098 = arith.subf %div3A_986, %convert_element_type3A_1014 : vector<16xf32>
    %sub3A_1099 = arith.subf %add3A_1021, %div3A_995 : vector<16xf32>
    %mul3A_1100 = arith.mulf %sub3A_1098, %sub3A_1099 : vector<16xf32>
    %swap3A_1101 = arith.constant 112 : index
    %swap3A_1102 = tpu.vector_load %arg15[%swap3A_1101] {strides = array<i32>} : memref<128xf32, #tpu.memory_space<vmem>>, vector<16xf32>,
    %swap3A_1103 = vector.shape_cast %swap3A_1102 : vector<16xf32> to vector<16xf32>
    %swap3A_1104 = vector.shape_cast %mul3A_1100 : vector<16xf32> to vector<16xf32>
    tpu.vector_store %arg15[%swap3A_1101], %swap3A_1104 {strides = array<i32>} : memref<128xf32, #tpu.memory_space<vmem>>, vector<16xf32>,
    %sub3A_1105 = arith.subf %div3A_986, %convert_element_type3A_1014 : vector<16xf32>
    %sub3A_1106 = arith.subf %div3A_995, %convert_element_type3A_1015 : vector<16xf32>
    %mul3A_1107 = arith.mulf %sub3A_1105, %sub3A_1106 : vector<16xf32>
    %swap3A_1108 = arith.constant 112 : index
    %swap3A_1109 = tpu.vector_load %arg16[%swap3A_1108] {strides = array<i32>} : memref<128xf32, #tpu.memory_space<vmem>>, vector<16xf32>,
    %swap3A_1110 = vector.shape_cast %swap3A_1109 : vector<16xf32> to vector<16xf32>
    %swap3A_1111 = vector.shape_cast %mul3A_1107 : vector<16xf32> to vector<16xf32>
    tpu.vector_store %arg16[%swap3A_1108], %swap3A_1111 {strides = array<i32>} : memref<128xf32, #tpu.memory_space<vmem>>, vector<16xf32>,
    %run_scoped3A = arith.constant 0 : i32
    "tpu.region"() ({
      %run_scoped3A_1141 = tpu.sem_alloc : memref<!tpu.dma_semaphore, #tpu.memory_space<semaphore_mem>>
      %dma_start3A_1142 = tpu.memref_slice %arg6[%run_scoped3A, %mul3A_2] : memref<4x4096xf32, #tpu.memory_space<hbm>> -> memref<1x128xf32, #tpu.memory_space<hbm>>
      %dma_start3A_1143 = tpu.memref_squeeze %dma_start3A_1142 : memref<1x128xf32, #tpu.memory_space<hbm>> -> memref<128xf32, #tpu.memory_space<hbm>>
      %dma_start3A_1144 = tpu.memref_slice %arg6[%run_scoped3A, %mul3A_2] : memref<4x4096xf32, #tpu.memory_space<hbm>> -> memref<1x128xf32, #tpu.memory_space<hbm>>
      %dma_start3A_1145 = tpu.memref_squeeze %dma_start3A_1144 : memref<1x128xf32, #tpu.memory_space<hbm>> -> memref<128xf32, #tpu.memory_space<hbm>>
      tpu.enqueue_dma source(%arg13 : memref<128xf32, #tpu.memory_space<vmem>>) target(%dma_start3A_1145 : memref<128xf32, #tpu.memory_space<hbm>>) target_semaphore(%run_scoped3A_1141 : memref<!tpu.dma_semaphore, #tpu.memory_space<semaphore_mem>>)
      %dma_wait3A_1146 = tpu.memref_slice %arg6[%run_scoped3A, %mul3A_2] : memref<4x4096xf32, #tpu.memory_space<hbm>> -> memref<1x128xf32, #tpu.memory_space<hbm>>
      %dma_wait3A_1147 = tpu.memref_squeeze %dma_wait3A_1146 : memref<1x128xf32, #tpu.memory_space<hbm>> -> memref<128xf32, #tpu.memory_space<hbm>>
      %dma_wait3A_1148 = tpu.memref_slice %arg6[%run_scoped3A, %mul3A_2] : memref<4x4096xf32, #tpu.memory_space<hbm>> -> memref<1x128xf32, #tpu.memory_space<hbm>>
      %dma_wait3A_1149 = tpu.memref_squeeze %dma_wait3A_1148 : memref<1x128xf32, #tpu.memory_space<hbm>> -> memref<128xf32, #tpu.memory_space<hbm>>
      tpu.wait_dma2 semaphore(%run_scoped3A_1141 : memref<!tpu.dma_semaphore, #tpu.memory_space<semaphore_mem>>) src(%arg13 : memref<128xf32, #tpu.memory_space<vmem>>) dst(%dma_wait3A_1149 : memref<128xf32, #tpu.memory_space<hbm>>)
      tpu.yield
    }) : () -> ()
    %run_scoped3A_1112 = arith.constant 1 : i32
    "tpu.region"() ({
      %run_scoped3A_1141 = tpu.sem_alloc : memref<!tpu.dma_semaphore, #tpu.memory_space<semaphore_mem>>
      %dma_start3A_1142 = tpu.memref_slice %arg6[%run_scoped3A_1112, %mul3A_2] : memref<4x4096xf32, #tpu.memory_space<hbm>> -> memref<1x128xf32, #tpu.memory_space<hbm>>
      %dma_start3A_1143 = tpu.memref_squeeze %dma_start3A_1142 : memref<1x128xf32, #tpu.memory_space<hbm>> -> memref<128xf32, #tpu.memory_space<hbm>>
      %dma_start3A_1144 = tpu.memref_slice %arg6[%run_scoped3A_1112, %mul3A_2] : memref<4x4096xf32, #tpu.memory_space<hbm>> -> memref<1x128xf32, #tpu.memory_space<hbm>>
      %dma_start3A_1145 = tpu.memref_squeeze %dma_start3A_1144 : memref<1x128xf32, #tpu.memory_space<hbm>> -> memref<128xf32, #tpu.memory_space<hbm>>
      tpu.enqueue_dma source(%arg14 : memref<128xf32, #tpu.memory_space<vmem>>) target(%dma_start3A_1145 : memref<128xf32, #tpu.memory_space<hbm>>) target_semaphore(%run_scoped3A_1141 : memref<!tpu.dma_semaphore, #tpu.memory_space<semaphore_mem>>)
      %dma_wait3A_1146 = tpu.memref_slice %arg6[%run_scoped3A_1112, %mul3A_2] : memref<4x4096xf32, #tpu.memory_space<hbm>> -> memref<1x128xf32, #tpu.memory_space<hbm>>
      %dma_wait3A_1147 = tpu.memref_squeeze %dma_wait3A_1146 : memref<1x128xf32, #tpu.memory_space<hbm>> -> memref<128xf32, #tpu.memory_space<hbm>>
      %dma_wait3A_1148 = tpu.memref_slice %arg6[%run_scoped3A_1112, %mul3A_2] : memref<4x4096xf32, #tpu.memory_space<hbm>> -> memref<1x128xf32, #tpu.memory_space<hbm>>
      %dma_wait3A_1149 = tpu.memref_squeeze %dma_wait3A_1148 : memref<1x128xf32, #tpu.memory_space<hbm>> -> memref<128xf32, #tpu.memory_space<hbm>>
      tpu.wait_dma2 semaphore(%run_scoped3A_1141 : memref<!tpu.dma_semaphore, #tpu.memory_space<semaphore_mem>>) src(%arg14 : memref<128xf32, #tpu.memory_space<vmem>>) dst(%dma_wait3A_1149 : memref<128xf32, #tpu.memory_space<hbm>>)
      tpu.yield
    }) : () -> ()
    %run_scoped3A_1113 = arith.constant 2 : i32
    "tpu.region"() ({
      %run_scoped3A_1141 = tpu.sem_alloc : memref<!tpu.dma_semaphore, #tpu.memory_space<semaphore_mem>>
      %dma_start3A_1142 = tpu.memref_slice %arg6[%run_scoped3A_1113, %mul3A_2] : memref<4x4096xf32, #tpu.memory_space<hbm>> -> memref<1x128xf32, #tpu.memory_space<hbm>>
      %dma_start3A_1143 = tpu.memref_squeeze %dma_start3A_1142 : memref<1x128xf32, #tpu.memory_space<hbm>> -> memref<128xf32, #tpu.memory_space<hbm>>
      %dma_start3A_1144 = tpu.memref_slice %arg6[%run_scoped3A_1113, %mul3A_2] : memref<4x4096xf32, #tpu.memory_space<hbm>> -> memref<1x128xf32, #tpu.memory_space<hbm>>
      %dma_start3A_1145 = tpu.memref_squeeze %dma_start3A_1144 : memref<1x128xf32, #tpu.memory_space<hbm>> -> memref<128xf32, #tpu.memory_space<hbm>>
      tpu.enqueue_dma source(%arg15 : memref<128xf32, #tpu.memory_space<vmem>>) target(%dma_start3A_1145 : memref<128xf32, #tpu.memory_space<hbm>>) target_semaphore(%run_scoped3A_1141 : memref<!tpu.dma_semaphore, #tpu.memory_space<semaphore_mem>>)
      %dma_wait3A_1146 = tpu.memref_slice %arg6[%run_scoped3A_1113, %mul3A_2] : memref<4x4096xf32, #tpu.memory_space<hbm>> -> memref<1x128xf32, #tpu.memory_space<hbm>>
      %dma_wait3A_1147 = tpu.memref_squeeze %dma_wait3A_1146 : memref<1x128xf32, #tpu.memory_space<hbm>> -> memref<128xf32, #tpu.memory_space<hbm>>
      %dma_wait3A_1148 = tpu.memref_slice %arg6[%run_scoped3A_1113, %mul3A_2] : memref<4x4096xf32, #tpu.memory_space<hbm>> -> memref<1x128xf32, #tpu.memory_space<hbm>>
      %dma_wait3A_1149 = tpu.memref_squeeze %dma_wait3A_1148 : memref<1x128xf32, #tpu.memory_space<hbm>> -> memref<128xf32, #tpu.memory_space<hbm>>
      tpu.wait_dma2 semaphore(%run_scoped3A_1141 : memref<!tpu.dma_semaphore, #tpu.memory_space<semaphore_mem>>) src(%arg15 : memref<128xf32, #tpu.memory_space<vmem>>) dst(%dma_wait3A_1149 : memref<128xf32, #tpu.memory_space<hbm>>)
      tpu.yield
    }) : () -> ()
    %run_scoped3A_1114 = arith.constant 3 : i32
    "tpu.region"() ({
      %run_scoped3A_1141 = tpu.sem_alloc : memref<!tpu.dma_semaphore, #tpu.memory_space<semaphore_mem>>
      %dma_start3A_1142 = tpu.memref_slice %arg6[%run_scoped3A_1114, %mul3A_2] : memref<4x4096xf32, #tpu.memory_space<hbm>> -> memref<1x128xf32, #tpu.memory_space<hbm>>
      %dma_start3A_1143 = tpu.memref_squeeze %dma_start3A_1142 : memref<1x128xf32, #tpu.memory_space<hbm>> -> memref<128xf32, #tpu.memory_space<hbm>>
      %dma_start3A_1144 = tpu.memref_slice %arg6[%run_scoped3A_1114, %mul3A_2] : memref<4x4096xf32, #tpu.memory_space<hbm>> -> memref<1x128xf32, #tpu.memory_space<hbm>>
      %dma_start3A_1145 = tpu.memref_squeeze %dma_start3A_1144 : memref<1x128xf32, #tpu.memory_space<hbm>> -> memref<128xf32, #tpu.memory_space<hbm>>
      tpu.enqueue_dma source(%arg16 : memref<128xf32, #tpu.memory_space<vmem>>) target(%dma_start3A_1145 : memref<128xf32, #tpu.memory_space<hbm>>) target_semaphore(%run_scoped3A_1141 : memref<!tpu.dma_semaphore, #tpu.memory_space<semaphore_mem>>)
      %dma_wait3A_1146 = tpu.memref_slice %arg6[%run_scoped3A_1114, %mul3A_2] : memref<4x4096xf32, #tpu.memory_space<hbm>> -> memref<1x128xf32, #tpu.memory_space<hbm>>
      %dma_wait3A_1147 = tpu.memref_squeeze %dma_wait3A_1146 : memref<1x128xf32, #tpu.memory_space<hbm>> -> memref<128xf32, #tpu.memory_space<hbm>>
      %dma_wait3A_1148 = tpu.memref_slice %arg6[%run_scoped3A_1114, %mul3A_2] : memref<4x4096xf32, #tpu.memory_space<hbm>> -> memref<1x128xf32, #tpu.memory_space<hbm>>
      %dma_wait3A_1149 = tpu.memref_squeeze %dma_wait3A_1148 : memref<1x128xf32, #tpu.memory_space<hbm>> -> memref<128xf32, #tpu.memory_space<hbm>>
      tpu.wait_dma2 semaphore(%run_scoped3A_1141 : memref<!tpu.dma_semaphore, #tpu.memory_space<semaphore_mem>>) src(%arg16 : memref<128xf32, #tpu.memory_space<vmem>>) dst(%dma_wait3A_1149 : memref<128xf32, #tpu.memory_space<hbm>>)
      tpu.yield
    }) : () -> ()
    %dma_start3A = arith.constant 0 : i32
    %dma_start3A_1115 = arith.constant 0 : i32
    %dma_start3A_1116 = tpu.memref_slice %arg4[%dma_start3A, %dma_start3A_1115] : memref<35344x256xf32, #tpu.memory_space<hbm>> -> memref<35344x256xf32, #tpu.memory_space<hbm>>
    tpu.enqueue_indirect_dma source(%dma_start3A_1116 : memref<35344x256xf32, #tpu.memory_space<hbm>>) target(%arg17 : memref<128x256xf32, #tpu.memory_space<vmem>>) offsets(%arg9 : memref<128xi32, #tpu.memory_space<vmem>>) semaphore(%arg19 : memref<!tpu.dma_semaphore, #tpu.memory_space<semaphore_mem>>)
    %dma_start3A_1117 = arith.constant 0 : i32
    %dma_start3A_1118 = arith.constant 0 : i32
    %dma_start3A_1119 = tpu.memref_slice %arg4[%dma_start3A_1117, %dma_start3A_1118] : memref<35344x256xf32, #tpu.memory_space<hbm>> -> memref<35344x256xf32, #tpu.memory_space<hbm>>
    tpu.enqueue_indirect_dma source(%dma_start3A_1119 : memref<35344x256xf32, #tpu.memory_space<hbm>>) target(%arg18 : memref<128x256xf32, #tpu.memory_space<vmem>>) offsets(%arg10 : memref<128xi32, #tpu.memory_space<vmem>>) semaphore(%arg20 : memref<!tpu.dma_semaphore, #tpu.memory_space<semaphore_mem>>)
    %dma_wait3A = arith.constant 0 : i32
    %dma_wait3A_1120 = arith.constant 0 : i32
    %dma_wait3A_1121 = tpu.memref_slice %arg4[%dma_wait3A, %dma_wait3A_1120] : memref<35344x256xf32, #tpu.memory_space<hbm>> -> memref<35344x256xf32, #tpu.memory_space<hbm>>
    tpu.wait_indirect_dma semaphore(%arg19 : memref<!tpu.dma_semaphore, #tpu.memory_space<semaphore_mem>>) src(%dma_wait3A_1121 : memref<35344x256xf32, #tpu.memory_space<hbm>>) dst(%arg17 : memref<128x256xf32, #tpu.memory_space<vmem>>)
    %run_scoped3A_1122 = arith.constant 0 : i32
    "tpu.region"() ({
      %run_scoped3A_1141 = tpu.sem_alloc : memref<!tpu.dma_semaphore, #tpu.memory_space<semaphore_mem>>
      %dma_start3A_1142 = arith.constant 0 : i32
      %dma_start3A_1143 = tpu.memref_slice %arg5[%run_scoped3A_1122, %mul3A_2, %dma_start3A_1142] : memref<4x4096x256xf32, #tpu.memory_space<hbm>> -> memref<1x128x256xf32, #tpu.memory_space<hbm>>
      %dma_start3A_1144 = tpu.memref_squeeze %dma_start3A_1143 : memref<1x128x256xf32, #tpu.memory_space<hbm>> -> memref<128x256xf32, #tpu.memory_space<hbm>>
      %dma_start3A_1145 = arith.constant 0 : i32
      %dma_start3A_1146 = tpu.memref_slice %arg5[%run_scoped3A_1122, %mul3A_2, %dma_start3A_1145] : memref<4x4096x256xf32, #tpu.memory_space<hbm>> -> memref<1x128x256xf32, #tpu.memory_space<hbm>>
      %dma_start3A_1147 = tpu.memref_squeeze %dma_start3A_1146 : memref<1x128x256xf32, #tpu.memory_space<hbm>> -> memref<128x256xf32, #tpu.memory_space<hbm>>
      tpu.enqueue_dma source(%arg17 : memref<128x256xf32, #tpu.memory_space<vmem>>) target(%dma_start3A_1147 : memref<128x256xf32, #tpu.memory_space<hbm>>) target_semaphore(%run_scoped3A_1141 : memref<!tpu.dma_semaphore, #tpu.memory_space<semaphore_mem>>)
      %dma_wait3A_1148 = arith.constant 0 : i32
      %dma_wait3A_1149 = tpu.memref_slice %arg5[%run_scoped3A_1122, %mul3A_2, %dma_wait3A_1148] : memref<4x4096x256xf32, #tpu.memory_space<hbm>> -> memref<1x128x256xf32, #tpu.memory_space<hbm>>
      %dma_wait3A_1150 = tpu.memref_squeeze %dma_wait3A_1149 : memref<1x128x256xf32, #tpu.memory_space<hbm>> -> memref<128x256xf32, #tpu.memory_space<hbm>>
      %dma_wait3A_1151 = arith.constant 0 : i32
      %dma_wait3A_1152 = tpu.memref_slice %arg5[%run_scoped3A_1122, %mul3A_2, %dma_wait3A_1151] : memref<4x4096x256xf32, #tpu.memory_space<hbm>> -> memref<1x128x256xf32, #tpu.memory_space<hbm>>
      %dma_wait3A_1153 = tpu.memref_squeeze %dma_wait3A_1152 : memref<1x128x256xf32, #tpu.memory_space<hbm>> -> memref<128x256xf32, #tpu.memory_space<hbm>>
      tpu.wait_dma2 semaphore(%run_scoped3A_1141 : memref<!tpu.dma_semaphore, #tpu.memory_space<semaphore_mem>>) src(%arg17 : memref<128x256xf32, #tpu.memory_space<vmem>>) dst(%dma_wait3A_1153 : memref<128x256xf32, #tpu.memory_space<hbm>>)
      tpu.yield
    }) : () -> ()
    %dma_start3A_1123 = arith.constant 0 : i32
    %dma_start3A_1124 = arith.constant 0 : i32
    %dma_start3A_1125 = tpu.memref_slice %arg4[%dma_start3A_1123, %dma_start3A_1124] : memref<35344x256xf32, #tpu.memory_space<hbm>> -> memref<35344x256xf32, #tpu.memory_space<hbm>>
    tpu.enqueue_indirect_dma source(%dma_start3A_1125 : memref<35344x256xf32, #tpu.memory_space<hbm>>) target(%arg17 : memref<128x256xf32, #tpu.memory_space<vmem>>) offsets(%arg11 : memref<128xi32, #tpu.memory_space<vmem>>) semaphore(%arg19 : memref<!tpu.dma_semaphore, #tpu.memory_space<semaphore_mem>>)
    %dma_wait3A_1126 = arith.constant 0 : i32
    %dma_wait3A_1127 = arith.constant 0 : i32
    %dma_wait3A_1128 = tpu.memref_slice %arg4[%dma_wait3A_1126, %dma_wait3A_1127] : memref<35344x256xf32, #tpu.memory_space<hbm>> -> memref<35344x256xf32, #tpu.memory_space<hbm>>
    tpu.wait_indirect_dma semaphore(%arg20 : memref<!tpu.dma_semaphore, #tpu.memory_space<semaphore_mem>>) src(%dma_wait3A_1128 : memref<35344x256xf32, #tpu.memory_space<hbm>>) dst(%arg18 : memref<128x256xf32, #tpu.memory_space<vmem>>)
    %run_scoped3A_1129 = arith.constant 1 : i32
    "tpu.region"() ({
      %run_scoped3A_1141 = tpu.sem_alloc : memref<!tpu.dma_semaphore, #tpu.memory_space<semaphore_mem>>
      %dma_start3A_1142 = arith.constant 0 : i32
      %dma_start3A_1143 = tpu.memref_slice %arg5[%run_scoped3A_1129, %mul3A_2, %dma_start3A_1142] : memref<4x4096x256xf32, #tpu.memory_space<hbm>> -> memref<1x128x256xf32, #tpu.memory_space<hbm>>
      %dma_start3A_1144 = tpu.memref_squeeze %dma_start3A_1143 : memref<1x128x256xf32, #tpu.memory_space<hbm>> -> memref<128x256xf32, #tpu.memory_space<hbm>>
      %dma_start3A_1145 = arith.constant 0 : i32
      %dma_start3A_1146 = tpu.memref_slice %arg5[%run_scoped3A_1129, %mul3A_2, %dma_start3A_1145] : memref<4x4096x256xf32, #tpu.memory_space<hbm>> -> memref<1x128x256xf32, #tpu.memory_space<hbm>>
      %dma_start3A_1147 = tpu.memref_squeeze %dma_start3A_1146 : memref<1x128x256xf32, #tpu.memory_space<hbm>> -> memref<128x256xf32, #tpu.memory_space<hbm>>
      tpu.enqueue_dma source(%arg18 : memref<128x256xf32, #tpu.memory_space<vmem>>) target(%dma_start3A_1147 : memref<128x256xf32, #tpu.memory_space<hbm>>) target_semaphore(%run_scoped3A_1141 : memref<!tpu.dma_semaphore, #tpu.memory_space<semaphore_mem>>)
      %dma_wait3A_1148 = arith.constant 0 : i32
      %dma_wait3A_1149 = tpu.memref_slice %arg5[%run_scoped3A_1129, %mul3A_2, %dma_wait3A_1148] : memref<4x4096x256xf32, #tpu.memory_space<hbm>> -> memref<1x128x256xf32, #tpu.memory_space<hbm>>
      %dma_wait3A_1150 = tpu.memref_squeeze %dma_wait3A_1149 : memref<1x128x256xf32, #tpu.memory_space<hbm>> -> memref<128x256xf32, #tpu.memory_space<hbm>>
      %dma_wait3A_1151 = arith.constant 0 : i32
      %dma_wait3A_1152 = tpu.memref_slice %arg5[%run_scoped3A_1129, %mul3A_2, %dma_wait3A_1151] : memref<4x4096x256xf32, #tpu.memory_space<hbm>> -> memref<1x128x256xf32, #tpu.memory_space<hbm>>
      %dma_wait3A_1153 = tpu.memref_squeeze %dma_wait3A_1152 : memref<1x128x256xf32, #tpu.memory_space<hbm>> -> memref<128x256xf32, #tpu.memory_space<hbm>>
      tpu.wait_dma2 semaphore(%run_scoped3A_1141 : memref<!tpu.dma_semaphore, #tpu.memory_space<semaphore_mem>>) src(%arg18 : memref<128x256xf32, #tpu.memory_space<vmem>>) dst(%dma_wait3A_1153 : memref<128x256xf32, #tpu.memory_space<hbm>>)
      tpu.yield
    }) : () -> ()
    %dma_start3A_1130 = arith.constant 0 : i32
    %dma_start3A_1131 = arith.constant 0 : i32
    %dma_start3A_1132 = tpu.memref_slice %arg4[%dma_start3A_1130, %dma_start3A_1131] : memref<35344x256xf32, #tpu.memory_space<hbm>> -> memref<35344x256xf32, #tpu.memory_space<hbm>>
    tpu.enqueue_indirect_dma source(%dma_start3A_1132 : memref<35344x256xf32, #tpu.memory_space<hbm>>) target(%arg18 : memref<128x256xf32, #tpu.memory_space<vmem>>) offsets(%arg12 : memref<128xi32, #tpu.memory_space<vmem>>) semaphore(%arg20 : memref<!tpu.dma_semaphore, #tpu.memory_space<semaphore_mem>>)
    %dma_wait3A_1133 = arith.constant 0 : i32
    %dma_wait3A_1134 = arith.constant 0 : i32
    %dma_wait3A_1135 = tpu.memref_slice %arg4[%dma_wait3A_1133, %dma_wait3A_1134] : memref<35344x256xf32, #tpu.memory_space<hbm>> -> memref<35344x256xf32, #tpu.memory_space<hbm>>
    tpu.wait_indirect_dma semaphore(%arg19 : memref<!tpu.dma_semaphore, #tpu.memory_space<semaphore_mem>>) src(%dma_wait3A_1135 : memref<35344x256xf32, #tpu.memory_space<hbm>>) dst(%arg17 : memref<128x256xf32, #tpu.memory_space<vmem>>)
    %run_scoped3A_1136 = arith.constant 2 : i32
    "tpu.region"() ({
      %run_scoped3A_1141 = tpu.sem_alloc : memref<!tpu.dma_semaphore, #tpu.memory_space<semaphore_mem>>
      %dma_start3A_1142 = arith.constant 0 : i32
      %dma_start3A_1143 = tpu.memref_slice %arg5[%run_scoped3A_1136, %mul3A_2, %dma_start3A_1142] : memref<4x4096x256xf32, #tpu.memory_space<hbm>> -> memref<1x128x256xf32, #tpu.memory_space<hbm>>
      %dma_start3A_1144 = tpu.memref_squeeze %dma_start3A_1143 : memref<1x128x256xf32, #tpu.memory_space<hbm>> -> memref<128x256xf32, #tpu.memory_space<hbm>>
      %dma_start3A_1145 = arith.constant 0 : i32
      %dma_start3A_1146 = tpu.memref_slice %arg5[%run_scoped3A_1136, %mul3A_2, %dma_start3A_1145] : memref<4x4096x256xf32, #tpu.memory_space<hbm>> -> memref<1x128x256xf32, #tpu.memory_space<hbm>>
      %dma_start3A_1147 = tpu.memref_squeeze %dma_start3A_1146 : memref<1x128x256xf32, #tpu.memory_space<hbm>> -> memref<128x256xf32, #tpu.memory_space<hbm>>
      tpu.enqueue_dma source(%arg17 : memref<128x256xf32, #tpu.memory_space<vmem>>) target(%dma_start3A_1147 : memref<128x256xf32, #tpu.memory_space<hbm>>) target_semaphore(%run_scoped3A_1141 : memref<!tpu.dma_semaphore, #tpu.memory_space<semaphore_mem>>)
      %dma_wait3A_1148 = arith.constant 0 : i32
      %dma_wait3A_1149 = tpu.memref_slice %arg5[%run_scoped3A_1136, %mul3A_2, %dma_wait3A_1148] : memref<4x4096x256xf32, #tpu.memory_space<hbm>> -> memref<1x128x256xf32, #tpu.memory_space<hbm>>
      %dma_wait3A_1150 = tpu.memref_squeeze %dma_wait3A_1149 : memref<1x128x256xf32, #tpu.memory_space<hbm>> -> memref<128x256xf32, #tpu.memory_space<hbm>>
      %dma_wait3A_1151 = arith.constant 0 : i32
      %dma_wait3A_1152 = tpu.memref_slice %arg5[%run_scoped3A_1136, %mul3A_2, %dma_wait3A_1151] : memref<4x4096x256xf32, #tpu.memory_space<hbm>> -> memref<1x128x256xf32, #tpu.memory_space<hbm>>
      %dma_wait3A_1153 = tpu.memref_squeeze %dma_wait3A_1152 : memref<1x128x256xf32, #tpu.memory_space<hbm>> -> memref<128x256xf32, #tpu.memory_space<hbm>>
      tpu.wait_dma2 semaphore(%run_scoped3A_1141 : memref<!tpu.dma_semaphore, #tpu.memory_space<semaphore_mem>>) src(%arg17 : memref<128x256xf32, #tpu.memory_space<vmem>>) dst(%dma_wait3A_1153 : memref<128x256xf32, #tpu.memory_space<hbm>>)
      tpu.yield
    }) : () -> ()
    %dma_wait3A_1137 = arith.constant 0 : i32
    %dma_wait3A_1138 = arith.constant 0 : i32
    %dma_wait3A_1139 = tpu.memref_slice %arg4[%dma_wait3A_1137, %dma_wait3A_1138] : memref<35344x256xf32, #tpu.memory_space<hbm>> -> memref<35344x256xf32, #tpu.memory_space<hbm>>
    tpu.wait_indirect_dma semaphore(%arg20 : memref<!tpu.dma_semaphore, #tpu.memory_space<semaphore_mem>>) src(%dma_wait3A_1139 : memref<35344x256xf32, #tpu.memory_space<hbm>>) dst(%arg18 : memref<128x256xf32, #tpu.memory_space<vmem>>)
    %run_scoped3A_1140 = arith.constant 3 : i32
    "tpu.region"() ({
      %run_scoped3A_1141 = tpu.sem_alloc : memref<!tpu.dma_semaphore, #tpu.memory_space<semaphore_mem>>
      %dma_start3A_1142 = arith.constant 0 : i32
      %dma_start3A_1143 = tpu.memref_slice %arg5[%run_scoped3A_1140, %mul3A_2, %dma_start3A_1142] : memref<4x4096x256xf32, #tpu.memory_space<hbm>> -> memref<1x128x256xf32, #tpu.memory_space<hbm>>
      %dma_start3A_1144 = tpu.memref_squeeze %dma_start3A_1143 : memref<1x128x256xf32, #tpu.memory_space<hbm>> -> memref<128x256xf32, #tpu.memory_space<hbm>>
      %dma_start3A_1145 = arith.constant 0 : i32
      %dma_start3A_1146 = tpu.memref_slice %arg5[%run_scoped3A_1140, %mul3A_2, %dma_start3A_1145] : memref<4x4096x256xf32, #tpu.memory_space<hbm>> -> memref<1x128x256xf32, #tpu.memory_space<hbm>>
      %dma_start3A_1147 = tpu.memref_squeeze %dma_start3A_1146 : memref<1x128x256xf32, #tpu.memory_space<hbm>> -> memref<128x256xf32, #tpu.memory_space<hbm>>
      tpu.enqueue_dma source(%arg18 : memref<128x256xf32, #tpu.memory_space<vmem>>) target(%dma_start3A_1147 : memref<128x256xf32, #tpu.memory_space<hbm>>) target_semaphore(%run_scoped3A_1141 : memref<!tpu.dma_semaphore, #tpu.memory_space<semaphore_mem>>)
      %dma_wait3A_1148 = arith.constant 0 : i32
      %dma_wait3A_1149 = tpu.memref_slice %arg5[%run_scoped3A_1140, %mul3A_2, %dma_wait3A_1148] : memref<4x4096x256xf32, #tpu.memory_space<hbm>> -> memref<1x128x256xf32, #tpu.memory_space<hbm>>
      %dma_wait3A_1150 = tpu.memref_squeeze %dma_wait3A_1149 : memref<1x128x256xf32, #tpu.memory_space<hbm>> -> memref<128x256xf32, #tpu.memory_space<hbm>>
      %dma_wait3A_1151 = arith.constant 0 : i32
      %dma_wait3A_1152 = tpu.memref_slice %arg5[%run_scoped3A_1140, %mul3A_2, %dma_wait3A_1151] : memref<4x4096x256xf32, #tpu.memory_space<hbm>> -> memref<1x128x256xf32, #tpu.memory_space<hbm>>
      %dma_wait3A_1153 = tpu.memref_squeeze %dma_wait3A_1152 : memref<1x128x256xf32, #tpu.memory_space<hbm>> -> memref<128x256xf32, #tpu.memory_space<hbm>>
      tpu.wait_dma2 semaphore(%run_scoped3A_1141 : memref<!tpu.dma_semaphore, #tpu.memory_space<semaphore_mem>>) src(%arg18 : memref<128x256xf32, #tpu.memory_space<vmem>>) dst(%dma_wait3A_1153 : memref<128x256xf32, #tpu.memory_space<hbm>>)
      tpu.yield
    }) : () -> ()
    return
  }
}

module attributes {stable_mosaic.version = 14 : i64} {
  func.func @_fps_body(%arg0: memref<784x128xf32, #tpu.memory_space<vmem>>, %arg1: memref<784x128xf32, #tpu.memory_space<vmem>>, %arg2: memref<784x128xf32, #tpu.memory_space<vmem>>, %arg3: memref<128x8xf32, #tpu.memory_space<vmem>>, %arg4: memref<4096x128xf32, #tpu.memory_space<vmem>>, %arg5: memref<784x128xf32, #tpu.memory_space<vmem>>, %arg6: memref<784x128xf32, #tpu.memory_space<vmem>>) attributes {dimension_semantics = [], scalar_prefetch = 0 : i64, scratch_operands = 2 : i64, tpu.core_type = #tpu.core_type<tc>} {
    %iota3A = tpu.iota {dimensions = array<i32: 0>} : vector<784x128xi32>
    %iota3A_0 = tpu.iota {dimensions = array<i32: 1>} : vector<784x128xi32>
    %mul3A = arith.constant 128 : i32
    %mul3A_1 = vector.broadcast %mul3A : i32 to vector<784x128xi32>
    %mul3A_2 = arith.muli %iota3A, %mul3A_1 : vector<784x128xi32>
    %add3A = arith.addi %mul3A_2, %iota3A_0 : vector<784x128xi32>
    %lt3A = arith.constant 100000 : i32
    %lt3A_3 = vector.broadcast %lt3A : i32 to vector<784x128xi32>
    %lt3A_4 = arith.cmpi slt, %add3A, %lt3A_3 : vector<784x128xi32>
    %get3A = arith.constant 0 : index
    %get3A_5 = arith.constant 0 : index
    %get3A_6 = vector.load %arg0[%get3A, %get3A_5] : memref<784x128xf32, #tpu.memory_space<vmem>>, vector<784x128xf32>
    %get3A_7 = arith.constant 0 : index
    %get3A_8 = arith.constant 0 : index
    %get3A_9 = vector.load %arg1[%get3A_7, %get3A_8] : memref<784x128xf32, #tpu.memory_space<vmem>>, vector<784x128xf32>
    %get3A_10 = arith.constant 0 : index
    %get3A_11 = arith.constant 0 : index
    %get3A_12 = vector.load %arg2[%get3A_10, %get3A_11] : memref<784x128xf32, #tpu.memory_space<vmem>>, vector<784x128xf32>
    %broadcast_in_dim3A = arith.constant 0x7F800000 : f32
    %broadcast_in_dim3A_13 = vector.broadcast %broadcast_in_dim3A : f32 to vector<784x128xf32>
    %swap3A = arith.constant 0 : index
    %swap3A_14 = arith.constant 0 : index
    %swap3A_15 = vector.load %arg5[%swap3A, %swap3A_14] : memref<784x128xf32, #tpu.memory_space<vmem>>, vector<784x128xf32>
    tpu.vector_store %arg5[%swap3A, %swap3A_14], %broadcast_in_dim3A_13 {strides = array<i32>} : memref<784x128xf32, #tpu.memory_space<vmem>>, vector<784x128xf32>,
    %broadcast_in_dim3A_16 = arith.constant 0.000000e+00 : f32
    %broadcast_in_dim3A_17 = vector.broadcast %broadcast_in_dim3A_16 : f32 to vector<784x128xf32>
    %swap3A_18 = arith.constant 0 : index
    %swap3A_19 = arith.constant 0 : index
    %swap3A_20 = vector.load %arg6[%swap3A_18, %swap3A_19] : memref<784x128xf32, #tpu.memory_space<vmem>>, vector<784x128xf32>
    tpu.vector_store %arg6[%swap3A_18, %swap3A_19], %broadcast_in_dim3A_17 {strides = array<i32>} : memref<784x128xf32, #tpu.memory_space<vmem>>, vector<784x128xf32>,
    %scan3A = arith.constant 0 : i32
    %scan3A_21 = arith.constant 128 : i32
    %scan3A_22 = arith.addi %scan3A, %scan3A_21 : i32
    %scan3A_23 = arith.constant 1 : i32
    scf.for %scan3A_145 = %scan3A to %scan3A_22 step %scan3A_23  : i32 {
      %get3A_146 = arith.index_cast %scan3A_145 : i32 to index
      %get3A_147 = arith.constant 0 : index
      %get3A_148 = vector.load %arg3[%get3A_146, %get3A_147] : memref<128x8xf32, #tpu.memory_space<vmem>>, vector<1x8xf32>
      %slice3A = vector.extract_strided_slice %get3A_148 {offsets = [0, 0], sizes = [1, 1], strides = [1, 1]} : vector<1x8xf32> to vector<1x1xf32>
      %squeeze3A = vector.extract %slice3A[0, 0] : f32 from vector<1x1xf32>
      %slice3A_149 = vector.extract_strided_slice %get3A_148 {offsets = [0, 1], sizes = [1, 1], strides = [1, 1]} : vector<1x8xf32> to vector<1x1xf32>
      %squeeze3A_150 = vector.extract %slice3A_149[0, 0] : f32 from vector<1x1xf32>
      %slice3A_151 = vector.extract_strided_slice %get3A_148 {offsets = [0, 2], sizes = [1, 1], strides = [1, 1]} : vector<1x8xf32> to vector<1x1xf32>
      %squeeze3A_152 = vector.extract %slice3A_151[0, 0] : f32 from vector<1x1xf32>
      %slice3A_153 = vector.extract_strided_slice %get3A_148 {offsets = [0, 3], sizes = [1, 1], strides = [1, 1]} : vector<1x8xf32> to vector<1x1xf32>
      %squeeze3A_154 = vector.extract %slice3A_153[0, 0] : f32 from vector<1x1xf32>
      %div3A_155 = arith.constant 2.000000e+00 : f32
      %div3A_156 = arith.divf %squeeze3A_154, %div3A_155 : f32
      %slice3A_157 = vector.extract_strided_slice %get3A_148 {offsets = [0, 4], sizes = [1, 1], strides = [1, 1]} : vector<1x8xf32> to vector<1x1xf32>
      %squeeze3A_158 = vector.extract %slice3A_157[0, 0] : f32 from vector<1x1xf32>
      %div3A_159 = arith.constant 2.000000e+00 : f32
      %div3A_160 = arith.divf %squeeze3A_158, %div3A_159 : f32
      %slice3A_161 = vector.extract_strided_slice %get3A_148 {offsets = [0, 5], sizes = [1, 1], strides = [1, 1]} : vector<1x8xf32> to vector<1x1xf32>
      %squeeze3A_162 = vector.extract %slice3A_161[0, 0] : f32 from vector<1x1xf32>
      %div3A_163 = arith.constant 2.000000e+00 : f32
      %div3A_164 = arith.divf %squeeze3A_162, %div3A_163 : f32
      %mul3A_165 = arith.mulf %div3A_156, %div3A_156 : f32
      %mul3A_166 = arith.mulf %div3A_160, %div3A_160 : f32
      %add3A_167 = arith.addf %mul3A_165, %mul3A_166 : f32
      %mul3A_168 = arith.mulf %div3A_164, %div3A_164 : f32
      %add3A_169 = arith.addf %add3A_167, %mul3A_168 : f32
      %sqrt3A = math.sqrt %add3A_169 : f32
      %add3A_170 = arith.constant 1.600000e+00 : f32
      %add3A_171 = arith.addf %sqrt3A, %add3A_170 : f32
      %sub3A_172 = vector.broadcast %squeeze3A : f32 to vector<784x128xf32>
      %sub3A_173 = arith.subf %get3A_6, %sub3A_172 : vector<784x128xf32>
      %sub3A_174 = vector.broadcast %squeeze3A_150 : f32 to vector<784x128xf32>
      %sub3A_175 = arith.subf %get3A_9, %sub3A_174 : vector<784x128xf32>
      %sub3A_176 = vector.broadcast %squeeze3A_152 : f32 to vector<784x128xf32>
      %sub3A_177 = arith.subf %get3A_12, %sub3A_176 : vector<784x128xf32>
      %mul3A_178 = arith.mulf %sub3A_173, %sub3A_173 : vector<784x128xf32>
      %mul3A_179 = arith.mulf %sub3A_175, %sub3A_175 : vector<784x128xf32>
      %add3A_180 = arith.addf %mul3A_178, %mul3A_179 : vector<784x128xf32>
      %mul3A_181 = arith.mulf %sub3A_177, %sub3A_177 : vector<784x128xf32>
      %add3A_182 = arith.addf %add3A_180, %mul3A_181 : vector<784x128xf32>
      %sqrt3A_183 = math.sqrt %add3A_182 : vector<784x128xf32>
      %get3A_184 = arith.constant 0 : index
      %get3A_185 = arith.constant 0 : index
      %get3A_186 = vector.load %arg5[%get3A_184, %get3A_185] : memref<784x128xf32, #tpu.memory_space<vmem>>, vector<784x128xf32>
      %lt3A_187 = arith.cmpf olt, %sqrt3A_183, %get3A_186 : vector<784x128xf32>
      %get3A_188 = arith.constant 0 : index
      %get3A_189 = arith.constant 0 : index
      %get3A_190 = vector.load %arg6[%get3A_188, %get3A_189] : memref<784x128xf32, #tpu.memory_space<vmem>>, vector<784x128xf32>
      %broadcast_in_dim3A_191 = vector.broadcast %add3A_171 : f32 to vector<784x128xf32>
      %select_n3A_192 = arith.select %lt3A_187, %broadcast_in_dim3A_191, %get3A_190 : vector<784x128xi1>, vector<784x128xf32>
      %swap3A_193 = arith.constant 0 : index
      %swap3A_194 = arith.constant 0 : index
      %swap3A_195 = vector.load %arg6[%swap3A_193, %swap3A_194] : memref<784x128xf32, #tpu.memory_space<vmem>>, vector<784x128xf32>
      tpu.vector_store %arg6[%swap3A_193, %swap3A_194], %select_n3A_192 {strides = array<i32>} : memref<784x128xf32, #tpu.memory_space<vmem>>, vector<784x128xf32>,
      %select_n3A_196 = arith.select %lt3A_187, %sqrt3A_183, %get3A_186 : vector<784x128xi1>, vector<784x128xf32>
      %swap3A_197 = arith.constant 0 : index
      %swap3A_198 = arith.constant 0 : index
      %swap3A_199 = vector.load %arg5[%swap3A_197, %swap3A_198] : memref<784x128xf32, #tpu.memory_space<vmem>>, vector<784x128xf32>
      tpu.vector_store %arg5[%swap3A_197, %swap3A_198], %select_n3A_196 {strides = array<i32>} : memref<784x128xf32, #tpu.memory_space<vmem>>, vector<784x128xf32>,
    }
    %scan3A_24 = arith.constant 128 : i32
    %get3A_25 = arith.constant 0 : index
    %get3A_26 = arith.constant 0 : index
    %get3A_27 = vector.load %arg5[%get3A_25, %get3A_26] : memref<784x128xf32, #tpu.memory_space<vmem>>, vector<784x128xf32>
    %get3A_28 = arith.constant 0 : index
    %get3A_29 = arith.constant 0 : index
    %get3A_30 = vector.load %arg6[%get3A_28, %get3A_29] : memref<784x128xf32, #tpu.memory_space<vmem>>, vector<784x128xf32>
    %lt3A_31 = arith.cmpf olt, %get3A_27, %get3A_30 : vector<784x128xf32>
    %and3A = arith.andi %lt3A_31, %lt3A_4 : vector<784x128xi1>
    %jit3A = arith.constant 1073741824 : i32
    %broadcast_in_dim3A_32 = vector.broadcast %jit3A : i32 to vector<784x128xi32>
    %select_n3A = arith.select %and3A, %add3A, %broadcast_in_dim3A_32 : vector<784x128xi1>, vector<784x128xi32>
    %reduce_min3A = vector.shape_cast %select_n3A : vector<784x128xi32> to vector<1x784x128xi32>
    %reduce_min3A_33 = arith.constant dense<2147483647> : vector<1xi32>
    %reduce_min3A_34 = vector.multi_reduction <minsi>, %reduce_min3A, %reduce_min3A_33 [1, 2] : vector<1x784x128xi32> to vector<1xi32>
    %reduce_min3A_35 = vector.shape_cast %reduce_min3A_34 : vector<1xi32> to vector<1x1x1xi32>
    %reduce_min3A_36 = vector.extract %reduce_min3A_35[0, 0, 0] : i32 from vector<1x1x1xi32>
    %eq3A = arith.constant 1073741824 : i32
    %eq3A_37 = arith.cmpi eq, %reduce_min3A_36, %eq3A : i32
    %jit3A_38 = arith.constant 0 : i32
    %select_n3A_39 = arith.select %eq3A_37, %jit3A_38, %reduce_min3A_36 : i32
    %jit3A_40 = arith.constant 1.000000e+10 : f32
    %jit3A_41 = arith.constant -1.000000e+00 : f32
    %broadcast_in_dim3A_42 = vector.broadcast %jit3A_40 : f32 to vector<784x128xf32>
    %broadcast_in_dim3A_43 = vector.broadcast %jit3A_41 : f32 to vector<784x128xf32>
    %select_n3A_44 = arith.select %and3A, %broadcast_in_dim3A_42, %broadcast_in_dim3A_43 : vector<784x128xi1>, vector<784x128xf32>
    %swap3A_45 = arith.constant 0 : index
    %swap3A_46 = arith.constant 0 : index
    %swap3A_47 = vector.load %arg5[%swap3A_45, %swap3A_46] : memref<784x128xf32, #tpu.memory_space<vmem>>, vector<784x128xf32>
    tpu.vector_store %arg5[%swap3A_45, %swap3A_46], %select_n3A_44 {strides = array<i32>} : memref<784x128xf32, #tpu.memory_space<vmem>>, vector<784x128xf32>,
    %iota3A_48 = tpu.iota {dimensions = array<i32: 1>} : vector<1x128xi32>
    %eq3A_49 = arith.constant 0 : i32
    %eq3A_50 = vector.broadcast %eq3A_49 : i32 to vector<1x128xi32>
    %eq3A_51 = arith.cmpi eq, %iota3A_48, %eq3A_50 : vector<1x128xi32>
    %convert_element_type3A = arith.extui %eq3A_51 : vector<1x128xi1> to vector<1x128xi32>
    %convert_element_type3A_52 = arith.sitofp %convert_element_type3A : vector<1x128xi32> to vector<1x128xf32>
    %eq3A_53 = arith.constant 1 : i32
    %eq3A_54 = vector.broadcast %eq3A_53 : i32 to vector<1x128xi32>
    %eq3A_55 = arith.cmpi eq, %iota3A_48, %eq3A_54 : vector<1x128xi32>
    %convert_element_type3A_56 = arith.extui %eq3A_55 : vector<1x128xi1> to vector<1x128xi32>
    %convert_element_type3A_57 = arith.sitofp %convert_element_type3A_56 : vector<1x128xi32> to vector<1x128xf32>
    %eq3A_58 = arith.constant 2 : i32
    %eq3A_59 = vector.broadcast %eq3A_58 : i32 to vector<1x128xi32>
    %eq3A_60 = arith.cmpi eq, %iota3A_48, %eq3A_59 : vector<1x128xi32>
    %convert_element_type3A_61 = arith.extui %eq3A_60 : vector<1x128xi1> to vector<1x128xi32>
    %convert_element_type3A_62 = arith.sitofp %convert_element_type3A_61 : vector<1x128xi32> to vector<1x128xf32>
    %scan3A_63 = arith.constant 1 : i32
    %scan3A_64 = arith.constant 4095 : i32
    %scan3A_65 = arith.addi %scan3A_63, %scan3A_64 : i32
    %scan3A_66 = arith.constant 1 : i32
    %scan3A_67 = scf.for %scan3A_145 = %scan3A_63 to %scan3A_65 step %scan3A_66 iter_args(%scan3A_146 = %select_n3A_39) -> (i32)  : i32 {
      %jit3A_147 = arith.constant 128 : i32
      %div3A_148 = arith.divsi %scan3A_146, %jit3A_147 : i32
      %sign3A_149 = arith.constant 0 : i32
      %sign3A_150 = arith.cmpi sgt, %scan3A_146, %sign3A_149 : i32
      %sign3A_151 = arith.extui %sign3A_150 : i1 to i32
      %sign3A_152 = arith.constant 0 : i32
      %sign3A_153 = arith.cmpi slt, %scan3A_146, %sign3A_152 : i32
      %sign3A_154 = arith.extui %sign3A_153 : i1 to i32
      %sign3A_155 = arith.subi %sign3A_151, %sign3A_154 : i32
      %sign3A_156 = arith.constant 0 : i32
      %sign3A_157 = arith.cmpi sgt, %jit3A_147, %sign3A_156 : i32
      %sign3A_158 = arith.extui %sign3A_157 : i1 to i32
      %sign3A_159 = arith.constant 0 : i32
      %sign3A_160 = arith.cmpi slt, %jit3A_147, %sign3A_159 : i32
      %sign3A_161 = arith.extui %sign3A_160 : i1 to i32
      %sign3A_162 = arith.subi %sign3A_158, %sign3A_161 : i32
      %ne3A_163 = arith.cmpi ne, %sign3A_155, %sign3A_162 : i32
      %rem3A_164 = arith.remsi %scan3A_146, %jit3A_147 : i32
      %ne3A_165 = arith.constant 0 : i32
      %ne3A_166 = arith.cmpi ne, %rem3A_164, %ne3A_165 : i32
      %and3A_167 = arith.andi %ne3A_163, %ne3A_166 : i1
      %sub3A_168 = arith.constant 1 : i32
      %sub3A_169 = arith.subi %div3A_148, %sub3A_168 : i32
      %select_n3A_170 = arith.select %and3A_167, %sub3A_169, %div3A_148 : i32
      %jit3A_171 = arith.constant 128 : i32
      %eq3A_172 = arith.constant 0 : i32
      %eq3A_173 = arith.cmpi eq, %jit3A_171, %eq3A_172 : i32
      %jit3A_174 = arith.constant 1 : i32
      %select_n3A_175 = arith.select %eq3A_173, %jit3A_174, %jit3A_171 : i32
      %rem3A_176 = arith.remsi %scan3A_146, %select_n3A_175 : i32
      %ne3A_177 = arith.constant 0 : i32
      %ne3A_178 = arith.cmpi ne, %rem3A_176, %ne3A_177 : i32
      %lt3A_179 = arith.constant 0 : i32
      %lt3A_180 = arith.cmpi slt, %rem3A_176, %lt3A_179 : i32
      %lt3A_181 = arith.constant 0 : i32
      %lt3A_182 = arith.cmpi slt, %select_n3A_175, %lt3A_181 : i32
      %ne3A_183 = arith.xori %lt3A_180, %lt3A_182 : i1
      %and3A_184 = arith.andi %ne3A_183, %ne3A_178 : i1
      %add3A_185 = arith.addi %rem3A_176, %select_n3A_175 : i32
      %select_n3A_186 = arith.select %and3A_184, %add3A_185, %rem3A_176 : i32
      %eq3A_187 = vector.broadcast %select_n3A_186 : i32 to vector<1x128xi32>
      %eq3A_188 = arith.cmpi eq, %iota3A_48, %eq3A_187 : vector<1x128xi32>
      %convert_element_type3A_189 = arith.extui %eq3A_188 : vector<1x128xi1> to vector<1x128xi32>
      %convert_element_type3A_190 = arith.sitofp %convert_element_type3A_189 : vector<1x128xi32> to vector<1x128xf32>
      %get3A_191 = arith.index_cast %select_n3A_170 : i32 to index
      %get3A_192 = arith.constant 0 : index
      %get3A_193 = vector.load %arg0[%get3A_191, %get3A_192] : memref<784x128xf32, #tpu.memory_space<vmem>>, vector<1x128xf32>
      %mul3A_194 = arith.mulf %get3A_193, %convert_element_type3A_190 : vector<1x128xf32>
      %reduce_sum3A_195 = vector.shape_cast %mul3A_194 : vector<1x128xf32> to vector<1x1x128xf32>
      %reduce_sum3A_196 = arith.constant dense<0.000000e+00> : vector<1xf32>
      %reduce_sum3A_197 = vector.multi_reduction <add>, %reduce_sum3A_195, %reduce_sum3A_196 [1, 2] : vector<1x1x128xf32> to vector<1xf32>
      %reduce_sum3A_198 = vector.shape_cast %reduce_sum3A_197 : vector<1xf32> to vector<1x1x1xf32>
      %reduce_sum3A_199 = vector.extract %reduce_sum3A_198[0, 0, 0] : f32 from vector<1x1x1xf32>
      %get3A_200 = arith.index_cast %select_n3A_170 : i32 to index
      %get3A_201 = arith.constant 0 : index
      %get3A_202 = vector.load %arg1[%get3A_200, %get3A_201] : memref<784x128xf32, #tpu.memory_space<vmem>>, vector<1x128xf32>
      %mul3A_203 = arith.mulf %get3A_202, %convert_element_type3A_190 : vector<1x128xf32>
      %reduce_sum3A_204 = vector.shape_cast %mul3A_203 : vector<1x128xf32> to vector<1x1x128xf32>
      %reduce_sum3A_205 = arith.constant dense<0.000000e+00> : vector<1xf32>
      %reduce_sum3A_206 = vector.multi_reduction <add>, %reduce_sum3A_204, %reduce_sum3A_205 [1, 2] : vector<1x1x128xf32> to vector<1xf32>
      %reduce_sum3A_207 = vector.shape_cast %reduce_sum3A_206 : vector<1xf32> to vector<1x1x1xf32>
      %reduce_sum3A_208 = vector.extract %reduce_sum3A_207[0, 0, 0] : f32 from vector<1x1x1xf32>
      %get3A_209 = arith.index_cast %select_n3A_170 : i32 to index
      %get3A_210 = arith.constant 0 : index
      %get3A_211 = vector.load %arg2[%get3A_209, %get3A_210] : memref<784x128xf32, #tpu.memory_space<vmem>>, vector<1x128xf32>
      %mul3A_212 = arith.mulf %get3A_211, %convert_element_type3A_190 : vector<1x128xf32>
      %reduce_sum3A_213 = vector.shape_cast %mul3A_212 : vector<1x128xf32> to vector<1x1x128xf32>
      %reduce_sum3A_214 = arith.constant dense<0.000000e+00> : vector<1xf32>
      %reduce_sum3A_215 = vector.multi_reduction <add>, %reduce_sum3A_213, %reduce_sum3A_214 [1, 2] : vector<1x1x128xf32> to vector<1xf32>
      %reduce_sum3A_216 = vector.shape_cast %reduce_sum3A_215 : vector<1xf32> to vector<1x1x1xf32>
      %reduce_sum3A_217 = vector.extract %reduce_sum3A_216[0, 0, 0] : f32 from vector<1x1x1xf32>
      %mul3A_218 = vector.broadcast %reduce_sum3A_199 : f32 to vector<1x128xf32>
      %mul3A_219 = arith.mulf %mul3A_218, %convert_element_type3A_52 : vector<1x128xf32>
      %mul3A_220 = vector.broadcast %reduce_sum3A_208 : f32 to vector<1x128xf32>
      %mul3A_221 = arith.mulf %mul3A_220, %convert_element_type3A_57 : vector<1x128xf32>
      %add3A_222 = arith.addf %mul3A_219, %mul3A_221 : vector<1x128xf32>
      %mul3A_223 = vector.broadcast %reduce_sum3A_217 : f32 to vector<1x128xf32>
      %mul3A_224 = arith.mulf %mul3A_223, %convert_element_type3A_62 : vector<1x128xf32>
      %add3A_225 = arith.addf %add3A_222, %mul3A_224 : vector<1x128xf32>
      %sub3A_226 = arith.constant 1 : i32
      %sub3A_227 = arith.subi %scan3A_145, %sub3A_226 : i32
      %swap3A_228 = arith.index_cast %sub3A_227 : i32 to index
      %swap3A_229 = arith.constant 0 : index
      %swap3A_230 = vector.load %arg4[%swap3A_228, %swap3A_229] : memref<4096x128xf32, #tpu.memory_space<vmem>>, vector<1x128xf32>
      tpu.vector_store %arg4[%swap3A_228, %swap3A_229], %add3A_225 {strides = array<i32>} : memref<4096x128xf32, #tpu.memory_space<vmem>>, vector<1x128xf32>,
      %sub3A_231 = vector.broadcast %reduce_sum3A_199 : f32 to vector<784x128xf32>
      %sub3A_232 = arith.subf %get3A_6, %sub3A_231 : vector<784x128xf32>
      %sub3A_233 = vector.broadcast %reduce_sum3A_208 : f32 to vector<784x128xf32>
      %sub3A_234 = arith.subf %get3A_9, %sub3A_233 : vector<784x128xf32>
      %sub3A_235 = vector.broadcast %reduce_sum3A_217 : f32 to vector<784x128xf32>
      %sub3A_236 = arith.subf %get3A_12, %sub3A_235 : vector<784x128xf32>
      %mul3A_237 = arith.mulf %sub3A_232, %sub3A_232 : vector<784x128xf32>
      %mul3A_238 = arith.mulf %sub3A_234, %sub3A_234 : vector<784x128xf32>
      %add3A_239 = arith.addf %mul3A_237, %mul3A_238 : vector<784x128xf32>
      %mul3A_240 = arith.mulf %sub3A_236, %sub3A_236 : vector<784x128xf32>
      %add3A_241 = arith.addf %add3A_239, %mul3A_240 : vector<784x128xf32>
      %get3A_242 = arith.constant 0 : index
      %get3A_243 = arith.constant 0 : index
      %get3A_244 = vector.load %arg5[%get3A_242, %get3A_243] : memref<784x128xf32, #tpu.memory_space<vmem>>, vector<784x128xf32>
      %min3A = arith.minimumf %get3A_244, %add3A_241 : vector<784x128xf32>
      %swap3A_245 = arith.constant 0 : index
      %swap3A_246 = arith.constant 0 : index
      %swap3A_247 = vector.load %arg5[%swap3A_245, %swap3A_246] : memref<784x128xf32, #tpu.memory_space<vmem>>, vector<784x128xf32>
      tpu.vector_store %arg5[%swap3A_245, %swap3A_246], %min3A {strides = array<i32>} : memref<784x128xf32, #tpu.memory_space<vmem>>, vector<784x128xf32>,
      %reduce_max3A = vector.shape_cast %min3A : vector<784x128xf32> to vector<1x784x128xf32>
      %reduce_max3A_248 = arith.constant dense<0xFF800000> : vector<1xf32>
      %reduce_max3A_249 = vector.multi_reduction <maximumf>, %reduce_max3A, %reduce_max3A_248 [1, 2] : vector<1x784x128xf32> to vector<1xf32>
      %reduce_max3A_250 = vector.shape_cast %reduce_max3A_249 : vector<1xf32> to vector<1x1x1xf32>
      %reduce_max3A_251 = vector.extract %reduce_max3A_250[0, 0, 0] : f32 from vector<1x1x1xf32>
      %eq3A_252 = vector.broadcast %reduce_max3A_251 : f32 to vector<784x128xf32>
      %eq3A_253 = arith.cmpf oeq, %min3A, %eq3A_252 : vector<784x128xf32>
      %jit3A_254 = arith.constant 1073741824 : i32
      %broadcast_in_dim3A_255 = vector.broadcast %jit3A_254 : i32 to vector<784x128xi32>
      %select_n3A_256 = arith.select %eq3A_253, %add3A, %broadcast_in_dim3A_255 : vector<784x128xi1>, vector<784x128xi32>
      %reduce_min3A_257 = vector.shape_cast %select_n3A_256 : vector<784x128xi32> to vector<1x784x128xi32>
      %reduce_min3A_258 = arith.constant dense<2147483647> : vector<1xi32>
      %reduce_min3A_259 = vector.multi_reduction <minsi>, %reduce_min3A_257, %reduce_min3A_258 [1, 2] : vector<1x784x128xi32> to vector<1xi32>
      %reduce_min3A_260 = vector.shape_cast %reduce_min3A_259 : vector<1xi32> to vector<1x1x1xi32>
      %reduce_min3A_261 = vector.extract %reduce_min3A_260[0, 0, 0] : i32 from vector<1x1x1xi32>
      scf.yield %reduce_min3A_261 : i32
    }
    %scan3A_68 = arith.constant 4095 : i32
    %jit3A_69 = arith.constant 128 : i32
    %div3A = arith.divsi %scan3A_67, %jit3A_69 : i32
    %sign3A = arith.constant 0 : i32
    %sign3A_70 = arith.cmpi sgt, %scan3A_67, %sign3A : i32
    %sign3A_71 = arith.extui %sign3A_70 : i1 to i32
    %sign3A_72 = arith.constant 0 : i32
    %sign3A_73 = arith.cmpi slt, %scan3A_67, %sign3A_72 : i32
    %sign3A_74 = arith.extui %sign3A_73 : i1 to i32
    %sign3A_75 = arith.subi %sign3A_71, %sign3A_74 : i32
    %sign3A_76 = arith.constant 0 : i32
    %sign3A_77 = arith.cmpi sgt, %jit3A_69, %sign3A_76 : i32
    %sign3A_78 = arith.extui %sign3A_77 : i1 to i32
    %sign3A_79 = arith.constant 0 : i32
    %sign3A_80 = arith.cmpi slt, %jit3A_69, %sign3A_79 : i32
    %sign3A_81 = arith.extui %sign3A_80 : i1 to i32
    %sign3A_82 = arith.subi %sign3A_78, %sign3A_81 : i32
    %ne3A = arith.cmpi ne, %sign3A_75, %sign3A_82 : i32
    %rem3A = arith.remsi %scan3A_67, %jit3A_69 : i32
    %ne3A_83 = arith.constant 0 : i32
    %ne3A_84 = arith.cmpi ne, %rem3A, %ne3A_83 : i32
    %and3A_85 = arith.andi %ne3A, %ne3A_84 : i1
    %sub3A = arith.constant 1 : i32
    %sub3A_86 = arith.subi %div3A, %sub3A : i32
    %select_n3A_87 = arith.select %and3A_85, %sub3A_86, %div3A : i32
    %jit3A_88 = arith.constant 128 : i32
    %eq3A_89 = arith.constant 0 : i32
    %eq3A_90 = arith.cmpi eq, %jit3A_88, %eq3A_89 : i32
    %jit3A_91 = arith.constant 1 : i32
    %select_n3A_92 = arith.select %eq3A_90, %jit3A_91, %jit3A_88 : i32
    %rem3A_93 = arith.remsi %scan3A_67, %select_n3A_92 : i32
    %ne3A_94 = arith.constant 0 : i32
    %ne3A_95 = arith.cmpi ne, %rem3A_93, %ne3A_94 : i32
    %lt3A_96 = arith.constant 0 : i32
    %lt3A_97 = arith.cmpi slt, %rem3A_93, %lt3A_96 : i32
    %lt3A_98 = arith.constant 0 : i32
    %lt3A_99 = arith.cmpi slt, %select_n3A_92, %lt3A_98 : i32
    %ne3A_100 = arith.xori %lt3A_97, %lt3A_99 : i1
    %and3A_101 = arith.andi %ne3A_100, %ne3A_95 : i1
    %add3A_102 = arith.addi %rem3A_93, %select_n3A_92 : i32
    %select_n3A_103 = arith.select %and3A_101, %add3A_102, %rem3A_93 : i32
    %eq3A_104 = vector.broadcast %select_n3A_103 : i32 to vector<1x128xi32>
    %eq3A_105 = arith.cmpi eq, %iota3A_48, %eq3A_104 : vector<1x128xi32>
    %convert_element_type3A_106 = arith.extui %eq3A_105 : vector<1x128xi1> to vector<1x128xi32>
    %convert_element_type3A_107 = arith.sitofp %convert_element_type3A_106 : vector<1x128xi32> to vector<1x128xf32>
    %get3A_108 = arith.index_cast %select_n3A_87 : i32 to index
    %get3A_109 = arith.constant 0 : index
    %get3A_110 = vector.load %arg0[%get3A_108, %get3A_109] : memref<784x128xf32, #tpu.memory_space<vmem>>, vector<1x128xf32>
    %mul3A_111 = arith.mulf %get3A_110, %convert_element_type3A_107 : vector<1x128xf32>
    %reduce_sum3A = vector.shape_cast %mul3A_111 : vector<1x128xf32> to vector<1x1x128xf32>
    %reduce_sum3A_112 = arith.constant dense<0.000000e+00> : vector<1xf32>
    %reduce_sum3A_113 = vector.multi_reduction <add>, %reduce_sum3A, %reduce_sum3A_112 [1, 2] : vector<1x1x128xf32> to vector<1xf32>
    %reduce_sum3A_114 = vector.shape_cast %reduce_sum3A_113 : vector<1xf32> to vector<1x1x1xf32>
    %reduce_sum3A_115 = vector.extract %reduce_sum3A_114[0, 0, 0] : f32 from vector<1x1x1xf32>
    %get3A_116 = arith.index_cast %select_n3A_87 : i32 to index
    %get3A_117 = arith.constant 0 : index
    %get3A_118 = vector.load %arg1[%get3A_116, %get3A_117] : memref<784x128xf32, #tpu.memory_space<vmem>>, vector<1x128xf32>
    %mul3A_119 = arith.mulf %get3A_118, %convert_element_type3A_107 : vector<1x128xf32>
    %reduce_sum3A_120 = vector.shape_cast %mul3A_119 : vector<1x128xf32> to vector<1x1x128xf32>
    %reduce_sum3A_121 = arith.constant dense<0.000000e+00> : vector<1xf32>
    %reduce_sum3A_122 = vector.multi_reduction <add>, %reduce_sum3A_120, %reduce_sum3A_121 [1, 2] : vector<1x1x128xf32> to vector<1xf32>
    %reduce_sum3A_123 = vector.shape_cast %reduce_sum3A_122 : vector<1xf32> to vector<1x1x1xf32>
    %reduce_sum3A_124 = vector.extract %reduce_sum3A_123[0, 0, 0] : f32 from vector<1x1x1xf32>
    %get3A_125 = arith.index_cast %select_n3A_87 : i32 to index
    %get3A_126 = arith.constant 0 : index
    %get3A_127 = vector.load %arg2[%get3A_125, %get3A_126] : memref<784x128xf32, #tpu.memory_space<vmem>>, vector<1x128xf32>
    %mul3A_128 = arith.mulf %get3A_127, %convert_element_type3A_107 : vector<1x128xf32>
    %reduce_sum3A_129 = vector.shape_cast %mul3A_128 : vector<1x128xf32> to vector<1x1x128xf32>
    %reduce_sum3A_130 = arith.constant dense<0.000000e+00> : vector<1xf32>
    %reduce_sum3A_131 = vector.multi_reduction <add>, %reduce_sum3A_129, %reduce_sum3A_130 [1, 2] : vector<1x1x128xf32> to vector<1xf32>
    %reduce_sum3A_132 = vector.shape_cast %reduce_sum3A_131 : vector<1xf32> to vector<1x1x1xf32>
    %reduce_sum3A_133 = vector.extract %reduce_sum3A_132[0, 0, 0] : f32 from vector<1x1x1xf32>
    %mul3A_134 = vector.broadcast %reduce_sum3A_115 : f32 to vector<1x128xf32>
    %mul3A_135 = arith.mulf %mul3A_134, %convert_element_type3A_52 : vector<1x128xf32>
    %mul3A_136 = vector.broadcast %reduce_sum3A_124 : f32 to vector<1x128xf32>
    %mul3A_137 = arith.mulf %mul3A_136, %convert_element_type3A_57 : vector<1x128xf32>
    %add3A_138 = arith.addf %mul3A_135, %mul3A_137 : vector<1x128xf32>
    %mul3A_139 = vector.broadcast %reduce_sum3A_133 : f32 to vector<1x128xf32>
    %mul3A_140 = arith.mulf %mul3A_139, %convert_element_type3A_62 : vector<1x128xf32>
    %add3A_141 = arith.addf %add3A_138, %mul3A_140 : vector<1x128xf32>
    %swap3A_142 = arith.constant 4095 : index
    %swap3A_143 = arith.constant 0 : index
    %swap3A_144 = vector.load %arg4[%swap3A_142, %swap3A_143] : memref<4096x128xf32, #tpu.memory_space<vmem>>, vector<1x128xf32>
    tpu.vector_store %arg4[%swap3A_142, %swap3A_143], %add3A_141 {strides = array<i32>} : memref<4096x128xf32, #tpu.memory_space<vmem>>, vector<1x128xf32>,
    return
  }
}

module attributes {stable_mosaic.version = 14 : i64} {
  func.func @_comb_body(%arg0: i32, %arg1: memref<4x1024x256xf32, #tpu.memory_space<vmem>>, %arg2: memref<4x1024x1xf32, #tpu.memory_space<vmem>>, %arg3: memref<1024x256xf32, #tpu.memory_space<vmem>>) attributes {dimension_semantics = [#tpu.dimension_semantics<arbitrary>], iteration_bounds = array<i64: 4>, scalar_prefetch = 0 : i64, scratch_operands = 0 : i64, tpu.core_type = #tpu.core_type<tc>, window_params = [{transform_indices = @transform_0, window_bounds = array<i64: 4, 1024, 256>}, {transform_indices = @transform_1, window_bounds = array<i64: 4, 1024, 1>}, {transform_indices = @transform_2, window_bounds = array<i64: 1024, 256>}]} {
    %get3A = arith.constant 0 : index
    %get3A_0 = arith.constant 0 : index
    %get3A_1 = arith.constant 0 : index
    %get3A_2 = vector.load %arg1[%get3A, %get3A_0, %get3A_1] : memref<4x1024x256xf32, #tpu.memory_space<vmem>>, vector<1x1024x256xf32>
    %get3A_3 = vector.shape_cast %get3A_2 : vector<1x1024x256xf32> to vector<1024x256xf32>
    %get3A_4 = arith.constant 0 : index
    %get3A_5 = arith.constant 0 : index
    %get3A_6 = arith.constant 0 : index
    %get3A_7 = vector.load %arg2[%get3A_4, %get3A_5, %get3A_6] : memref<4x1024x1xf32, #tpu.memory_space<vmem>>, vector<1x1024x1xf32>
    %get3A_8 = vector.shape_cast %get3A_7 : vector<1x1024x1xf32> to vector<1024x1xf32>
    %mul3A = vector.broadcast %get3A_8 : vector<1024x1xf32> to vector<1024x256xf32>
    %mul3A_9 = arith.mulf %get3A_3, %mul3A : vector<1024x256xf32>
    %get3A_10 = arith.constant 1 : index
    %get3A_11 = arith.constant 0 : index
    %get3A_12 = arith.constant 0 : index
    %get3A_13 = vector.load %arg1[%get3A_10, %get3A_11, %get3A_12] : memref<4x1024x256xf32, #tpu.memory_space<vmem>>, vector<1x1024x256xf32>
    %get3A_14 = vector.shape_cast %get3A_13 : vector<1x1024x256xf32> to vector<1024x256xf32>
    %get3A_15 = arith.constant 1 : index
    %get3A_16 = arith.constant 0 : index
    %get3A_17 = arith.constant 0 : index
    %get3A_18 = vector.load %arg2[%get3A_15, %get3A_16, %get3A_17] : memref<4x1024x1xf32, #tpu.memory_space<vmem>>, vector<1x1024x1xf32>
    %get3A_19 = vector.shape_cast %get3A_18 : vector<1x1024x1xf32> to vector<1024x1xf32>
    %mul3A_20 = vector.broadcast %get3A_19 : vector<1024x1xf32> to vector<1024x256xf32>
    %mul3A_21 = arith.mulf %get3A_14, %mul3A_20 : vector<1024x256xf32>
    %get3A_22 = arith.constant 2 : index
    %get3A_23 = arith.constant 0 : index
    %get3A_24 = arith.constant 0 : index
    %get3A_25 = vector.load %arg1[%get3A_22, %get3A_23, %get3A_24] : memref<4x1024x256xf32, #tpu.memory_space<vmem>>, vector<1x1024x256xf32>
    %get3A_26 = vector.shape_cast %get3A_25 : vector<1x1024x256xf32> to vector<1024x256xf32>
    %get3A_27 = arith.constant 2 : index
    %get3A_28 = arith.constant 0 : index
    %get3A_29 = arith.constant 0 : index
    %get3A_30 = vector.load %arg2[%get3A_27, %get3A_28, %get3A_29] : memref<4x1024x1xf32, #tpu.memory_space<vmem>>, vector<1x1024x1xf32>
    %get3A_31 = vector.shape_cast %get3A_30 : vector<1x1024x1xf32> to vector<1024x1xf32>
    %mul3A_32 = vector.broadcast %get3A_31 : vector<1024x1xf32> to vector<1024x256xf32>
    %mul3A_33 = arith.mulf %get3A_26, %mul3A_32 : vector<1024x256xf32>
    %get3A_34 = arith.constant 3 : index
    %get3A_35 = arith.constant 0 : index
    %get3A_36 = arith.constant 0 : index
    %get3A_37 = vector.load %arg1[%get3A_34, %get3A_35, %get3A_36] : memref<4x1024x256xf32, #tpu.memory_space<vmem>>, vector<1x1024x256xf32>
    %get3A_38 = vector.shape_cast %get3A_37 : vector<1x1024x256xf32> to vector<1024x256xf32>
    %get3A_39 = arith.constant 3 : index
    %get3A_40 = arith.constant 0 : index
    %get3A_41 = arith.constant 0 : index
    %get3A_42 = vector.load %arg2[%get3A_39, %get3A_40, %get3A_41] : memref<4x1024x1xf32, #tpu.memory_space<vmem>>, vector<1x1024x1xf32>
    %get3A_43 = vector.shape_cast %get3A_42 : vector<1x1024x1xf32> to vector<1024x1xf32>
    %mul3A_44 = vector.broadcast %get3A_43 : vector<1024x1xf32> to vector<1024x256xf32>
    %mul3A_45 = arith.mulf %get3A_38, %mul3A_44 : vector<1024x256xf32>
    %add3A = arith.addf %mul3A_9, %mul3A_21 : vector<1024x256xf32>
    %add3A_46 = arith.addf %add3A, %mul3A_33 : vector<1024x256xf32>
    %add3A_47 = arith.addf %add3A_46, %mul3A_45 : vector<1024x256xf32>
    %swap3A = arith.constant 0 : index
    %swap3A_48 = arith.constant 0 : index
    %swap3A_49 = vector.load %arg3[%swap3A, %swap3A_48] : memref<1024x256xf32, #tpu.memory_space<vmem>>, vector<1024x256xf32>
    tpu.vector_store %arg3[%swap3A, %swap3A_48], %add3A_47 {strides = array<i32>} : memref<1024x256xf32, #tpu.memory_space<vmem>>, vector<1024x256xf32>,
    return
  }
  func.func @transform_0(%arg0: i32) -> (i32, i32, i32) {
    %c0_i32 = arith.constant 0 : i32
    %c0_i32_0 = arith.constant 0 : i32
    %c0_i32_1 = arith.constant 0 : i32
    return %c0_i32, %arg0, %c0_i32_0 : i32, i32, i32
  }
  func.func @transform_1(%arg0: i32) -> (i32, i32, i32) {
    %c0_i32 = arith.constant 0 : i32
    %c0_i32_0 = arith.constant 0 : i32
    %c0_i32_1 = arith.constant 0 : i32
    return %c0_i32, %arg0, %c0_i32_0 : i32, i32, i32
  }
  func.func @transform_2(%arg0: i32) -> (i32, i32) {
    %c0_i32 = arith.constant 0 : i32
    %c0_i32_0 = arith.constant 0 : i32
    return %arg0, %c0_i32 : i32, i32
  }
}

</mosaic_0001>

<sc_bundles>
// kernel: kernel.5.cloned.1.call-start
scs
__scs_entry_jumppad:
0x0: {  	(pc) =	sbr.rel $0x88, $3  }
0x1: {  	(tag) =	ssettag $0x0;
	lr =	simm.s32 $0x1  }
0x2: {  	[smem:$0x3F9E] =	sst lr;
	_ =	strace $0xD0000000  }
0x3: {  	_ = 	snop  }
0x4: {  	_ = 	snop  }
0x5: {  	_ = 	snop  }
0x6: {  	_ = 	snop  }
0x7: {  	_ = 	snop  }
__scs_overlays_trampoline_lowered:
0x8: {  	[smem:$0x3FAD] =	sst s0  }
0x9: {  	[smem:$0x3FAE] =	sst s1  }
0xa: {  	[smem:$0x3FAF] =	sst s2  }
0xb: {  	[smem:$0x3FB0] =	sst s3  }
0xc: {  	[smem:$0x3FB1] =	sst s4  }
0xd: {  	[smem:$0x3FB2] =	sst s5  }
0xe: {  	[smem:$0x3FB3] =	sst s6  }
0xf: {  	[smem:$0x3FB4] =	sst s7  }
0x10: {  	[smem:$0x3FB5] =	sst s8  }
0x11: {  	[smem:$0x3FB6] =	sst s9;
	s0 =	simm.s32 @!p0 $0x0  }
0x12: {  	s1 =	sld [smem:$0x3F9C];
	s0 =	simm.s32 @p0 $0x1  }
0x13: {  	[smem:$0x3FB7] =	sst s0;
	s0 =	simm.s32 @!p1 $0x0  }
0x14: {  	s2 =	sld [smem:$0x3F9B];
	s0 =	simm.s32 @p1 $0x1  }
0x15: {  	[smem:$0x3FB8] =	sst s0;
	s0 =	simm.s32 @!p2 $0x0  }
0x16: {  	s3 =	sld [smem:$0x3FDB];
	s0 =	simm.s32 @p2 $0x1  }
0x17: {  	s4 =	simm.s32 $0x1BF5;
	[smem:$0x3FBA] =	sst s0  }
0x18: {  	s0 =	sld [smem:$0x3F9D];
	_ =	swait.ge [sflag:s4], $0x0  }
0x19: {  	s7 =	sld [smem:$0x3F9E]  }
0x1a: {  	s8 =	sadd.s32 $0xFFFFE003, lr  }
0x1b: {  	s9 =	sadd.s32 $0xFFFFFEF7, lr;
	s5 =	simm.s32 $0xFFFFFFFF;
	p2 =	slt.u32 s8, $0xFFFFF086  }
0x1c: {  	p1 =	slt.u32 s9, $0xF7A;
	s5 =	simm.s32 @!p2 $0x0  }
0x1d: {  	s5 =	simm.s32 @p1 $0x1;
	p0 =	seq.s32 s7, s2  }
0x1e: {  	s7 =	smul.u32 @!p0 $0xF7A, s2;
	p2 =	seq.s32 @!p0 s5, $0x0  }
0x1f: {  	s9 =	smul.u32 $0xF7A, s1;
	s8 =	simm.s32 @!p0 $0x1BF5;
	p2 =	por !p2, p0  }
0x20: {  	[sflag:s8] =	ssyncset.s32 @!p0 $0xFFFFF086;
	s6 =	sadd.s32 @!p0 s3, s7;
	s7 =	simm.s32 @!p0 $0x108  }
0x21: {  	s3 =	sadd.s32 s3, s9;
	s6 =	sadd.s32 @!p0 $0x88, s6;
	s7 =	simm.s32 @p2 $0x1082  }
0x22: {  	[simem:s7], [sflag:s8] =	dma.local @!p0 [hbm:s6], $0xF7A  }
0x23: {  	s9 =	sor.u32 $0xD0000000, s2;
	s6 =	simm.s32 $0x108;
	_ =	swait.ge @!p0 [sflag:s8], $0x0  }
0x24: {  	s3 =	sadd.s32 $0x88, s3;
	s6 =	simm.s32 @!p1 $0x1082;
	[sflag:s4] =	ssyncset.s32 $0xFFFFF086  }
0x25: {  	[simem:s6], [sflag:s4] =	dma.local [hbm:s3], $0xF7A  }
0x26: {  	[smem:$0x3F9E] =	sst s1;
	(tag) =	ssettag s2;
	_ =	strace s9  }
0x27: {  	s1 =	sld [smem:$0x3FAE]  }
0x28: {  	s2 =	sld [smem:$0x3FAF]  }
0x29: {  	s4 =	sld [smem:$0x3FB1]  }
0x2a: {  	p0 =	seq.s32 s5, $0x0;
	s5 =	sld [smem:$0x3FB2]  }
0x2b: {  	s6 =	sld [smem:$0x3FB3]  }
0x2c: {  	s7 =	sld [smem:$0x3FB4]  }
0x2d: {  	s3 =	simm.s32 $0x108;
	s8 =	sld [smem:$0x3FB5]  }
0x2e: {  	s3 =	simm.s32 @!p0 $0x1082;
	s9 =	sld [smem:$0x3FB6]  }
0x2f: {  	lr =	sadd.s32 s0, s3;
	s0 =	sld [smem:$0x3FAD]  }
0x30: {  	s3 =	sld [smem:$0x3FB0]  }
0x31: {  	[smem:$0x3FB9] =	sst s10  }
0x32: {  	s10 =	sld [smem:$0x3FB7];
	_ =	sdelay $0x3  }
0x33: {  	p0 =	seq.s32 s10, $0x1;
	s10 =	sld [smem:$0x3FB9];
	_ =	sdelay $0x3  }
0x34: {  	[smem:$0x3FB9] =	sst s10  }
0x35: {  	s10 =	sld [smem:$0x3FB8];
	_ =	sdelay $0x3  }
0x36: {  	p1 =	seq.s32 s10, $0x1;
	s10 =	sld [smem:$0x3FB9];
	_ =	sdelay $0x3  }
0x37: {  	[smem:$0x3FB9] =	sst s10  }
0x38: {  	s10 =	sld [smem:$0x3FBA]  }
0x39: {  	_ = 	snop;
	(pc) =	sbr.ind lr, $3  }
0x3a: {  	_ = 	snop  }
0x3b: {  	_ = 	snop  }
0x3c: {  	p2 =	seq.s32 s10, $0x1;
	s10 =	sld [smem:$0x3FB9]  }
0x3d: {  	_ =	shalt  }
0x3e: {  	_ =	shalt  }
0x3f: {  	_ =	shalt  }
0x40: {  	_ =	shalt  }
0x41: {  	_ =	shalt  }
0x42: {  	_ =	shalt  }
0x43: {  	_ =	shalt  }
0x44: {  	_ =	shalt  }
0x45: {  	_ =	shalt  }
0x46: {  	_ =	shalt  }
0x47: {  	_ =	shalt  }
0x48: {  	_ =	shalt  }
0x49: {  	_ =	shalt  }
0x4a: {  	_ =	shalt  }
0x4b: {  	_ =	shalt  }
0x4c: {  	_ =	shalt  }
0x4d: {  	_ =	shalt  }
0x4e: {  	_ =	shalt  }
0x4f: {  	_ =	shalt  }
0x50: {  	_ =	shalt  }
0x51: {  	_ =	shalt  }
0x52: {  	_ =	shalt  }
0x53: {  	_ =	shalt  }
0x54: {  	_ =	shalt  }
0x55: {  	_ =	shalt  }
0x56: {  	_ =	shalt  }
0x57: {  	_ =	shalt  }
0x58: {  	_ =	shalt  }
0x59: {  	_ =	shalt  }
0x5a: {  	_ =	shalt  }
0x5b: {  	_ =	shalt  }
0x5c: {  	_ =	shalt  }
0x5d: {  	_ =	shalt  }
0x5e: {  	_ =	shalt  }
0x5f: {  	_ =	shalt  }
0x60: {  	_ =	shalt  }
0x61: {  	_ =	shalt  }
0x62: {  	_ =	shalt  }
0x63: {  	_ =	shalt  }
0x64: {  	_ =	shalt  }
0x65: {  	_ =	shalt  }
0x66: {  	_ =	shalt  }
0x67: {  	_ =	shalt  }
0x68: {  	_ =	shalt  }
0x69: {  	_ =	shalt  }
0x6a: {  	_ =	shalt  }
0x6b: {  	_ =	shalt  }
0x6c: {  	_ =	shalt  }
0x6d: {  	_ =	shalt  }
0x6e: {  	_ =	shalt  }
0x6f: {  	_ =	shalt  }
0x70: {  	_ =	shalt  }
0x71: {  	_ =	shalt  }
0x72: {  	_ =	shalt  }
0x73: {  	_ =	shalt  }
0x74: {  	_ =	shalt  }
0x75: {  	_ =	shalt  }
0x76: {  	_ =	shalt  }
0x77: {  	_ =	shalt  }
0x78: {  	_ =	shalt  }
0x79: {  	_ =	shalt  }
0x7a: {  	_ =	shalt  }
0x7b: {  	_ =	shalt  }
0x7c: {  	_ =	shalt  }
0x7d: {  	_ =	shalt  }
0x7e: {  	_ =	shalt  }
0x7f: {  	_ =	shalt  }
0x80: {  	_ =	shalt  }
0x81: {  	_ =	shalt  }
0x82: {  	_ =	shalt  }
0x83: {  	_ =	shalt  }
0x84: {  	_ =	shalt  }
0x85: {  	_ =	shalt  }
0x86: {  	_ =	shalt  }
0x87: {  	_ =	shalt  }
.Lfunc_end0:
.L_simem_size_0:
called_computation_lowered:
.L_overlay_start_0:
0x88: {  	s2 =	sld [smem:$0x3FD9]  }
0x89: {  	s3 =	sld [smem:$0x3FFE];
	_ =	sdelay $0x1  }
0x8a: {  	s1 =	srdreg.scid  }
0x8b: {  	s0 =	sand.u32 $0x1, s1  }
0x8c: {  	s17 =	sshll.u32 s0, $0xA;
	s2 =	sadd.s32 s3, s2  }
0x8d: {  	s2 =	sadd.s32 s2, s17  }
0x8e: {  	[smem:$0x3FC5] =	sst s2  }
0x8f: {  	_ = 	snop  }
0x90: {  	s2 =	sld [smem:$0x3FD0];
	(tm) =	ssettm $0x1  }
0x91: {  	s18 =	sld [smem:$0x3FFB];
	_ =	sdelay $0x3  }
0x92: {  	_ =	strace s18  }
0x93: {  	s3 =	sld [smem:$0x3FFC];
	_ =	sdelay $0x3  }
0x94: {  	_ =	strace s3  }
0x95: {  	s3 =	sld [smem:$0x3FFD];
	_ =	sdelay $0x3  }
0x96: {  	_ =	strace s3  }
0x97: {  	_ =	strace $0x8FFFFFFF  }
0x98: {  	s19 =	sld [smem:$0x3FDB];
	_ =	sdelay $0x1  }
0x99: {  	s4 =	simm.s32 $_scs_section_size  }
0x9a: {  	s5 =	simm.s32 $_size__tile_overlayer_lowered;
	s6 =	simm.s32 $_tile_overlayer_lowered  }
0x9b: {  	s22 =	simm.s32 $0x1BFF;
	s21 =	sshll.u32 s6, $0x1;
	s3 =	sadd.s32 s4, s19  }
0x9c: {  	s7 =	simm.s32 $0x0;
	s20 =	sshll.u32 s5, $0x1;
	s5 =	sadd.s32 s21, s3  }
0x9d: {  	[timem:s7], [sflag:s22] =	dma.local [hbm:s5], s20  }
0x9e: {  	_ =	swait.ge [sflag:s22], s20  }
0x9f: {  	s4 =	ssub.s32 $0x0, s20;
	[sflag:s22] =	ssyncset.done $0x0  }
0xa0: {  	[sflag:s22] =	ssyncadd.s32 s4;
	_ =	sdelay $0x1  }
0xa1: {  	s23 =	simm.s32 $0x1B8B  }
0xa2: {  	_ =	swait.ge [sflag:s23], $0x1  }
0xa3: {  	[sflag:s23] =	ssyncset.done $0x0  }
0xa4: {  	s25 =	simm.s32 $0x1B8E;
	s24 =	sld [smem:$0x3FFE];
	[sflag:s23] =	ssyncadd.s32 $0xFFFFFFFF  }
0xa5: {  	s26 =	simm.s32 $execute0_lowered;
	[smem:$0x3FD2] =	sst s25  }
0xa6: {  	s5 =	sshll.u32 s26, $0x1;
	_ =	strace $0x80000046;
	[dreg:$0x1] =	wrdreg $0xFFFFFFFF  }
0xa7: {  	s28 =	simm.s32 $_size_execute0_lowered;
	s3 =	sadd.s32 s3, s5;
	[dreg:$0x0] =	wrdreg $0x0  }
0xa8: {  	s5 =	sshll.u32 s28, $0x1;
	[dreg:$0x2] =	wrdreg s3  }
0xa9: {  	[dreg:$0x3] =	wrdreg s5  }
0xaa: {  	[dreg:$0x4] =	wrdreg $0xC0  }
0xab: {  	_ =	task [dreg:s7], $0x5FFFF  }
0xac: {  	[dreg:$0x1] =	wrdreg $0xFFFFFFFF  }
0xad: {  	[dreg:$0x0] =	wrdreg $0x60  }
0xae: {  	[dreg:$0x2] =	wrdreg s24  }
0xaf: {  	[dreg:$0x3] =	wrdreg s2  }
0xb0: {  	[dreg:$0x4] =	wrdreg $0x9  }
0xb1: {  	_ =	task.clear_ibuf [dreg:s7], $0x5FFFF;
	_ =	strace $0x90000046  }
0xb2: {  	s29 =	simm.s32 $0x9;
	_ =	strace $0x80000048  }
0xb3: {  	_ =	swait.ge [sflag:s29], $0x1  }
0xb4: {  	[sflag:s29] =	ssyncadd.s32 $0xFFFFFFFF  }
0xb5: {  	_ =	strace $0x90000048  }
0xb6: {  	_ =	sfence  }
0xb7: {  	s30 =	sld [smem:$0x0];
	_ =	sdelay $0x2  }
0xb8: {  	s31 =	sshll.u32 s1, $0xD;
	s1 =	sshrl.u32 s1, $0x2  }
0xb9: {  	s3 =	sand.u32 $0x4000, s31;
	s1 =	sadd.s32 s1, s30  }
0xba: {  	s0 =	sor.u32 s3, s0;
	s1 =	sshll.u32 s1, $0x11  }
0xbb: {  	s0 =	sor.u32 s1, s0  }
0xbc: {  	s0 =	sadd.s32 $0x8F2B, s0  }
0xbd: {  	[sflag:s0] =	ssyncadd.remote.s32 $0x1  }
0xbe: {  	_ =	sfence.sel $0xFFFF  }
0xbf: {  	[dreg:$0x0] =	wrdreg $0xFFFFFFFF;
	(pc) =	sbr.abs _section_cstart, $3  }
0xc0: {  	[dreg:$0x1] =	wrdreg $0xFFFFFFFF  }
0xc1: {  	_ =	task.clear_ibuf [dreg:s7], $0x2FFFF;
	_ =	strace $0x9FFFFFFF  }
0xc2: {  	(tm) =	ssettm $0x7FFFFFFF  }
0xc3: {  	_ =	shalt  }
tec
execute0_lowered:
.L_overlay_start_1:
0x0: {  	(tag) =	ssettag $0x1  }
0x1: {  	s0 =	srdreg.scid;
	s1 =	rddreg [dreg:$0x0]  }
0x2: {  	s2 =	stileid.u32;
	s4 =	rddreg [dreg:$0x1]  }
0x3: {  	s21 =	simm.s32 $0x80;
	s22 =	simm.s32 $0x300;
	s24 =	simm.s32 $0x380  }
0x4: {  	s25 =	simm.s32 $0x400;
	s26 =	simm.s32 $0x480;
	s28 =	simm.s32 $0x5500  }
0x5: {  	s29 =	simm.s32 $0x5D00;
	s30 =	simm.s32 $0x6500;
	s31 =	simm.s32 $0x6D00  }
0x6: {  	s8 =	simm.s32 $0x8D00;
	s9 =	simm.s32 $0x9500;
	s0 =	sand.u32 $0x1, s0  }
0x7: {  	s10 =	simm.s32 $0x9D00;
	s2 =	sshll.u32 s2, $0x8;
	s3 =	sshll.u32 s0, $0x7  }
0x8: {  	s11 =	simm.s32 $0xA500;
	s5 =	sor.u32 s3, s2;
	s2 =	simm.s32 $0x0  }
0x9: {  	s12 =	simm.s32 $0xAD00;
	s13 =	simm.s32 $0xB500;
	[smem:$0x7FF] =	sst s2  }
0xa: {  	s0 =	ssub.s32 $0x2, s0;
	_ =	strace $0x80000047;
	[dreg:$0xc] =	wrdreg s21  }
0xb: {  	s23 =	sshrl.u32 s0, $0x1;
	s3 =	sshrl.u32 s5, $0x3;
	[dreg:$0xd] =	wrdreg s22  }
0xc: {  	s7 =	sshrl.u32 s5, $0x1;
	s5 =	sshll.u32 s5, $0x5;
	[dreg:$0xe] =	wrdreg s24  }
0xd: {  	s0 =	ssub.s32 s0, s23;
	s23 =	simm.s32 $0xD500;
	[dreg:$0xf] =	wrdreg s25  }
0xe: {  	v0 =	vimm.f32 $1.000000010e-01;
	s3 =	sadd.s32 s3, s1;
	s15 =	sadd.s32 s4, s7;
	[dreg:$0x10] =	wrdreg s26  }
0xf: {  	s5 =	sadd.s32 s5, s1;
	s6 =	sadd.s32 $0x400, s3;
	[dreg:$0x11] =	wrdreg s15;
	(erf) = vrcp.f32 v0;
	v0 =	vimm.f32 $8.000000000e+00  }
0x10: {  	s7 =	smax.u32 s0, $0x1;
	s14 =	sadd.s32 $0x200, s3;
	[dreg:$0x3] =	wrdreg s6;
	(erf) = vrcp.f32 v0  }
0x11: {  	s21 =	simm.s32 $0x2D00;
	s4 =	sadd.s32 $0x10, s15;
	[dreg:$0x4] =	wrdreg s14  }
0x12: {  	s22 =	simm.s32 $0x3500;
	s16 =	sadd.s32 $0x20, s15;
	[dreg:$0x5] =	wrdreg s4  }
0x13: {  	s24 =	simm.s32 $0x3D00;
	s17 =	sadd.s32 $0x30, s15;
	[dreg:$0x6] =	wrdreg s16  }
0x14: {  	s25 =	simm.s32 $0x4500;
	s18 =	sadd.s32 $0x114800, s5;
	[dreg:$0x7] =	wrdreg s17  }
0x15: {  	s26 =	simm.s32 $0x4D00;
	s19 =	sadd.s32 $0x134800, s5;
	[dreg:$0x8] =	wrdreg s18  }
0x16: {  	s20 =	sadd.s32 $0x154800, s5;
	s5 =	sadd.s32 $0x174800, s5;
	[dreg:$0x9] =	wrdreg s19  }
0x17: {  	v5 =	vlaneseq.u32;
	s15 =	simm.s32 $0xCD00;
	[dreg:$0xa] =	wrdreg s20;
	s4 =	sadd.s32 $0x600, s1  }
0x18: {  	v1 =	vimm.s32 $0x0;
	vm0 =	vmmov $0xffff;
	v4 =	vshrl.u32 v5, $0x3;
	[dreg:$0xb] =	wrdreg s5;
	s6 =	simm.s32 $0x3;
	s18 =	simm.s32 $0x1500;
	v0 =	vpop (erf)  }
0x19: {  	v2 =	vand.u32 $0x7, v5;
	v5 =	vor.u32 $0x8, v5;
	v4 =	vmul.u32 $0x8, v4;
	s19 =	simm.s32 $0x1D00;
	s20 =	simm.s32 $0x2500;
	s14 =	simm.s32 $0x8500;
	v3 =	vpop (erf)  }
.LBB2_1:
0x1a: {  	s16 =	rddreg [dreg:$0x3]  }
0x1b: {  	[tilespmem:s2], [sflag:$0x3] =	stream.linear.gather [hbm4b:s16+s2], $0x80, $0x38;
	[tilespmem:$0x10500] =	vst v63  }
0x1c: {  	_ =	swait.ge [sflag:s6], $0x80  }
0x1d: {  	s0 =	rddreg [dreg:$0x4];
	[sflag:s6] =	ssyncset.done $0x0  }
0x1e: {  	s17 =	rddreg [dreg:$0xc];
	[sflag:s6] =	ssyncadd.s32 $0xFFFFFF80  }
0x1f: {  	[tilespmem:s17], [sflag:$0x3] =	stream.linear.gather [hbm4b:s0+s2], $0x80, $0x38;
	[tilespmem:$0x10500] =	vst v63  }
0x20: {  	_ =	swait.ge [sflag:s6], $0x80  }
0x21: {  	[sflag:s6] =	ssyncset.done $0x0  }
0x22: {  	[sflag:s6] =	ssyncadd.s32 $0xFFFFFF80  }
0x23: {  	v6 =	vld [tilespmem:$0x0]  }
0x24: {  	v7 =	vld [tilespmem:$0x80]  }
0x25: {  	v15 =	vld [tilespmem:$0x90]  }
0x26: {  	v38 =	vld [tilespmem:$0x20]  }
0x27: {  	v24 =	vld [tilespmem:$0xA0];
	_ =	sdelay $0x2  }
0x28: {  	v6 =	vadd.f32 $7.519999690e+01, v6;
	v7 =	vadd.f32 $7.519999690e+01, v7  }
0x29: {  	v15 =	vadd.f32 $7.519999690e+01, v15;
	v26 =	vadd.f32 $7.519999690e+01, v38  }
0x2a: {  	v24 =	vadd.f32 $7.519999690e+01, v24;
	v6 =	vmul.f32 v6, v0;
	v7 =	vmul.f32 v7, v0  }
0x2b: {  	v15 =	vmul.f32 v15, v0;
	v26 =	vmul.f32 v26, v0  }
0x2c: {  	v24 =	vmul.f32 v24, v0;
	v8 =	vmul.f32 v6, v3  }
0x2d: {  	v10 =	vmul.f32 v7, v3;
	v15 =	vmul.f32 v15, v3  }
0x2e: {  	v26 =	vmul.f32 v26, v3;
	v24 =	vmul.f32 v24, v3  }
0x2f: {  	v28 =	vld [tilespmem:$0x10];
	v6 =	vtrunc.f32 v8;
	v33 =	vtrunc.f32 v15  }
0x30: {  	v40 =	vtrunc.f32 v26;
	v42 =	vtrunc.f32 v24  }
0x31: {  	v7 =	vcvt.f32.s32 v6;
	vm1 =	vlt.f32 v8, v6;
	v6 =	vtrunc.f32 v10  }
0x32: {  	v20 =	vcvt.f32.s32 v33;
	v41 =	vcvt.f32.s32 v40;
	v9 =	vsel vm1, $0xFFFFFFFF, v1  }
0x33: {  	v11 =	vcvt.f32.s32 v6;
	vm1 =	vlt.f32 v10, v6;
	v6 =	vadd.s32 v7, v9  }
0x34: {  	v7 =	vsel vm1, $0xFFFFFFFF, v1;
	v9 =	vadd.f32 $7.519999690e+01, v28;
	v28 =	vcvt.f32.s32 v42  }
0x35: {  	v7 =	vadd.s32 v11, v7;
	v27 =	vcvt.s32.f32 v6;
	vm1 =	vgt.s32 v6, $0x0  }
0x36: {  	v12 =	vadd.s32 $0x1, v6;
	v14 =	vcvt.s32.f32 v7;
	v6 =	vnsel vm1, $0x0, v6  }
0x37: {  	vm1 =	vgt.s32 v12, $0x0;
	v16 =	vadd.s32 $0x1, v7;
	v9 =	vmul.f32 v9, v0  }
0x38: {  	v13 =	vadd.f32 $1.000000000e+00, v27;
	v12 =	vnsel vm1, $0x0, v12;
	vm1 =	vgt.s32 v7, $0x0  }
0x39: {  	v6 =	vmin.u32 v6, $0xBB;
	v17 =	vadd.f32 $1.000000000e+00, v14;
	v7 =	vnsel vm1, $0x0, v7  }
0x3a: {  	vm1 =	vgt.s32 v16, $0x0;
	v18 =	vmin.u32 v12, $0xBB;
	v22 =	vmul.f32 v9, v3  }
0x3b: {  	v14 =	vsub.f32 v10, v14;
	v16 =	vnsel vm1, $0x0, v16;
	v7 =	vmin.u32 v7, $0xBB  }
0x3c: {  	v19 =	vsub.f32 v13, v8;
	v8 =	vsub.f32 v8, v27;
	v29 =	vmin.u32 v16, $0xBB  }
0x3d: {  	v7 =	vmul.u32 $0xBC, v7;
	v17 =	vsub.f32 v17, v10;
	v30 =	vtrunc.f32 v22  }
0x3e: {  	v16 =	vmul.u32 $0xBC, v29;
	v31 =	vcvt.f32.s32 v30;
	vm1 =	vlt.f32 v22, v30  }
0x3f: {  	v11 =	vmul.f32 v14, v19;
	v13 =	vadd.s32 v6, v7;
	v9 =	vadd.s32 v18, v7  }
0x40: {  	v32 =	vsel vm1, $0xFFFFFFFF, v1;
	vm1 =	vlt.f32 v15, v33;
	v10 =	vmul.f32 v17, v8  }
0x41: {  	v8 =	vmul.f32 v14, v8;
	v12 =	vadd.s32 v6, v16;
	v6 =	vmul.f32 v17, v19  }
0x42: {  	v7 =	vadd.s32 v18, v16;
	v34 =	vadd.s32 v31, v32;
	v16 =	vsel vm1, $0xFFFFFFFF, v1  }
0x43: {  	v35 =	vcvt.s32.f32 v34;
	v36 =	vadd.s32 v20, v16;
	vm1 =	vgt.s32 v34, $0x0  }
0x44: {  	v18 =	vadd.s32 $0x1, v34;
	v16 =	vcvt.s32.f32 v36;
	v21 =	vnsel vm1, $0x0, v34  }
0x45: {  	v31 =	vld [tilespmem:$0xB0];
	vm1 =	vgt.s32 v36, $0x0;
	v23 =	vadd.s32 $0x1, v36;
	v37 =	vadd.f32 $1.000000000e+00, v35  }
0x46: {  	v14 =	vnsel vm1, $0x0, v36;
	vm1 =	vgt.s32 v23, $0x0;
	v39 =	vmin.u32 v21, $0xBB  }
0x47: {  	v25 =	vadd.f32 $1.000000000e+00, v16;
	v23 =	vnsel vm1, $0x0, v23;
	vm1 =	vgt.s32 v18, $0x0  }
0x48: {  	v14 =	vmin.u32 v14, $0xBB;
	v16 =	vsub.f32 v15, v16;
	v18 =	vnsel vm1, $0x0, v18  }
0x49: {  	v23 =	vmin.u32 v23, $0xBB;
	v14 =	vmul.u32 $0xBC, v14;
	v27 =	vsub.f32 v37, v22  }
0x4a: {  	v22 =	vsub.f32 v22, v35;
	vm1 =	vlt.f32 v26, v40;
	v31 =	vadd.f32 $7.519999690e+01, v31  }
0x4b: {  	v46 =	vld [tilespmem:$0x30];
	v23 =	vmul.u32 $0xBC, v23;
	v18 =	vmin.u32 v18, $0xBB;
	v25 =	vsub.f32 v25, v15  }
0x4c: {  	v43 =	vsel vm1, $0xFFFFFFFF, v1;
	vm1 =	vlt.f32 v24, v42;
	v21 =	vadd.s32 v39, v14  }
0x4d: {  	v20 =	vadd.s32 v18, v14;
	v14 =	vmul.f32 v16, v27;
	v44 =	vsel vm1, $0xFFFFFFFF, v1  }
0x4e: {  	v16 =	vmul.f32 v16, v22;
	v31 =	vmul.f32 v31, v0;
	v17 =	vadd.s32 v39, v23  }
0x4f: {  	v40 =	vld [tilespmem:$0x40];
	v18 =	vadd.s32 v18, v23;
	v15 =	vmul.f32 v25, v27;
	v19 =	vmul.f32 v25, v22  }
0x50: {  	v23 =	vadd.s32 v41, v43;
	v45 =	vadd.s32 v28, v44;
	v25 =	vadd.f32 $7.519999690e+01, v46  }
0x51: {  	v27 =	vcvt.s32.f32 v23;
	v30 =	vcvt.s32.f32 v45;
	vm1 =	vgt.s32 v23, $0x0  }
0x52: {  	v47 =	vadd.s32 $0x1, v23;
	v32 =	vadd.s32 $0x1, v45;
	v31 =	vmul.f32 v31, v3  }
0x53: {  	v23 =	vnsel vm1, $0x0, v23;
	vm1 =	vgt.s32 v47, $0x0;
	v25 =	vmul.f32 v25, v0  }
0x54: {  	v40 =	vadd.f32 $7.519999690e+01, v40;
	v29 =	vadd.f32 $1.000000000e+00, v27;
	v28 =	vnsel vm1, $0x0, v47  }
0x55: {  	vm1 =	vgt.s32 v45, $0x0;
	v33 =	vadd.f32 $1.000000000e+00, v30;
	v23 =	vmin.u32 v23, $0xBB  }
0x56: {  	v51 =	vsub.f32 v26, v27;
	v53 =	vtrunc.f32 v31;
	v22 =	vnsel vm1, $0x0, v45  }
0x57: {  	vm1 =	vgt.s32 v32, $0x0;
	v34 =	vmin.u32 v28, $0xBB;
	v36 =	vmul.f32 v25, v3  }
0x58: {  	v54 =	vcvt.f32.s32 v53;
	v40 =	vmul.f32 v40, v0;
	v32 =	vnsel vm1, $0x0, v32  }
0x59: {  	v22 =	vmin.u32 v22, $0xBB;
	v35 =	vsub.f32 v29, v26;
	v33 =	vsub.f32 v33, v24  }
0x5a: {  	v59 =	vld [tilespmem:$0xC0];
	v24 =	vsub.f32 v24, v30;
	v48 =	vmin.u32 v32, $0xBB;
	v22 =	vmul.u32 $0xBC, v22  }
0x5b: {  	v49 =	vtrunc.f32 v36;
	v40 =	vmul.f32 v40, v3;
	v32 =	vmul.u32 $0xBC, v48  }
0x5c: {  	v50 =	vcvt.f32.s32 v49;
	vm1 =	vlt.f32 v36, v49;
	v27 =	vmul.f32 v24, v35  }
0x5d: {  	v26 =	vmul.f32 v33, v51;
	v24 =	vmul.f32 v24, v51;
	v29 =	vadd.s32 v23, v22  }
0x5e: {  	v25 =	vadd.s32 v34, v22;
	v22 =	vmul.f32 v33, v35;
	v52 =	vsel vm1, $0xFFFFFFFF, v1  }
0x5f: {  	vm1 =	vlt.f32 v31, v53;
	v35 =	vadd.f32 $7.519999690e+01, v59;
	v62 =	vtrunc.f32 v40  }
0x60: {  	v28 =	vadd.s32 v23, v32;
	v23 =	vadd.s32 v34, v32;
	v30 =	vadd.s32 v50, v52  }
0x61: {  	v55 =	vsel vm1, $0xFFFFFFFF, v1;
	v63 =	vcvt.f32.s32 v62;
	v37 =	vcvt.s32.f32 v30  }
0x62: {  	v56 =	vadd.s32 v54, v55;
	vm1 =	vgt.s32 v30, $0x0;
	v35 =	vmul.f32 v35, v0  }
0x63: {  	v57 =	vcvt.s32.f32 v56;
	v38 =	vnsel vm1, $0x0, v30;
	vm1 =	vgt.s32 v56, $0x0  }
0x64: {  	v39 =	vadd.s32 $0x1, v56;
	v30 =	vadd.s32 $0x1, v30;
	v58 =	vadd.f32 $1.000000000e+00, v37  }
0x65: {  	v52 =	vld [tilespmem:$0xD0];
	v32 =	vnsel vm1, $0x0, v56;
	vm1 =	vgt.s32 v39, $0x0;
	v38 =	vmin.u32 v38, $0xBB  }
0x66: {  	v35 =	vmul.f32 v35, v3;
	v60 =	vsub.f32 v36, v37;
	v41 =	vadd.f32 $1.000000000e+00, v57  }
0x67: {  	v54 =	vld [tilespmem:$0x50];
	v39 =	vnsel vm1, $0x0, v39;
	vm1 =	vgt.s32 v30, $0x0;
	v32 =	vmin.u32 v32, $0xBB  }
0x68: {  	v33 =	vsub.f32 v31, v57;
	v30 =	vnsel vm1, $0x0, v30;
	v39 =	vmin.u32 v39, $0xBB  }
0x69: {  	v32 =	vmul.u32 $0xBC, v32;
	v34 =	vsub.f32 v58, v36;
	v61 =	vtrunc.f32 v35  }
0x6a: {  	v59 =	vadd.f32 $7.519999690e+01, v52;
	v39 =	vmul.u32 $0xBC, v39;
	v30 =	vmin.u32 v30, $0xBB  }
0x6b: {  	v41 =	vsub.f32 v41, v31;
	v43 =	vcvt.f32.s32 v61;
	vm1 =	vlt.f32 v35, v61  }
0x6c: {  	[tilespmem:$0x100] =	vst v13;
	v13 =	vmul.f32 v33, v60;
	v61 =	vadd.f32 $7.519999690e+01, v54;
	v42 =	vadd.s32 v38, v32  }
0x6d: {  	v32 =	vadd.s32 v30, v32;
	v44 =	vsel vm1, $0xFFFFFFFF, v1;
	vm1 =	vlt.f32 v40, v62  }
0x6e: {  	v62 =	vmul.f32 v59, v0;
	v38 =	vadd.s32 v38, v39;
	v31 =	vmul.f32 v41, v34  }
0x6f: {  	v39 =	vadd.s32 v30, v39;
	v30 =	vmul.f32 v33, v34;
	v37 =	vmul.f32 v41, v60  }
0x70: {  	[tilespmem:$0x380] =	vst v11;
	v48 =	vsel vm1, $0xFFFFFFFF, v1;
	v43 =	vadd.s32 v43, v44;
	v11 =	vmul.f32 v61, v0  }
0x71: {  	[tilespmem:$0x200] =	vst v9;
	v49 =	vadd.s32 v63, v48;
	v50 =	vcvt.s32.f32 v43;
	v55 =	vadd.s32 $0x1, v43  }
0x72: {  	[tilespmem:$0x180] =	vst v12;
	v51 =	vcvt.s32.f32 v49;
	vm1 =	vgt.s32 v49, $0x0;
	v36 =	vadd.s32 $0x1, v49  }
0x73: {  	[tilespmem:$0x280] =	vst v7;
	v11 =	vmul.f32 v11, v3;
	v33 =	vnsel vm1, $0x0, v49;
	vm1 =	vgt.s32 v36, $0x0  }
0x74: {  	[tilespmem:$0x400] =	vst v10;
	v53 =	vadd.f32 $1.000000000e+00, v50;
	v34 =	vsub.f32 v35, v50;
	v7 =	vnsel vm1, $0x0, v36  }
0x75: {  	[tilespmem:$0x480] =	vst v8;
	v52 =	vld [tilespmem:$0x60];
	vm1 =	vgt.s32 v43, $0x0;
	v57 =	vadd.f32 $1.000000000e+00, v51;
	v58 =	vmin.u32 v33, $0xBB  }
0x76: {  	[tilespmem:$0x300] =	vst v6;
	v36 =	vmul.f32 v62, v3;
	v12 =	vsub.f32 v40, v51;
	v44 =	vtrunc.f32 v11  }
0x77: {  	[tilespmem:$0x110] =	vst v21;
	v6 =	vnsel vm1, $0x0, v43;
	vm1 =	vgt.s32 v55, $0x0;
	v9 =	vsub.f32 v53, v35  }
0x78: {  	[tilespmem:$0x390] =	vst v14;
	v50 =	vld [tilespmem:$0xE0];
	v7 =	vmin.u32 v7, $0xBB;
	v14 =	vcvt.f32.s32 v44;
	v56 =	vnsel vm1, $0x0, v55  }
0x79: {  	[tilespmem:$0x210] =	vst v20;
	v6 =	vmin.u32 v6, $0xBB;
	v63 =	vsub.f32 v57, v40;
	v43 =	vtrunc.f32 v36  }
0x7a: {  	[tilespmem:$0x190] =	vst v17;
	v57 =	vadd.f32 $7.519999690e+01, v52;
	v60 =	vmin.u32 v56, $0xBB;
	v6 =	vmul.u32 $0xBC, v6  }
0x7b: {  	[tilespmem:$0x290] =	vst v18;
	vm1 =	vlt.f32 v36, v43;
	v18 =	vcvt.f32.s32 v43;
	v8 =	vmul.u32 $0xBC, v60  }
0x7c: {  	[tilespmem:$0x490] =	vst v16;
	v41 =	vmul.f32 v34, v63;
	v45 =	vsel vm1, $0xFFFFFFFF, v1;
	vm1 =	vlt.f32 v11, v44  }
0x7d: {  	[tilespmem:$0x4A0] =	vst v24;
	v56 =	vadd.f32 $7.519999690e+01, v50;
	v24 =	vmul.f32 v57, v0;
	v17 =	vadd.s32 v58, v6  }
0x7e: {  	[tilespmem:$0x310] =	vst v15;
	v6 =	vadd.s32 v7, v6;
	v46 =	vsel vm1, $0xFFFFFFFF, v1;
	v18 =	vadd.s32 v18, v45  }
0x7f: {  	[tilespmem:$0x410] =	vst v19;
	v10 =	vadd.s32 v58, v8;
	v7 =	vadd.s32 v7, v8;
	v8 =	vmul.f32 v9, v63  }
0x80: {  	[tilespmem:$0x120] =	vst v29;
	v9 =	vmul.f32 v9, v12;
	v12 =	vmul.f32 v34, v12;
	v14 =	vadd.s32 v14, v46  }
0x81: {  	[tilespmem:$0x220] =	vst v25;
	v47 =	vcvt.s32.f32 v18;
	v53 =	vadd.s32 $0x1, v18;
	v25 =	vmul.f32 v56, v0  }
0x82: {  	[tilespmem:$0x3A0] =	vst v27;
	v24 =	vmul.f32 v24, v3;
	v48 =	vcvt.s32.f32 v14;
	vm1 =	vgt.s32 v14, $0x0  }
0x83: {  	[tilespmem:$0x420] =	vst v26;
	v49 =	vadd.s32 $0x1, v14;
	v51 =	vadd.f32 $1.000000000e+00, v47;
	v14 =	vnsel vm1, $0x0, v14  }
0x84: {  	[tilespmem:$0x1A0] =	vst v28;
	vm1 =	vgt.s32 v49, $0x0;
	v16 =	vsub.f32 v36, v47;
	v25 =	vmul.f32 v25, v3  }
0x85: {  	[tilespmem:$0x2A0] =	vst v23;
	v34 =	vld [tilespmem:$0x70];
	v61 =	vtrunc.f32 v24;
	v21 =	vnsel vm1, $0x0, v49;
	vm1 =	vgt.s32 v18, $0x0  }
0x86: {  	[tilespmem:$0x320] =	vst v22;
	v55 =	vadd.f32 $1.000000000e+00, v48;
	v14 =	vmin.u32 v14, $0xBB;
	v27 =	vcvt.f32.s32 v61  }
0x87: {  	[tilespmem:$0x130] =	vst v42;
	v18 =	vnsel vm1, $0x0, v18;
	vm1 =	vgt.s32 v53, $0x0;
	v54 =	vsub.f32 v51, v36  }
0x88: {  	[tilespmem:$0x230] =	vst v32;
	v21 =	vmin.u32 v21, $0xBB;
	v60 =	vtrunc.f32 v25;
	v23 =	vnsel vm1, $0x0, v53  }
0x89: {  	[tilespmem:$0x4B0] =	vst v13;
	v18 =	vmin.u32 v18, $0xBB;
	v20 =	vsub.f32 v55, v11;
	v11 =	vsub.f32 v11, v48  }
0x8a: {  	[tilespmem:$0x3C0] =	vst v41;
	vm1 =	vlt.f32 v25, v60;
	v19 =	vcvt.f32.s32 v60;
	v41 =	vadd.f32 $7.519999690e+01, v34  }
0x8b: {  	[tilespmem:$0x1B0] =	vst v38;
	v23 =	vmin.u32 v23, $0xBB;
	v18 =	vmul.u32 $0xBC, v18;
	v62 =	vsel vm1, $0xFFFFFFFF, v1  }
0x8c: {  	[tilespmem:$0x2B0] =	vst v39;
	vm1 =	vlt.f32 v24, v61;
	v23 =	vmul.u32 $0xBC, v23;
	v59 =	vmul.f32 v54, v20  }
0x8d: {  	[tilespmem:$0x3B0] =	vst v30;
	v36 =	vld [tilespmem:$0xF0];
	v20 =	vmul.f32 v16, v20;
	v63 =	vmul.f32 v54, v11;
	v30 =	vsel vm1, $0xFFFFFFFF, v1  }
0x8e: {  	[tilespmem:$0x330] =	vst v31;
	v19 =	vadd.s32 v19, v62;
	v11 =	vmul.f32 v16, v11;
	v15 =	vmul.f32 v41, v0  }
0x8f: {  	[tilespmem:$0x430] =	vst v37;
	v58 =	vadd.s32 v14, v18;
	v18 =	vadd.s32 v21, v18;
	v31 =	vadd.s32 v27, v30  }
0x90: {  	[tilespmem:$0x140] =	vst v17;
	v32 =	vcvt.s32.f32 v19;
	v35 =	vadd.s32 $0x1, v19;
	v14 =	vadd.s32 v14, v23  }
0x91: {  	[tilespmem:$0x240] =	vst v6;
	v21 =	vadd.s32 v21, v23;
	v33 =	vcvt.s32.f32 v31;
	vm1 =	vgt.s32 v31, $0x0  }
0x92: {  	[tilespmem:$0x1C0] =	vst v10;
	v22 =	vadd.s32 $0x1, v31;
	v43 =	vadd.f32 $7.519999690e+01, v36;
	v15 =	vmul.f32 v15, v3  }
0x93: {  	[tilespmem:$0x2C0] =	vst v7;
	v6 =	vadd.f32 $1.000000000e+00, v32;
	v16 =	vnsel vm1, $0x0, v31;
	vm1 =	vgt.s32 v22, $0x0  }
0x94: {  	[tilespmem:$0x340] =	vst v8;
	v17 =	vsub.f32 v25, v32;
	v7 =	vnsel vm1, $0x0, v22;
	vm1 =	vgt.s32 v19, $0x0  }
0x95: {  	[tilespmem:$0x440] =	vst v9;
	v39 =	vadd.f32 $1.000000000e+00, v33;
	v42 =	vmin.u32 v16, $0xBB;
	v16 =	vmul.f32 v43, v0  }
0x96: {  	[tilespmem:$0x4C0] =	vst v12;
	v10 =	vsub.f32 v24, v33;
	v47 =	vtrunc.f32 v15;
	v37 =	vnsel vm1, $0x0, v19  }
0x97: {  	[tilespmem:$0x150] =	vst v58;
	vm1 =	vgt.s32 v35, $0x0;
	v6 =	vsub.f32 v6, v25;
	v7 =	vmin.u32 v7, $0xBB  }
0x98: {  	[tilespmem:$0x250] =	vst v18;
	v38 =	vnsel vm1, $0x0, v35;
	v8 =	vmin.u32 v37, $0xBB;
	v19 =	vsub.f32 v39, v24  }
0x99: {  	[tilespmem:$0x350] =	vst v59;
	v46 =	vmul.f32 v16, v3;
	vm1 =	vlt.f32 v15, v47;
	v16 =	vcvt.f32.s32 v47  }
0x9a: {  	[tilespmem:$0x3D0] =	vst v20;
	v40 =	vmin.u32 v38, $0xBB;
	v8 =	vmul.u32 $0xBC, v8;
	v45 =	vmul.f32 v6, v19  }
0x9b: {  	[tilespmem:$0x450] =	vst v63;
	v48 =	vsel vm1, $0xFFFFFFFF, v1;
	v19 =	vmul.f32 v17, v19;
	v6 =	vmul.f32 v6, v10  }
0x9c: {  	[tilespmem:$0x4D0] =	vst v11;
	v9 =	vmul.u32 $0xBC, v40;
	v10 =	vmul.f32 v17, v10;
	v49 =	vtrunc.f32 v46  }
0x9d: {  	[tilespmem:$0x1D0] =	vst v14;
	v50 =	vadd.s32 v16, v48;
	v44 =	vadd.s32 v42, v8;
	v8 =	vadd.s32 v7, v8  }
0x9e: {  	[tilespmem:$0x2D0] =	vst v21;
	v51 =	vcvt.f32.s32 v49;
	vm1 =	vlt.f32 v46, v49;
	v16 =	vadd.s32 $0x1, v50  }
0x9f: {  	v12 =	vadd.s32 v42, v9;
	[tilespmem:$0x160] =	vst v44;
	v52 =	vsel vm1, $0xFFFFFFFF, v1;
	vm1 =	vgt.s32 v50, $0x0  }
0xa0: {  	[tilespmem:$0x260] =	vst v8;
	v53 =	vadd.s32 v51, v52;
	v54 =	vnsel vm1, $0x0, v50;
	vm1 =	vgt.s32 v16, $0x0  }
0xa1: {  	v7 =	vadd.s32 v7, v9;
	[tilespmem:$0x360] =	vst v45;
	v55 =	vnsel vm1, $0x0, v16;
	vm1 =	vgt.s32 v53, $0x0  }
0xa2: {  	[tilespmem:$0x2E0] =	vst v7;
	v7 =	vcvt.s32.f32 v50;
	v14 =	vadd.s32 $0x1, v53;
	v56 =	vnsel vm1, $0x0, v53  }
0xa3: {  	[tilespmem:$0x1E0] =	vst v12;
	v12 =	vcvt.s32.f32 v53;
	vm1 =	vgt.s32 v14, $0x0;
	v11 =	vmin.u32 v56, $0xBB  }
0xa4: {  	[tilespmem:$0x3E0] =	vst v19;
	v13 =	vmin.u32 v54, $0xBB;
	v14 =	vnsel vm1, $0x0, v14;
	v11 =	vmul.u32 $0xBC, v11  }
0xa5: {  	[tilespmem:$0x460] =	vst v6;
	v57 =	vadd.f32 $1.000000000e+00, v7;
	v8 =	vmin.u32 v55, $0xBB;
	v14 =	vmin.u32 v14, $0xBB  }
0xa6: {  	[tilespmem:$0x4E0] =	vst v10;
	v6 =	vadd.f32 $1.000000000e+00, v12;
	v14 =	vmul.u32 $0xBC, v14;
	v58 =	vadd.s32 v13, v11  }
0xa7: {  	v9 =	vsub.f32 v46, v12;
	v60 =	vsub.f32 v57, v15;
	v61 =	vadd.s32 v8, v11;
	[tilespmem:$0x170] =	vst v58  }
0xa8: {  	v6 =	vsub.f32 v6, v46;
	v59 =	vadd.s32 v13, v14;
	[tilespmem:$0x270] =	vst v61  }
0xa9: {  	v7 =	vsub.f32 v15, v7;
	v63 =	vmul.f32 v9, v60;
	v8 =	vadd.s32 v8, v14;
	[tilespmem:$0x1F0] =	vst v59  }
0xaa: {  	v62 =	vmul.f32 v6, v60;
	[tilespmem:$0x2F0] =	vst v8  }
0xab: {  	v6 =	vmul.f32 v6, v7;
	[tilespmem:$0x3F0] =	vst v63  }
0xac: {  	v7 =	vmul.f32 v9, v7;
	[tilespmem:$0x370] =	vst v62  }
0xad: {  	s1 =	rddreg [dreg:$0xd];
	[tilespmem:$0x470] =	vst v6  }
0xae: {  	s0 =	rddreg [dreg:$0x11];
	[tilespmem:$0x4F0] =	vst v7  }
0xaf: {  	[hbm4b:s0+s2] =	stream.linear.scatter [tilespmem:s1], [sflag:$0x3], $0x80, $0x38;
	[tilespmem:$0x10500] =	vst v63  }
0xb0: {  	_ =	swait.ge [sflag:s6], $0x80  }
0xb1: {  	s3 =	rddreg [dreg:$0x5];
	[sflag:s6] =	ssyncset.done $0x0  }
0xb2: {  	s5 =	rddreg [dreg:$0xe];
	[sflag:s6] =	ssyncadd.s32 $0xFFFFFF80  }
0xb3: {  	[hbm4b:s3+s2] =	stream.linear.scatter [tilespmem:s5], [sflag:$0x3], $0x80, $0x38;
	[tilespmem:$0x10500] =	vst v63  }
0xb4: {  	_ =	swait.ge [sflag:s6], $0x80  }
0xb5: {  	s17 =	rddreg [dreg:$0x6];
	[sflag:s6] =	ssyncset.done $0x0  }
0xb6: {  	s0 =	rddreg [dreg:$0xf];
	[sflag:s6] =	ssyncadd.s32 $0xFFFFFF80  }
0xb7: {  	[hbm4b:s17+s2] =	stream.linear.scatter [tilespmem:s0], [sflag:$0x3], $0x80, $0x38;
	[tilespmem:$0x10500] =	vst v63  }
0xb8: {  	_ =	swait.ge [sflag:s6], $0x80  }
0xb9: {  	s1 =	rddreg [dreg:$0x7];
	[sflag:s6] =	ssyncset.done $0x0  }
0xba: {  	s3 =	rddreg [dreg:$0x10];
	[sflag:s6] =	ssyncadd.s32 $0xFFFFFF80  }
0xbb: {  	[hbm4b:s1+s2] =	stream.linear.scatter [tilespmem:s3], [sflag:$0x3], $0x80, $0x38;
	[tilespmem:$0x10500] =	vst v63  }
0xbc: {  	_ =	swait.ge [sflag:s6], $0x80  }
0xbd: {  	[sflag:s6] =	ssyncset.done $0x0  }
0xbe: {  	[sflag:s6] =	ssyncadd.s32 $0xFFFFFF80  }
0xbf: {  	v6 =	vld [tilespmem:$0x100];
	_ =	sdelay $0x4  }
0xc0: {  	v7 =	vshll.u32 v6, $0x1  }
0xc1: {  	v6 =	vand.u32 $0x7, v6;
	v7 =	vand.u32 $0xFFFFFFF0, v7  }
0xc2: {  	v6 =	vor.u32 v6, v7  }
0xc3: {  	v7 =	vperm.xlane v6, v2;
	_ =	sdelay $0x1  }
0xc4: {  	v6 =	vperm.xlane v6, v5;
	v7 =	vadd.s32 v4, v7;
	_ =	sdelay $0x1  }
0xc5: {  	v6 =	vadd.s32 v4, v6;
	_ =	sdelay $0x1  }
0xc6: {  	s5 =	simm.s32 $0x500  }
0xc7: {  	[tilespmem:s5], [sflag:$0x1] =	stream.indirect_vreg.gather [hbm4b:s4+s2], $0x80, v7, vm0, $0xb8;
	[tilespmem:$0x10500] =	vst v63  }
0xc8: {  	s17 =	simm.s32 $0xD00  }
0xc9: {  	[tilespmem:s17], [sflag:$0x1] =	stream.indirect_vreg.gather [hbm4b:s4+s2], $0x80, v6, vm0, $0xb8;
	[tilespmem:$0x10500] =	vst v63  }
0xca: {  	v6 =	vld [tilespmem:$0x110];
	_ =	sdelay $0x4  }
0xcb: {  	v7 =	vshll.u32 v6, $0x1  }
0xcc: {  	v6 =	vand.u32 $0x7, v6;
	v7 =	vand.u32 $0xFFFFFFF0, v7  }
0xcd: {  	v6 =	vor.u32 v6, v7  }
0xce: {  	v7 =	vperm.xlane v6, v2;
	_ =	sdelay $0x1  }
0xcf: {  	v6 =	vperm.xlane v6, v5;
	v7 =	vadd.s32 v4, v7;
	_ =	sdelay $0x1  }
0xd0: {  	v6 =	vadd.s32 v4, v6;
	_ =	sdelay $0x2  }
0xd1: {  	[tilespmem:s18], [sflag:$0x1] =	stream.indirect_vreg.gather [hbm4b:s4+s2], $0x80, v7, vm0, $0xb8;
	[tilespmem:$0x10500] =	vst v63  }
0xd2: {  	_ = 	snop  }
0xd3: {  	[tilespmem:s19], [sflag:$0x1] =	stream.indirect_vreg.gather [hbm4b:s4+s2], $0x80, v6, vm0, $0xb8;
	[tilespmem:$0x10500] =	vst v63  }
0xd4: {  	v6 =	vld [tilespmem:$0x120];
	_ =	sdelay $0x4  }
0xd5: {  	v7 =	vshll.u32 v6, $0x1  }
0xd6: {  	v6 =	vand.u32 $0x7, v6;
	v7 =	vand.u32 $0xFFFFFFF0, v7  }
0xd7: {  	v6 =	vor.u32 v6, v7  }
0xd8: {  	v7 =	vperm.xlane v6, v2;
	_ =	sdelay $0x1  }
0xd9: {  	v6 =	vperm.xlane v6, v5;
	v7 =	vadd.s32 v4, v7;
	_ =	sdelay $0x1  }
0xda: {  	v6 =	vadd.s32 v4, v6;
	_ =	sdelay $0x2  }
0xdb: {  	[tilespmem:s20], [sflag:$0x1] =	stream.indirect_vreg.gather [hbm4b:s4+s2], $0x80, v7, vm0, $0xb8;
	[tilespmem:$0x10500] =	vst v63  }
0xdc: {  	_ = 	snop  }
0xdd: {  	[tilespmem:s21], [sflag:$0x1] =	stream.indirect_vreg.gather [hbm4b:s4+s2], $0x80, v6, vm0, $0xb8;
	[tilespmem:$0x10500] =	vst v63  }
0xde: {  	v6 =	vld [tilespmem:$0x130];
	_ =	sdelay $0x4  }
0xdf: {  	v7 =	vshll.u32 v6, $0x1  }
0xe0: {  	v6 =	vand.u32 $0x7, v6;
	v7 =	vand.u32 $0xFFFFFFF0, v7  }
0xe1: {  	v6 =	vor.u32 v6, v7  }
0xe2: {  	v7 =	vperm.xlane v6, v2;
	_ =	sdelay $0x1  }
0xe3: {  	v6 =	vperm.xlane v6, v5;
	v7 =	vadd.s32 v4, v7;
	_ =	sdelay $0x1  }
0xe4: {  	v6 =	vadd.s32 v4, v6;
	_ =	sdelay $0x2  }
0xe5: {  	[tilespmem:s22], [sflag:$0x1] =	stream.indirect_vreg.gather [hbm4b:s4+s2], $0x80, v7, vm0, $0xb8;
	[tilespmem:$0x10500] =	vst v63  }
0xe6: {  	_ = 	snop  }
0xe7: {  	[tilespmem:s24], [sflag:$0x1] =	stream.indirect_vreg.gather [hbm4b:s4+s2], $0x80, v6, vm0, $0xb8;
	[tilespmem:$0x10500] =	vst v63  }
0xe8: {  	v6 =	vld [tilespmem:$0x140];
	_ =	sdelay $0x4  }
0xe9: {  	v7 =	vshll.u32 v6, $0x1  }
0xea: {  	v6 =	vand.u32 $0x7, v6;
	v7 =	vand.u32 $0xFFFFFFF0, v7  }
0xeb: {  	v6 =	vor.u32 v6, v7  }
0xec: {  	v7 =	vperm.xlane v6, v2;
	_ =	sdelay $0x1  }
0xed: {  	v6 =	vperm.xlane v6, v5;
	v7 =	vadd.s32 v4, v7;
	_ =	sdelay $0x1  }
0xee: {  	v6 =	vadd.s32 v4, v6;
	_ =	sdelay $0x2  }
0xef: {  	[tilespmem:s25], [sflag:$0x1] =	stream.indirect_vreg.gather [hbm4b:s4+s2], $0x80, v7, vm0, $0xb8;
	[tilespmem:$0x10500] =	vst v63  }
0xf0: {  	_ = 	snop  }
0xf1: {  	[tilespmem:s26], [sflag:$0x1] =	stream.indirect_vreg.gather [hbm4b:s4+s2], $0x80, v6, vm0, $0xb8;
	[tilespmem:$0x10500] =	vst v63  }
0xf2: {  	v6 =	vld [tilespmem:$0x150];
	_ =	sdelay $0x4  }
0xf3: {  	v7 =	vshll.u32 v6, $0x1  }
0xf4: {  	v6 =	vand.u32 $0x7, v6;
	v7 =	vand.u32 $0xFFFFFFF0, v7  }
0xf5: {  	v6 =	vor.u32 v6, v7  }
0xf6: {  	v7 =	vperm.xlane v6, v2;
	_ =	sdelay $0x1  }
0xf7: {  	v6 =	vperm.xlane v6, v5;
	v7 =	vadd.s32 v4, v7;
	_ =	sdelay $0x1  }
0xf8: {  	v6 =	vadd.s32 v4, v6;
	_ =	sdelay $0x2  }
0xf9: {  	[tilespmem:s28], [sflag:$0x1] =	stream.indirect_vreg.gather [hbm4b:s4+s2], $0x80, v7, vm0, $0xb8;
	[tilespmem:$0x10500] =	vst v63  }
0xfa: {  	_ = 	snop  }
0xfb: {  	[tilespmem:s29], [sflag:$0x1] =	stream.indirect_vreg.gather [hbm4b:s4+s2], $0x80, v6, vm0, $0xb8;
	[tilespmem:$0x10500] =	vst v63  }
0xfc: {  	v6 =	vld [tilespmem:$0x160];
	_ =	sdelay $0x4  }
0xfd: {  	v7 =	vshll.u32 v6, $0x1  }
0xfe: {  	v6 =	vand.u32 $0x7, v6;
	v7 =	vand.u32 $0xFFFFFFF0, v7  }
0xff: {  	v6 =	vor.u32 v6, v7  }
0x100: {  	v7 =	vperm.xlane v6, v2;
	_ =	sdelay $0x1  }
0x101: {  	v6 =	vperm.xlane v6, v5;
	v7 =	vadd.s32 v4, v7;
	_ =	sdelay $0x1  }
0x102: {  	v6 =	vadd.s32 v4, v6;
	_ =	sdelay $0x2  }
0x103: {  	[tilespmem:s30], [sflag:$0x1] =	stream.indirect_vreg.gather [hbm4b:s4+s2], $0x80, v7, vm0, $0xb8;
	[tilespmem:$0x10500] =	vst v63  }
0x104: {  	_ = 	snop  }
0x105: {  	[tilespmem:s31], [sflag:$0x1] =	stream.indirect_vreg.gather [hbm4b:s4+s2], $0x80, v6, vm0, $0xb8;
	[tilespmem:$0x10500] =	vst v63  }
0x106: {  	v6 =	vld [tilespmem:$0x170];
	_ =	sdelay $0x4  }
0x107: {  	v7 =	vshll.u32 v6, $0x1  }
0x108: {  	v6 =	vand.u32 $0x7, v6;
	v7 =	vand.u32 $0xFFFFFFF0, v7  }
0x109: {  	v6 =	vor.u32 v6, v7  }
0x10a: {  	v7 =	vperm.xlane v6, v2;
	_ =	sdelay $0x1  }
0x10b: {  	v6 =	vperm.xlane v6, v5;
	v7 =	vadd.s32 v4, v7;
	_ =	sdelay $0x1  }
0x10c: {  	v6 =	vadd.s32 v4, v6;
	_ =	sdelay $0x1  }
0x10d: {  	s1 =	simm.s32 $0x7500  }
0x10e: {  	[tilespmem:s1], [sflag:$0x1] =	stream.indirect_vreg.gather [hbm4b:s4+s2], $0x80, v7, vm0, $0xb8;
	[tilespmem:$0x10500] =	vst v63  }
0x10f: {  	s3 =	simm.s32 $0x7D00  }
0x110: {  	[tilespmem:s3], [sflag:$0x1] =	stream.indirect_vreg.gather [hbm4b:s4+s2], $0x80, v6, vm0, $0xb8;
	[tilespmem:$0x10500] =	vst v63  }
0x111: {  	v6 =	vld [tilespmem:$0x180];
	_ =	sdelay $0x4  }
0x112: {  	v7 =	vshll.u32 v6, $0x1  }
0x113: {  	v6 =	vand.u32 $0x7, v6;
	v7 =	vand.u32 $0xFFFFFFF0, v7  }
0x114: {  	v6 =	vor.u32 v6, v7  }
0x115: {  	v7 =	vperm.xlane v6, v2;
	_ =	sdelay $0x1  }
0x116: {  	v6 =	vperm.xlane v6, v5;
	v7 =	vadd.s32 v4, v7;
	_ =	sdelay $0x1  }
0x117: {  	v6 =	vadd.s32 v4, v6;
	_ =	sdelay $0x2  }
0x118: {  	[tilespmem:s14], [sflag:$0x2] =	stream.indirect_vreg.gather [hbm4b:s4+s2], $0x80, v7, vm0, $0xb8;
	[tilespmem:$0x10500] =	vst v63  }
0x119: {  	_ = 	snop  }
0x11a: {  	[tilespmem:s8], [sflag:$0x2] =	stream.indirect_vreg.gather [hbm4b:s4+s2], $0x80, v6, vm0, $0xb8;
	[tilespmem:$0x10500] =	vst v63  }
0x11b: {  	v6 =	vld [tilespmem:$0x190];
	_ =	sdelay $0x4  }
0x11c: {  	v7 =	vshll.u32 v6, $0x1  }
0x11d: {  	v6 =	vand.u32 $0x7, v6;
	v7 =	vand.u32 $0xFFFFFFF0, v7  }
0x11e: {  	v6 =	vor.u32 v6, v7  }
0x11f: {  	v7 =	vperm.xlane v6, v2;
	_ =	sdelay $0x1  }
0x120: {  	v6 =	vperm.xlane v6, v5;
	v7 =	vadd.s32 v4, v7;
	_ =	sdelay $0x1  }
0x121: {  	v6 =	vadd.s32 v4, v6;
	_ =	sdelay $0x2  }
0x122: {  	[tilespmem:s9], [sflag:$0x2] =	stream.indirect_vreg.gather [hbm4b:s4+s2], $0x80, v7, vm0, $0xb8;
	[tilespmem:$0x10500] =	vst v63  }
0x123: {  	_ = 	snop  }
0x124: {  	[tilespmem:s10], [sflag:$0x2] =	stream.indirect_vreg.gather [hbm4b:s4+s2], $0x80, v6, vm0, $0xb8;
	[tilespmem:$0x10500] =	vst v63  }
0x125: {  	v6 =	vld [tilespmem:$0x1A0];
	_ =	sdelay $0x4  }
0x126: {  	v7 =	vshll.u32 v6, $0x1  }
0x127: {  	v6 =	vand.u32 $0x7, v6;
	v7 =	vand.u32 $0xFFFFFFF0, v7  }
0x128: {  	v6 =	vor.u32 v6, v7  }
0x129: {  	v7 =	vperm.xlane v6, v2;
	_ =	sdelay $0x1  }
0x12a: {  	v6 =	vperm.xlane v6, v5;
	v7 =	vadd.s32 v4, v7;
	_ =	sdelay $0x1  }
0x12b: {  	v6 =	vadd.s32 v4, v6;
	_ =	sdelay $0x2  }
0x12c: {  	[tilespmem:s11], [sflag:$0x2] =	stream.indirect_vreg.gather [hbm4b:s4+s2], $0x80, v7, vm0, $0xb8;
	[tilespmem:$0x10500] =	vst v63  }
0x12d: {  	_ = 	snop  }
0x12e: {  	[tilespmem:s12], [sflag:$0x2] =	stream.indirect_vreg.gather [hbm4b:s4+s2], $0x80, v6, vm0, $0xb8;
	[tilespmem:$0x10500] =	vst v63  }
0x12f: {  	v6 =	vld [tilespmem:$0x1B0];
	_ =	sdelay $0x4  }
0x130: {  	v7 =	vshll.u32 v6, $0x1  }
0x131: {  	v6 =	vand.u32 $0x7, v6;
	v7 =	vand.u32 $0xFFFFFFF0, v7  }
0x132: {  	v6 =	vor.u32 v6, v7  }
0x133: {  	v7 =	vperm.xlane v6, v2;
	_ =	sdelay $0x1  }
0x134: {  	v6 =	vperm.xlane v6, v5;
	v7 =	vadd.s32 v4, v7;
	_ =	sdelay $0x1  }
0x135: {  	v6 =	vadd.s32 v4, v6;
	_ =	sdelay $0x2  }
0x136: {  	[tilespmem:s13], [sflag:$0x2] =	stream.indirect_vreg.gather [hbm4b:s4+s2], $0x80, v7, vm0, $0xb8;
	[tilespmem:$0x10500] =	vst v63  }
0x137: {  	s16 =	simm.s32 $0xBD00  }
0x138: {  	[tilespmem:s16], [sflag:$0x2] =	stream.indirect_vreg.gather [hbm4b:s4+s2], $0x80, v6, vm0, $0xb8;
	[tilespmem:$0x10500] =	vst v63  }
0x139: {  	v6 =	vld [tilespmem:$0x1C0];
	_ =	sdelay $0x4  }
0x13a: {  	v7 =	vshll.u32 v6, $0x1  }
0x13b: {  	v6 =	vand.u32 $0x7, v6;
	v7 =	vand.u32 $0xFFFFFFF0, v7  }
0x13c: {  	v6 =	vor.u32 v6, v7  }
0x13d: {  	v7 =	vperm.xlane v6, v2;
	_ =	sdelay $0x1  }
0x13e: {  	v6 =	vperm.xlane v6, v5;
	v7 =	vadd.s32 v4, v7;
	_ =	sdelay $0x1  }
0x13f: {  	v6 =	vadd.s32 v4, v6;
	_ =	sdelay $0x1  }
0x140: {  	s5 =	simm.s32 $0xC500  }
0x141: {  	[tilespmem:s5], [sflag:$0x2] =	stream.indirect_vreg.gather [hbm4b:s4+s2], $0x80, v7, vm0, $0xb8;
	[tilespmem:$0x10500] =	vst v63  }
0x142: {  	_ = 	snop  }
0x143: {  	[tilespmem:s15], [sflag:$0x2] =	stream.indirect_vreg.gather [hbm4b:s4+s2], $0x80, v6, vm0, $0xb8;
	[tilespmem:$0x10500] =	vst v63  }
0x144: {  	v6 =	vld [tilespmem:$0x1D0];
	_ =	sdelay $0x4  }
0x145: {  	v7 =	vshll.u32 v6, $0x1  }
0x146: {  	v6 =	vand.u32 $0x7, v6;
	v7 =	vand.u32 $0xFFFFFFF0, v7  }
0x147: {  	v6 =	vor.u32 v6, v7  }
0x148: {  	v7 =	vperm.xlane v6, v2;
	_ =	sdelay $0x1  }
0x149: {  	v6 =	vperm.xlane v6, v5;
	v7 =	vadd.s32 v4, v7;
	_ =	sdelay $0x1  }
0x14a: {  	v6 =	vadd.s32 v4, v6;
	_ =	sdelay $0x2  }
0x14b: {  	[tilespmem:s23], [sflag:$0x2] =	stream.indirect_vreg.gather [hbm4b:s4+s2], $0x80, v7, vm0, $0xb8;
	[tilespmem:$0x10500] =	vst v63  }
0x14c: {  	s16 =	simm.s32 $0xDD00  }
0x14d: {  	[tilespmem:s16], [sflag:$0x2] =	stream.indirect_vreg.gather [hbm4b:s4+s2], $0x80, v6, vm0, $0xb8;
	[tilespmem:$0x10500] =	vst v63  }
0x14e: {  	v6 =	vld [tilespmem:$0x1E0];
	_ =	sdelay $0x4  }
0x14f: {  	v7 =	vshll.u32 v6, $0x1  }
0x150: {  	v6 =	vand.u32 $0x7, v6;
	v7 =	vand.u32 $0xFFFFFFF0, v7  }
0x151: {  	v6 =	vor.u32 v6, v7  }
0x152: {  	v7 =	vperm.xlane v6, v2;
	_ =	sdelay $0x1  }
0x153: {  	v6 =	vperm.xlane v6, v5;
	v7 =	vadd.s32 v4, v7;
	_ =	sdelay $0x1  }
0x154: {  	v6 =	vadd.s32 v4, v6;
	_ =	sdelay $0x1  }
0x155: {  	s5 =	simm.s32 $0xE500  }
0x156: {  	[tilespmem:s5], [sflag:$0x2] =	stream.indirect_vreg.gather [hbm4b:s4+s2], $0x80, v7, vm0, $0xb8;
	[tilespmem:$0x10500] =	vst v63  }
0x157: {  	s16 =	simm.s32 $0xED00  }
0x158: {  	[tilespmem:s16], [sflag:$0x2] =	stream.indirect_vreg.gather [hbm4b:s4+s2], $0x80, v6, vm0, $0xb8;
	[tilespmem:$0x10500] =	vst v63  }
0x159: {  	v6 =	vld [tilespmem:$0x1F0];
	_ =	sdelay $0x4  }
0x15a: {  	v7 =	vshll.u32 v6, $0x1  }
0x15b: {  	v6 =	vand.u32 $0x7, v6;
	v7 =	vand.u32 $0xFFFFFFF0, v7  }
0x15c: {  	v6 =	vor.u32 v6, v7  }
0x15d: {  	v7 =	vperm.xlane v6, v2;
	_ =	sdelay $0x1  }
0x15e: {  	v6 =	vperm.xlane v6, v5;
	v7 =	vadd.s32 v4, v7;
	_ =	sdelay $0x1  }
0x15f: {  	v6 =	vadd.s32 v4, v6;
	_ =	sdelay $0x1  }
0x160: {  	s5 =	simm.s32 $0xF500  }
0x161: {  	[tilespmem:s5], [sflag:$0x2] =	stream.indirect_vreg.gather [hbm4b:s4+s2], $0x80, v7, vm0, $0xb8;
	[tilespmem:$0x10500] =	vst v63  }
0x162: {  	s0 =	simm.s32 $0x1;
	s16 =	simm.s32 $0xFD00  }
0x163: {  	[tilespmem:s16], [sflag:$0x2] =	stream.indirect_vreg.gather [hbm4b:s4+s2], $0x80, v6, vm0, $0xb8;
	[tilespmem:$0x10500] =	vst v63  }
0x164: {  	_ =	swait.ge [sflag:s0], $0x8000  }
0x165: {  	[sflag:s0] =	ssyncset.done $0x0  }
0x166: {  	s5 =	simm.s32 $0x500;
	s16 =	rddreg [dreg:$0x8];
	[sflag:s0] =	ssyncadd.s32 $0xFFFF8000  }
0x167: {  	[hbm4b:s16+s2] =	stream.linear.scatter [tilespmem:s5], [sflag:$0x3], $0x8000, $0x38;
	[tilespmem:$0x10500] =	vst v63  }
0x168: {  	_ =	swait.ge [sflag:s6], $0x8000  }
0x169: {  	[sflag:s6] =	ssyncset.done $0x0  }
0x16a: {  	[sflag:s6] =	ssyncadd.s32 $0xFFFF8000  }
0x16b: {  	v6 =	vld [tilespmem:$0x200];
	_ =	sdelay $0x4  }
0x16c: {  	v7 =	vshll.u32 v6, $0x1  }
0x16d: {  	v6 =	vand.u32 $0x7, v6;
	v7 =	vand.u32 $0xFFFFFFF0, v7  }
0x16e: {  	v6 =	vor.u32 v6, v7  }
0x16f: {  	v7 =	vperm.xlane v6, v2;
	_ =	sdelay $0x1  }
0x170: {  	v6 =	vperm.xlane v6, v5;
	v7 =	vadd.s32 v4, v7;
	_ =	sdelay $0x1  }
0x171: {  	v6 =	vadd.s32 v4, v6;
	_ =	sdelay $0x2  }
0x172: {  	[tilespmem:s5], [sflag:$0x1] =	stream.indirect_vreg.gather [hbm4b:s4+s2], $0x80, v7, vm0, $0xb8;
	[tilespmem:$0x10500] =	vst v63  }
0x173: {  	_ = 	snop  }
0x174: {  	[tilespmem:s17], [sflag:$0x1] =	stream.indirect_vreg.gather [hbm4b:s4+s2], $0x80, v6, vm0, $0xb8;
	[tilespmem:$0x10500] =	vst v63  }
0x175: {  	v6 =	vld [tilespmem:$0x210];
	_ =	sdelay $0x4  }
0x176: {  	v7 =	vshll.u32 v6, $0x1  }
0x177: {  	v6 =	vand.u32 $0x7, v6;
	v7 =	vand.u32 $0xFFFFFFF0, v7  }
0x178: {  	v6 =	vor.u32 v6, v7  }
0x179: {  	v7 =	vperm.xlane v6, v2;
	_ =	sdelay $0x1  }
0x17a: {  	v6 =	vperm.xlane v6, v5;
	v7 =	vadd.s32 v4, v7;
	_ =	sdelay $0x1  }
0x17b: {  	v6 =	vadd.s32 v4, v6;
	_ =	sdelay $0x2  }
0x17c: {  	[tilespmem:s18], [sflag:$0x1] =	stream.indirect_vreg.gather [hbm4b:s4+s2], $0x80, v7, vm0, $0xb8;
	[tilespmem:$0x10500] =	vst v63  }
0x17d: {  	_ = 	snop  }
0x17e: {  	[tilespmem:s19], [sflag:$0x1] =	stream.indirect_vreg.gather [hbm4b:s4+s2], $0x80, v6, vm0, $0xb8;
	[tilespmem:$0x10500] =	vst v63  }
0x17f: {  	v6 =	vld [tilespmem:$0x220];
	_ =	sdelay $0x4  }
0x180: {  	v7 =	vshll.u32 v6, $0x1  }
0x181: {  	v6 =	vand.u32 $0x7, v6;
	v7 =	vand.u32 $0xFFFFFFF0, v7  }
0x182: {  	v6 =	vor.u32 v6, v7  }
0x183: {  	v7 =	vperm.xlane v6, v2;
	_ =	sdelay $0x1  }
0x184: {  	v6 =	vperm.xlane v6, v5;
	v7 =	vadd.s32 v4, v7;
	_ =	sdelay $0x1  }
0x185: {  	v6 =	vadd.s32 v4, v6;
	_ =	sdelay $0x2  }
0x186: {  	[tilespmem:s20], [sflag:$0x1] =	stream.indirect_vreg.gather [hbm4b:s4+s2], $0x80, v7, vm0, $0xb8;
	[tilespmem:$0x10500] =	vst v63  }
0x187: {  	_ = 	snop  }
0x188: {  	[tilespmem:s21], [sflag:$0x1] =	stream.indirect_vreg.gather [hbm4b:s4+s2], $0x80, v6, vm0, $0xb8;
	[tilespmem:$0x10500] =	vst v63  }
0x189: {  	v6 =	vld [tilespmem:$0x230];
	_ =	sdelay $0x4  }
0x18a: {  	v7 =	vshll.u32 v6, $0x1  }
0x18b: {  	v6 =	vand.u32 $0x7, v6;
	v7 =	vand.u32 $0xFFFFFFF0, v7  }
0x18c: {  	v6 =	vor.u32 v6, v7  }
0x18d: {  	v7 =	vperm.xlane v6, v2;
	_ =	sdelay $0x1  }
0x18e: {  	v6 =	vperm.xlane v6, v5;
	v7 =	vadd.s32 v4, v7;
	_ =	sdelay $0x1  }
0x18f: {  	v6 =	vadd.s32 v4, v6;
	_ =	sdelay $0x2  }
0x190: {  	[tilespmem:s22], [sflag:$0x1] =	stream.indirect_vreg.gather [hbm4b:s4+s2], $0x80, v7, vm0, $0xb8;
	[tilespmem:$0x10500] =	vst v63  }
0x191: {  	_ = 	snop  }
0x192: {  	[tilespmem:s24], [sflag:$0x1] =	stream.indirect_vreg.gather [hbm4b:s4+s2], $0x80, v6, vm0, $0xb8;
	[tilespmem:$0x10500] =	vst v63  }
0x193: {  	v6 =	vld [tilespmem:$0x240];
	_ =	sdelay $0x4  }
0x194: {  	v7 =	vshll.u32 v6, $0x1  }
0x195: {  	v6 =	vand.u32 $0x7, v6;
	v7 =	vand.u32 $0xFFFFFFF0, v7  }
0x196: {  	v6 =	vor.u32 v6, v7  }
0x197: {  	v7 =	vperm.xlane v6, v2;
	_ =	sdelay $0x1  }
0x198: {  	v6 =	vperm.xlane v6, v5;
	v7 =	vadd.s32 v4, v7;
	_ =	sdelay $0x1  }
0x199: {  	v6 =	vadd.s32 v4, v6;
	_ =	sdelay $0x2  }
0x19a: {  	[tilespmem:s25], [sflag:$0x1] =	stream.indirect_vreg.gather [hbm4b:s4+s2], $0x80, v7, vm0, $0xb8;
	[tilespmem:$0x10500] =	vst v63  }
0x19b: {  	_ = 	snop  }
0x19c: {  	[tilespmem:s26], [sflag:$0x1] =	stream.indirect_vreg.gather [hbm4b:s4+s2], $0x80, v6, vm0, $0xb8;
	[tilespmem:$0x10500] =	vst v63  }
0x19d: {  	v6 =	vld [tilespmem:$0x250];
	_ =	sdelay $0x4  }
0x19e: {  	v7 =	vshll.u32 v6, $0x1  }
0x19f: {  	v6 =	vand.u32 $0x7, v6;
	v7 =	vand.u32 $0xFFFFFFF0, v7  }
0x1a0: {  	v6 =	vor.u32 v6, v7  }
0x1a1: {  	v7 =	vperm.xlane v6, v2;
	_ =	sdelay $0x1  }
0x1a2: {  	v6 =	vperm.xlane v6, v5;
	v7 =	vadd.s32 v4, v7;
	_ =	sdelay $0x1  }
0x1a3: {  	v6 =	vadd.s32 v4, v6;
	_ =	sdelay $0x2  }
0x1a4: {  	[tilespmem:s28], [sflag:$0x1] =	stream.indirect_vreg.gather [hbm4b:s4+s2], $0x80, v7, vm0, $0xb8;
	[tilespmem:$0x10500] =	vst v63  }
0x1a5: {  	_ = 	snop  }
0x1a6: {  	[tilespmem:s29], [sflag:$0x1] =	stream.indirect_vreg.gather [hbm4b:s4+s2], $0x80, v6, vm0, $0xb8;
	[tilespmem:$0x10500] =	vst v63  }
0x1a7: {  	v6 =	vld [tilespmem:$0x260];
	_ =	sdelay $0x4  }
0x1a8: {  	v7 =	vshll.u32 v6, $0x1  }
0x1a9: {  	v6 =	vand.u32 $0x7, v6;
	v7 =	vand.u32 $0xFFFFFFF0, v7  }
0x1aa: {  	v6 =	vor.u32 v6, v7  }
0x1ab: {  	v7 =	vperm.xlane v6, v2;
	_ =	sdelay $0x1  }
0x1ac: {  	v6 =	vperm.xlane v6, v5;
	v7 =	vadd.s32 v4, v7;
	_ =	sdelay $0x1  }
0x1ad: {  	v6 =	vadd.s32 v4, v6;
	_ =	sdelay $0x2  }
0x1ae: {  	[tilespmem:s30], [sflag:$0x1] =	stream.indirect_vreg.gather [hbm4b:s4+s2], $0x80, v7, vm0, $0xb8;
	[tilespmem:$0x10500] =	vst v63  }
0x1af: {  	_ = 	snop  }
0x1b0: {  	[tilespmem:s31], [sflag:$0x1] =	stream.indirect_vreg.gather [hbm4b:s4+s2], $0x80, v6, vm0, $0xb8;
	[tilespmem:$0x10500] =	vst v63  }
0x1b1: {  	v6 =	vld [tilespmem:$0x270];
	_ =	sdelay $0x4  }
0x1b2: {  	v7 =	vshll.u32 v6, $0x1  }
0x1b3: {  	v6 =	vand.u32 $0x7, v6;
	v7 =	vand.u32 $0xFFFFFFF0, v7  }
0x1b4: {  	v6 =	vor.u32 v6, v7  }
0x1b5: {  	v7 =	vperm.xlane v6, v2;
	_ =	sdelay $0x1  }
0x1b6: {  	v6 =	vperm.xlane v6, v5;
	v7 =	vadd.s32 v4, v7;
	_ =	sdelay $0x1  }
0x1b7: {  	v6 =	vadd.s32 v4, v6;
	_ =	sdelay $0x2  }
0x1b8: {  	[tilespmem:s1], [sflag:$0x1] =	stream.indirect_vreg.gather [hbm4b:s4+s2], $0x80, v7, vm0, $0xb8;
	[tilespmem:$0x10500] =	vst v63  }
0x1b9: {  	s1 =	simm.s32 $0x2  }
0x1ba: {  	[tilespmem:s3], [sflag:$0x1] =	stream.indirect_vreg.gather [hbm4b:s4+s2], $0x80, v6, vm0, $0xb8;
	[tilespmem:$0x10500] =	vst v63  }
0x1bb: {  	_ =	swait.ge [sflag:s1], $0x8000  }
0x1bc: {  	[sflag:s1] =	ssyncset.done $0x0  }
0x1bd: {  	s3 =	rddreg [dreg:$0x9];
	[sflag:s1] =	ssyncadd.s32 $0xFFFF8000  }
0x1be: {  	[hbm4b:s3+s2] =	stream.linear.scatter [tilespmem:s14], [sflag:$0x3], $0x8000, $0x38;
	[tilespmem:$0x10500] =	vst v63  }
0x1bf: {  	_ =	swait.ge [sflag:s6], $0x8000  }
0x1c0: {  	[sflag:s6] =	ssyncset.done $0x0  }
0x1c1: {  	[sflag:s6] =	ssyncadd.s32 $0xFFFF8000  }
0x1c2: {  	v6 =	vld [tilespmem:$0x280];
	_ =	sdelay $0x4  }
0x1c3: {  	v7 =	vshll.u32 v6, $0x1  }
0x1c4: {  	v6 =	vand.u32 $0x7, v6;
	v7 =	vand.u32 $0xFFFFFFF0, v7  }
0x1c5: {  	v6 =	vor.u32 v6, v7  }
0x1c6: {  	v7 =	vperm.xlane v6, v2;
	_ =	sdelay $0x1  }
0x1c7: {  	v6 =	vperm.xlane v6, v5;
	v7 =	vadd.s32 v4, v7;
	_ =	sdelay $0x1  }
0x1c8: {  	v6 =	vadd.s32 v4, v6;
	_ =	sdelay $0x2  }
0x1c9: {  	[tilespmem:s14], [sflag:$0x2] =	stream.indirect_vreg.gather [hbm4b:s4+s2], $0x80, v7, vm0, $0xb8;
	[tilespmem:$0x10500] =	vst v63  }
0x1ca: {  	_ = 	snop  }
0x1cb: {  	[tilespmem:s8], [sflag:$0x2] =	stream.indirect_vreg.gather [hbm4b:s4+s2], $0x80, v6, vm0, $0xb8;
	[tilespmem:$0x10500] =	vst v63  }
0x1cc: {  	v6 =	vld [tilespmem:$0x290];
	_ =	sdelay $0x4  }
0x1cd: {  	v7 =	vshll.u32 v6, $0x1  }
0x1ce: {  	v6 =	vand.u32 $0x7, v6;
	v7 =	vand.u32 $0xFFFFFFF0, v7  }
0x1cf: {  	v6 =	vor.u32 v6, v7  }
0x1d0: {  	v7 =	vperm.xlane v6, v2;
	_ =	sdelay $0x1  }
0x1d1: {  	v6 =	vperm.xlane v6, v5;
	v7 =	vadd.s32 v4, v7;
	_ =	sdelay $0x1  }
0x1d2: {  	v6 =	vadd.s32 v4, v6;
	_ =	sdelay $0x2  }
0x1d3: {  	[tilespmem:s9], [sflag:$0x2] =	stream.indirect_vreg.gather [hbm4b:s4+s2], $0x80, v7, vm0, $0xb8;
	[tilespmem:$0x10500] =	vst v63  }
0x1d4: {  	_ = 	snop  }
0x1d5: {  	[tilespmem:s10], [sflag:$0x2] =	stream.indirect_vreg.gather [hbm4b:s4+s2], $0x80, v6, vm0, $0xb8;
	[tilespmem:$0x10500] =	vst v63  }
0x1d6: {  	v6 =	vld [tilespmem:$0x2A0];
	_ =	sdelay $0x4  }
0x1d7: {  	v7 =	vshll.u32 v6, $0x1  }
0x1d8: {  	v6 =	vand.u32 $0x7, v6;
	v7 =	vand.u32 $0xFFFFFFF0, v7  }
0x1d9: {  	v6 =	vor.u32 v6, v7  }
0x1da: {  	v7 =	vperm.xlane v6, v2;
	_ =	sdelay $0x1  }
0x1db: {  	v6 =	vperm.xlane v6, v5;
	v7 =	vadd.s32 v4, v7;
	_ =	sdelay $0x1  }
0x1dc: {  	v6 =	vadd.s32 v4, v6;
	_ =	sdelay $0x2  }
0x1dd: {  	[tilespmem:s11], [sflag:$0x2] =	stream.indirect_vreg.gather [hbm4b:s4+s2], $0x80, v7, vm0, $0xb8;
	[tilespmem:$0x10500] =	vst v63  }
0x1de: {  	_ = 	snop  }
0x1df: {  	[tilespmem:s12], [sflag:$0x2] =	stream.indirect_vreg.gather [hbm4b:s4+s2], $0x80, v6, vm0, $0xb8;
	[tilespmem:$0x10500] =	vst v63  }
0x1e0: {  	v6 =	vld [tilespmem:$0x2B0];
	_ =	sdelay $0x4  }
0x1e1: {  	v7 =	vshll.u32 v6, $0x1  }
0x1e2: {  	v6 =	vand.u32 $0x7, v6;
	v7 =	vand.u32 $0xFFFFFFF0, v7  }
0x1e3: {  	v6 =	vor.u32 v6, v7  }
0x1e4: {  	v7 =	vperm.xlane v6, v2;
	_ =	sdelay $0x1  }
0x1e5: {  	v6 =	vperm.xlane v6, v5;
	v7 =	vadd.s32 v4, v7;
	_ =	sdelay $0x1  }
0x1e6: {  	v6 =	vadd.s32 v4, v6;
	_ =	sdelay $0x2  }
0x1e7: {  	[tilespmem:s13], [sflag:$0x2] =	stream.indirect_vreg.gather [hbm4b:s4+s2], $0x80, v7, vm0, $0xb8;
	[tilespmem:$0x10500] =	vst v63  }
0x1e8: {  	s17 =	simm.s32 $0xBD00  }
0x1e9: {  	[tilespmem:s17], [sflag:$0x2] =	stream.indirect_vreg.gather [hbm4b:s4+s2], $0x80, v6, vm0, $0xb8;
	[tilespmem:$0x10500] =	vst v63  }
0x1ea: {  	v6 =	vld [tilespmem:$0x2C0];
	_ =	sdelay $0x4  }
0x1eb: {  	v7 =	vshll.u32 v6, $0x1  }
0x1ec: {  	v6 =	vand.u32 $0x7, v6;
	v7 =	vand.u32 $0xFFFFFFF0, v7  }
0x1ed: {  	v6 =	vor.u32 v6, v7  }
0x1ee: {  	v7 =	vperm.xlane v6, v2;
	_ =	sdelay $0x1  }
0x1ef: {  	v6 =	vperm.xlane v6, v5;
	v7 =	vadd.s32 v4, v7;
	_ =	sdelay $0x1  }
0x1f0: {  	v6 =	vadd.s32 v4, v6;
	_ =	sdelay $0x1  }
0x1f1: {  	s16 =	simm.s32 $0xC500  }
0x1f2: {  	[tilespmem:s16], [sflag:$0x2] =	stream.indirect_vreg.gather [hbm4b:s4+s2], $0x80, v7, vm0, $0xb8;
	[tilespmem:$0x10500] =	vst v63  }
0x1f3: {  	_ = 	snop  }
0x1f4: {  	[tilespmem:s15], [sflag:$0x2] =	stream.indirect_vreg.gather [hbm4b:s4+s2], $0x80, v6, vm0, $0xb8;
	[tilespmem:$0x10500] =	vst v63  }
0x1f5: {  	v6 =	vld [tilespmem:$0x2D0];
	_ =	sdelay $0x4  }
0x1f6: {  	v7 =	vshll.u32 v6, $0x1  }
0x1f7: {  	v6 =	vand.u32 $0x7, v6;
	v7 =	vand.u32 $0xFFFFFFF0, v7  }
0x1f8: {  	v6 =	vor.u32 v6, v7  }
0x1f9: {  	v7 =	vperm.xlane v6, v2;
	_ =	sdelay $0x1  }
0x1fa: {  	v6 =	vperm.xlane v6, v5;
	v7 =	vadd.s32 v4, v7;
	_ =	sdelay $0x1  }
0x1fb: {  	v6 =	vadd.s32 v4, v6;
	_ =	sdelay $0x2  }
0x1fc: {  	[tilespmem:s23], [sflag:$0x2] =	stream.indirect_vreg.gather [hbm4b:s4+s2], $0x80, v7, vm0, $0xb8;
	[tilespmem:$0x10500] =	vst v63  }
0x1fd: {  	s17 =	simm.s32 $0xDD00  }
0x1fe: {  	[tilespmem:s17], [sflag:$0x2] =	stream.indirect_vreg.gather [hbm4b:s4+s2], $0x80, v6, vm0, $0xb8;
	[tilespmem:$0x10500] =	vst v63  }
0x1ff: {  	v6 =	vld [tilespmem:$0x2E0];
	_ =	sdelay $0x4  }
0x200: {  	v7 =	vshll.u32 v6, $0x1  }
0x201: {  	v6 =	vand.u32 $0x7, v6;
	v7 =	vand.u32 $0xFFFFFFF0, v7  }
0x202: {  	v6 =	vor.u32 v6, v7  }
0x203: {  	v7 =	vperm.xlane v6, v2;
	_ =	sdelay $0x1  }
0x204: {  	v6 =	vperm.xlane v6, v5;
	v7 =	vadd.s32 v4, v7;
	_ =	sdelay $0x1  }
0x205: {  	v6 =	vadd.s32 v4, v6;
	_ =	sdelay $0x1  }
0x206: {  	s16 =	simm.s32 $0xE500  }
0x207: {  	[tilespmem:s16], [sflag:$0x2] =	stream.indirect_vreg.gather [hbm4b:s4+s2], $0x80, v7, vm0, $0xb8;
	[tilespmem:$0x10500] =	vst v63  }
0x208: {  	s17 =	simm.s32 $0xED00  }
0x209: {  	[tilespmem:s17], [sflag:$0x2] =	stream.indirect_vreg.gather [hbm4b:s4+s2], $0x80, v6, vm0, $0xb8;
	[tilespmem:$0x10500] =	vst v63  }
0x20a: {  	v6 =	vld [tilespmem:$0x2F0];
	_ =	sdelay $0x4  }
0x20b: {  	v7 =	vshll.u32 v6, $0x1  }
0x20c: {  	v6 =	vand.u32 $0x7, v6;
	v7 =	vand.u32 $0xFFFFFFF0, v7  }
0x20d: {  	v6 =	vor.u32 v6, v7  }
0x20e: {  	v7 =	vperm.xlane v6, v2;
	_ =	sdelay $0x1  }
0x20f: {  	v6 =	vperm.xlane v6, v5;
	v7 =	vadd.s32 v4, v7;
	_ =	sdelay $0x1  }
0x210: {  	v6 =	vadd.s32 v4, v6;
	_ =	sdelay $0x1  }
0x211: {  	s16 =	simm.s32 $0xF500  }
0x212: {  	[tilespmem:s16], [sflag:$0x2] =	stream.indirect_vreg.gather [hbm4b:s4+s2], $0x80, v7, vm0, $0xb8;
	[tilespmem:$0x10500] =	vst v63  }
0x213: {  	s17 =	simm.s32 $0xFD00  }
0x214: {  	[tilespmem:s17], [sflag:$0x2] =	stream.indirect_vreg.gather [hbm4b:s4+s2], $0x80, v6, vm0, $0xb8;
	[tilespmem:$0x10500] =	vst v63  }
0x215: {  	_ =	swait.ge [sflag:s0], $0x8000  }
0x216: {  	[sflag:s0] =	ssyncset.done $0x0  }
0x217: {  	s5 =	simm.s32 $0x500;
	s3 =	rddreg [dreg:$0xa];
	[sflag:s0] =	ssyncadd.s32 $0xFFFF8000  }
0x218: {  	[hbm4b:s3+s2] =	stream.linear.scatter [tilespmem:s5], [sflag:$0x3], $0x8000, $0x38;
	[tilespmem:$0x10500] =	vst v63  }
0x219: {  	_ =	swait.ge [sflag:s6], $0x8000  }
0x21a: {  	[sflag:s6] =	ssyncset.done $0x0  }
0x21b: {  	[sflag:s6] =	ssyncadd.s32 $0xFFFF8000  }
0x21c: {  	_ =	swait.ge [sflag:s1], $0x8000  }
0x21d: {  	p0 =	sne.s32 s7, $0x1;
	[sflag:s1] =	ssyncset.done $0x0  }
.Ltmp0:
0x21e: {  	s17 =	rddreg [dreg:$0xb];
	[sflag:s1] =	ssyncadd.s32 $0xFFFF8000;
	(pc) =	sbr.rel @p0 .LBB2_1-.Ltmp0, $4  }
0x21f: {  	[hbm4b:s17+s2] =	stream.linear.scatter [tilespmem:s14], [sflag:$0x3], $0x8000, $0x38;
	[tilespmem:$0x10500] =	vst v63  }
0x220: {  	_ =	swait.ge [sflag:s6], $0x8000  }
0x221: {  	[sflag:s6] =	ssyncset.done $0x0  }
0x222: {  	s7 =	sadd.s32 $0xFFFFFFFF, s7;
	[sflag:s6] =	ssyncadd.s32 $0xFFFF8000  }
0x223: {  	_ =	sfence.sel $0x180000  }
0x224: {  	[bflag:$0x0] =	sbarrier.arrive $0xFFFF  }
0x225: {  	_ =	strace $0x90000047  }
0x226: {  	s0 =	stileid.u32;
	[bflag:$0x2] =	sbarrier.arrive $0xFFFF  }
0x227: {  	p0 =	sne.s32 s0, $0x0;
	s0 =	rddreg [dreg:$0x2]  }
0x228: {  	s0 =	sadd.s32 @!p0 $0x100000, s0  }
0x229: {  	[sflag:s0] =	ssyncadd.tile.s32 @!p0 $0x1;
	_ =	shalt  }
.Lfunc_end2:
_tile_overlayer_lowered:
.L_overlay_start_2:
0x22a: {  	(tag) =	ssettag $0x2  }
0x22b: {  	s0 =	rddreg [dreg:$0x0];
	s2 =	stileid.u32  }
0x22c: {  	s1 =	rddreg [dreg:$0x1];
	p0 =	sne.s32 s2, $0x0  }
0x22d: {  	s3 =	rddreg [dreg:$0x2];
	[bflag:$0x3] =	sbarrier.arrive $0xFFFF;
	s2 =	simm.s32 @!p0 $0x1C03  }
0x22e: {  	[timem:s3], [sflag:s2] =	dma.local @!p0 [hbm:s0], s1  }
0x22f: {  	s0 =	simm.s32 @!p0 $0x3  }
0x230: {  	_ =	swait.ge @!p0 [sflag:s0], s1  }
0x231: {  	s1 =	ssub.s32 @!p0 $0x0, s1;
	[sflag:s0] =	ssyncset.done @!p0 $0x0  }
0x232: {  	[sflag:s0] =	ssyncadd.s32 @!p0 s1  }
0x233: {  	[bflag:$0x3] =	sbarrier.arrive $0xFFFF  }
0x234: {  	_ =	shalt  }

</sc_bundles>
